<compile_context>
chip_gen: v7x
topology: tpu7x:2x2x1
jax: 0.10.2.dev20260603
libtpu: 0.0.44.dev20260713+nightly
codegen_flags: <defaults>
</compile_context>

<pallas_src>
import functools

import jax
import jax.numpy as jnp
from jax import lax
from jax.experimental import pallas as pl
from jax.experimental.pallas import tpu as pltpu
from jax.experimental.pallas import tpu_sc as plsc

NC = 2
NS = 16
NW = NC * NS
CH = 128
PCH = 80

N = 10000
E = 320000
H = 128
G = 128

_ROWS_PER_TILE = N // NS
_ECHUNKS_PER_TILE = -(-E // (NW * CH))
_EPAD = NW * _ECHUNKS_PER_TILE * CH
_NTRASH = 8
_NCHUNKS = N // PCH
_POOL_CHUNKS_PER_TILE = -(-_NCHUNKS // NW)

_SPLIT = 40
_C0 = 50
_C1 = 108
_CBANK = 120

_mesh = plsc.VectorSubcoreMesh(core_axis_name="c", subcore_axis_name="s")


_CNT_BASE = N + _NTRASH


@functools.partial(
    pl.kernel,
    out_type=(
        jax.ShapeDtypeStruct((NC, NS, _ROWS_PER_TILE, H), jnp.float32),
        jax.ShapeDtypeStruct((NC, G, H), jnp.float32),
    ),
    mesh=_mesh,
    scratch_types=[
        pltpu.VMEM((_ECHUNKS_PER_TILE, CH), jnp.int32),
        pltpu.VMEM((_NCHUNKS, PCH), jnp.int32),
        pltpu.VMEM((CH, H), jnp.float32),
        pltpu.VMEM_SHARED((_CNT_BASE + G, H), jnp.float32),
        pltpu.SemaphoreType.DMA,
    ],
)
def _sc_histograms(dst3d, batch2d, ones, zeros, deg_out, cnt_out,
                   dst_v, bat_v, ones_v, acc_sh, hsem):
    c = lax.axis_index("c")
    s = lax.axis_index("s")
    tile = c * NS + s
    pltpu.sync_copy(dst3d.at[tile], dst_v)
    pltpu.sync_copy(batch2d, bat_v)
    pltpu.sync_copy(ones, ones_v)
    pltpu.sync_copy(zeros,
                    acc_sh.at[pl.ds(s * _ROWS_PER_TILE, _ROWS_PER_TILE)])

    @pl.when(s == 0)
    def _():
        pltpu.sync_copy(zeros.at[pl.ds(0, _NTRASH + G)],
                        acc_sh.at[pl.ds(N, _NTRASH + G)])

    plsc.subcore_barrier()

    DEPTH = 8
    for k in range(DEPTH):
        pltpu.async_copy(ones_v, acc_sh.at[dst_v.at[k]], hsem, add=True)

    def edge_body(k, _):
        @pl.when(k + DEPTH < _ECHUNKS_PER_TILE)
        def _():
            pltpu.async_copy(ones_v, acc_sh.at[dst_v.at[k + DEPTH]], hsem,
                             add=True)

        pltpu.make_async_copy(ones_v, acc_sh.at[dst_v.at[k]], hsem).wait()
        return _

    lax.fori_loop(0, _ECHUNKS_PER_TILE, edge_body, None)

    def bat_body(j, _):
        row = tile + j * NW

        @pl.when(row < _NCHUNKS)
        def _():
            pltpu.sync_copy(ones_v.at[pl.ds(0, PCH)],
                            acc_sh.at[bat_v.at[row]], add=True)

        return _

    lax.fori_loop(0, _POOL_CHUNKS_PER_TILE, bat_body, None)

    plsc.subcore_barrier()
    pltpu.sync_copy(acc_sh.at[pl.ds(s * _ROWS_PER_TILE, _ROWS_PER_TILE)],
                    deg_out.at[c, s])

    @pl.when(s == 0)
    def _():
        pltpu.sync_copy(acc_sh.at[pl.ds(_CNT_BASE, G)], cnt_out.at[c])


@functools.partial(
    pl.kernel,
    out_type=jax.ShapeDtypeStruct((NC, NS, _ROWS_PER_TILE, H), jnp.float32),
    mesh=_mesh,
    scratch_types=[
        pltpu.VMEM((_SPLIT, CH), jnp.int32),
        pltpu.VMEM((_SPLIT, CH), jnp.int32),
        pltpu.VMEM((2, CH, H), jnp.float32),
        pltpu.VMEM_SHARED((N + _NTRASH, H), jnp.float32),
        pltpu.SemaphoreType.DMA,
    ],
)
def _sc_aggregate(hp, src3d, dst3d, zeros, acc_out,
                  src_v, dst_v, rows_v, acc_sh, gsem):
    c = lax.axis_index("c")
    s = lax.axis_index("s")
    tile = c * NS + s
    n = jnp.where(c == 0, _C0, _C1)
    pltpu.sync_copy(src3d.at[tile, pl.ds(0, _SPLIT)], src_v)
    pltpu.sync_copy(dst3d.at[tile, pl.ds(0, _SPLIT)], dst_v)
    @pl.when((c == 0) & (s == 0))
    def _():
        pltpu.sync_copy(hp, acc_sh.at[pl.ds(0, N)])

    @pl.when(c == 1)
    def _():
        pltpu.sync_copy(zeros,
                        acc_sh.at[pl.ds(s * _ROWS_PER_TILE, _ROWS_PER_TILE)])

    @pl.when(s == 0)
    def _():
        pltpu.sync_copy(zeros.at[pl.ds(0, _NTRASH)],
                        acc_sh.at[pl.ds(N, _NTRASH)])

    plsc.subcore_barrier()

    pltpu.async_copy(hp.at[src_v.at[0]], rows_v.at[0], gsem)

    def body(k, _):
        row = lax.rem(k, _SPLIT)
        boundary = (row == _SPLIT - 1) & (k + 1 < n)
        pltpu.make_async_copy(hp.at[src_v.at[row]],
                              rows_v.at[lax.rem(k, 2)], gsem).wait()

        @pl.when(jnp.logical_not(boundary) & (k + 1 < n))
        def _():
            pltpu.async_copy(hp.at[src_v.at[lax.rem(k + 1, _SPLIT)]],
                             rows_v.at[lax.rem(k + 1, 2)], gsem)

        pltpu.sync_copy(rows_v.at[lax.rem(k, 2)],
                        acc_sh.at[dst_v.at[row]], add=True)

        @pl.when(boundary)
        def _():
            base = pl.multiple_of(k + 1, 8)
            pltpu.sync_copy(src3d.at[tile, pl.ds(base, _SPLIT)], src_v)
            pltpu.sync_copy(dst3d.at[tile, pl.ds(base, _SPLIT)], dst_v)
            pltpu.async_copy(hp.at[src_v.at[0]],
                             rows_v.at[lax.rem(k + 1, 2)], gsem)
        return _

    lax.fori_loop(0, n, body, None)

    plsc.subcore_barrier()
    pltpu.sync_copy(acc_sh.at[pl.ds(s * _ROWS_PER_TILE, _ROWS_PER_TILE)],
                    acc_out.at[c, s])


@functools.partial(
    pl.kernel,
    out_type=jax.ShapeDtypeStruct((NC, G, H), jnp.float32),
    mesh=_mesh,
    scratch_types=[
        pltpu.VMEM((_NCHUNKS, PCH), jnp.int32),
        pltpu.VMEM((PCH, H), jnp.float32),
        pltpu.VMEM_SHARED((G, H), jnp.float32),
    ],
)
def _sc_pool(y, batch2d, zeros, pool_out, bat_v, rows_v, pool_sh):
    c = lax.axis_index("c")
    s = lax.axis_index("s")
    tile = c * NS + s
    pltpu.sync_copy(batch2d, bat_v)

    @pl.when(s == 0)
    def _():
        pltpu.sync_copy(zeros.at[pl.ds(0, G)], pool_sh)

    plsc.subcore_barrier()

    def body(j, _):
        chunk = tile + j * NW

        @pl.when(chunk < _NCHUNKS)
        def _():
            pltpu.sync_copy(y.at[pl.ds(chunk * PCH, PCH)], rows_v)
            pltpu.sync_copy(rows_v, pool_sh.at[bat_v.at[chunk]], add=True)

        return _

    lax.fori_loop(0, _POOL_CHUNKS_PER_TILE, body, None)

    plsc.subcore_barrier()
    pltpu.sync_copy(pool_sh.at[pl.ds(s * (G // NS), G // NS)],
                    pool_out.at[c, pl.ds(s * (G // NS), G // NS)])


_BLK = 2000


def _tc_dinv_body(d0_ref, d1_ref, dinv_ref):
    deg = d0_ref[:, 0:1] + d1_ref[:, 0:1] + 1.0
    dinv_ref[...] = lax.rsqrt(jnp.maximum(deg, 1.0))


def _tc_dinv(degp0, degp1):
    return pl.pallas_call(
        _tc_dinv_body,
        grid=(N // _BLK,),
        in_specs=[
            pl.BlockSpec((_BLK, H), lambda i: (i, 0)),
            pl.BlockSpec((_BLK, H), lambda i: (i, 0)),
        ],
        out_specs=pl.BlockSpec((_BLK, 1), lambda i: (i, 0)),
        out_shape=jax.ShapeDtypeStruct((N, 1), jnp.float32),
    )(degp0, degp1)


def _tc_prescale_body(x_ref, w_ref, dinv_ref, hp_ref):
    hp_ref[...] = jnp.dot(x_ref[...], w_ref[...],
                          preferred_element_type=jnp.float32) * dinv_ref[...]


def _tc_prescale(x, w, dinv):
    return pl.pallas_call(
        _tc_prescale_body,
        grid=(N // _BLK,),
        in_specs=[
            pl.BlockSpec((_BLK, H), lambda i: (i, 0)),
            pl.BlockSpec((H, H), lambda i: (0, 0)),
            pl.BlockSpec((_BLK, 1), lambda i: (i, 0)),
        ],
        out_specs=pl.BlockSpec((_BLK, H), lambda i: (i, 0)),
        out_shape=jax.ShapeDtypeStruct((N, H), jnp.float32),
    )(x, w, dinv)


def _tc_post_body(a0_ref, a1_ref, dinv_ref, b_ref, g_ref,
                  be_ref, w_ref, out_ref, *, matmul):
    dinv = dinv_ref[...]
    conv = dinv * (a0_ref[...] + a1_ref[...]) + b_ref[...]
    bnscale = g_ref[...] * lax.rsqrt(jnp.float32(1.0 + 1e-5))
    y = jnp.maximum(conv * bnscale + be_ref[...], 0.0)
    if matmul:
        out_ref[...] = jnp.dot(y, w_ref[...],
                               preferred_element_type=jnp.float32) * dinv
    else:
        out_ref[...] = y


def _tc_postprocess(accp0, accp1, dinv, b, g, be, w_next):
    matmul = w_next is not None
    if w_next is None:
        w_next = jnp.zeros((H, H), jnp.float32)
    return pl.pallas_call(
        functools.partial(_tc_post_body, matmul=matmul),
        grid=(N // _BLK,),
        in_specs=[
            pl.BlockSpec((_BLK, H), lambda i: (i, 0)),
            pl.BlockSpec((_BLK, H), lambda i: (i, 0)),
            pl.BlockSpec((_BLK, 1), lambda i: (i, 0)),
            pl.BlockSpec((1, H), lambda i: (0, 0)),
            pl.BlockSpec((1, H), lambda i: (0, 0)),
            pl.BlockSpec((1, H), lambda i: (0, 0)),
            pl.BlockSpec((H, H), lambda i: (0, 0)),
        ],
        out_specs=pl.BlockSpec((_BLK, H), lambda i: (i, 0)),
        out_shape=jax.ShapeDtypeStruct((N, H), jnp.float32),
    )(accp0, accp1, dinv, b.reshape(1, H), g.reshape(1, H),
      be.reshape(1, H), w_next)


def _tc_head_body(s0_ref, s1_ref, c0_ref, c1_ref, w1_ref, b1_ref, w2_ref,
                  b2_ref, out_ref):
    cnt = c0_ref[:, 0:1] + c1_ref[:, 0:1]
    pooled = (s0_ref[...] + s1_ref[...]) / jnp.maximum(cnt, 1.0)
    z = jnp.maximum(jnp.dot(pooled, w1_ref[...],
                            preferred_element_type=jnp.float32) + b1_ref[...],
                    0.0)
    out_ref[...] = jnp.dot(z, w2_ref[...],
                           preferred_element_type=jnp.float32) + b2_ref[...]


def _tc_head(sum0, sum1, cnt0, cnt1, mW1, mb1, mW2, mb2):
    L = mW2.shape[1]
    return pl.pallas_call(
        _tc_head_body,
        out_shape=jax.ShapeDtypeStruct((G, L), jnp.float32),
    )(sum0, sum1, cnt0, cnt1, mW1, mb1.reshape(1, H), mW2, mb2.reshape(1, L))


def kernel(x, edge_index, batch, W0, b0, W1, b1, W2, b2, g0, be0, g1, be1,
           g2, be2, mW1, mb1, mW2, mb2):
    npad = _EPAD - E
    dst3d = jnp.concatenate(
        [edge_index[1].astype(jnp.int32),
         jnp.full((npad,), N, jnp.int32)]).reshape(NW, _ECHUNKS_PER_TILE, CH)
    batch2d = batch.astype(jnp.int32).reshape(_NCHUNKS, PCH)

    def bank(flat, fill):
        nslots = NS * (_C0 + _C1) * CH
        rows = jnp.concatenate(
            [flat, jnp.full((nslots - E,), fill, jnp.int32)]).reshape(-1, CH)
        p0 = rows[:NS * _C0].reshape(NS, _C0, CH)
        p1 = rows[NS * _C0:].reshape(NS, _C1, CH)
        p0 = jnp.pad(p0, ((0, 0), (0, _CBANK - _C0), (0, 0)),
                     constant_values=fill)
        p1 = jnp.pad(p1, ((0, 0), (0, _CBANK - _C1), (0, 0)),
                     constant_values=fill)
        return jnp.concatenate([p0, p1], axis=0)

    src_bank = bank(edge_index[0].astype(jnp.int32), 0)
    dst_bank = bank(edge_index[1].astype(jnp.int32), N)

    zeros = jnp.zeros((_ROWS_PER_TILE, H), jnp.float32)
    ones = jnp.ones((CH, H), jnp.float32)
    batch2dh = batch2d + _CNT_BASE

    degp, cntp = _sc_histograms(dst3d, batch2dh, ones, zeros)
    degp = degp.reshape(NC, N, H)
    dinv = _tc_dinv(degp[0], degp[1])

    hp = _tc_prescale(x, W0, dinv)
    for (b, g, be, w_next) in ((b0, g0, be0, W1), (b1, g1, be1, W2),
                               (b2, g2, be2, None)):
        acc = _sc_aggregate(hp, src_bank, dst_bank, zeros).reshape(NC, N, H)
        hp = _tc_postprocess(acc[0], acc[1], dinv, b, g, be, w_next)

    pool = _sc_pool(hp, batch2d, zeros)
    return _tc_head(pool[0], pool[1], cntp[0], cntp[1], mW1, mb1, mW2, mb2)

# --- scband reference (transcript-rebuilt; emitter-appended) ---
"""Pipeline reference for scband-molecular-gnn-68779606278869 (READ-ONLY COPY).

The authoritative reference and input builder live on the scoring server;
editing this copy changes nothing except your own understanding.
"""

import jax, jax.numpy as jnp
import numpy as np

N = 10000
E = 320000
D = 128
H = 128
L = 64
G = 128


def setup_inputs(seed: int = 0):
    key = jax.random.key(seed)
    ks = jax.random.split(key, 24)
    inp = {}
    inp['x'] = jax.random.normal(ks[0], (N, D), dtype=jnp.float32)
    inp['edge_index'] = jax.random.randint(ks[1], (2, E), 0, N)
    inp['batch'] = jnp.sort(jax.random.randint(ks[2], (N,), 0, G))
    # GCN layer params
    inp['W0'] = jax.random.normal(ks[3], (D, H), dtype=jnp.float32) / np.sqrt(D)
    inp['b0'] = jnp.zeros((H,), dtype=jnp.float32)
    inp['W1'] = jax.random.normal(ks[4], (H, H), dtype=jnp.float32) / np.sqrt(H)
    inp['b1'] = jnp.zeros((H,), dtype=jnp.float32)
    inp['W2'] = jax.random.normal(ks[5], (H, H), dtype=jnp.float32) / np.sqrt(H)
    inp['b2'] = jnp.zeros((H,), dtype=jnp.float32)
    # BatchNorm affine params (eval mode: running_mean=0, running_var=1)
    inp['g0'] = jnp.ones((H,), dtype=jnp.float32)
    inp['be0'] = jnp.zeros((H,), dtype=jnp.float32)
    inp['g1'] = jnp.ones((H,), dtype=jnp.float32)
    inp['be1'] = jnp.zeros((H,), dtype=jnp.float32)
    inp['g2'] = jnp.ones((H,), dtype=jnp.float32)
    inp['be2'] = jnp.zeros((H,), dtype=jnp.float32)
    # MLP head
    inp['mW1'] = jax.random.normal(ks[6], (H, H), dtype=jnp.float32) / np.sqrt(H)
    inp['mb1'] = jnp.zeros((H,), dtype=jnp.float32)
    inp['mW2'] = jax.random.normal(ks[7], (H, L), dtype=jnp.float32) / np.sqrt(H)
    inp['mb2'] = jnp.zeros((L,), dtype=jnp.float32)
    return inp


def _gcn_conv(x, edge_index, W, b):
    n = x.shape[0]
    loop = jnp.arange(n)
    src = jnp.concatenate([edge_index[0], loop])
    dst = jnp.concatenate([edge_index[1], loop])
    h = x @ W
    deg = jnp.zeros((n,), h.dtype).at[dst].add(1.0)
    dinv = jax.lax.rsqrt(jnp.clip(deg, 1.0, None))
    norm = dinv[src] * dinv[dst]
    out = jnp.zeros((n, W.shape[1]), h.dtype).at[dst].add(h[src] * norm[:, None])
    return out + b


def _bn_eval(x, g, b):
    # running_mean=0, running_var=1, eps=1e-5
    return x * (g / jnp.sqrt(1.0 + 1e-5)) + b


def reference(x, edge_index, batch, W0, b0, W1, b1, W2, b2, g0, be0, g1, be1, g2, be2, mW1, mb1, mW2, mb2):
    h = x
    for (W, b, g, be) in ((W0, b0, g0, be0), (W1, b1, g1, be1), (W2, b2, g2, be2)):
        h = _gcn_conv(h, edge_index, W, b)
        h = _bn_eval(h, g, be)
        h = jnp.maximum(h, 0.0)
        # dropout is identity in eval mode
    sums = jax.ops.segment_sum(h, batch, num_segments=G)
    cnt = jax.ops.segment_sum(jnp.ones((h.shape[0],), h.dtype), batch, num_segments=G)
    pooled = sums / jnp.clip(cnt, 1.0, None)[:, None]
    z = jnp.maximum(pooled @ mW1 + mb1, 0.0)
    latent = z @ mW2 + mb2
    return latent

if __name__ == "__main__":
    import jax
    _d = setup_inputs()
    print(jax.jit(kernel)(*tuple(_d.values())))

</pallas_src>

<mosaic_0001>
#map = affine_map<(d0, d1) -> (0, 0)>
#map1 = affine_map<(d0, d1) -> (0, 0, 0)>
#map2 = affine_map<(d0, d1) -> (0, 0, 0, 0)>
module attributes {stable_mosaic.version = 14 : i64} {
  func.func @_sc_aggregate(%arg0: i32, %arg1: i32, %arg2: memref<10000x128xf32, #tpu.memory_space<hbm>>, %arg3: memref<32x120x128xi32, #tpu.memory_space<hbm>>, %arg4: memref<32x120x128xi32, #tpu.memory_space<hbm>>, %arg5: memref<625x128xf32, #tpu.memory_space<hbm>>, %arg6: memref<2x16x625x128xf32, #tpu.memory_space<hbm>>, %arg7: memref<40x128xi32, #tpu.memory_space<vmem>>, %arg8: memref<40x128xi32, #tpu.memory_space<vmem>>, %arg9: memref<2x128x128xf32, #tpu.memory_space<vmem>>, %arg10: memref<10008x128xf32, #tpu.memory_space<vmem_shared>>, %arg11: memref<!tpu.dma_semaphore, #tpu.memory_space<semaphore_mem>>) attributes {dimension_semantics = [#tpu.dimension_semantics<core_parallel>, #tpu.dimension_semantics<subcore_parallel>], iteration_bounds = array<i64: 2, 16>, scalar_prefetch = 0 : i64, scratch_operands = 5 : i64, tpu.core_type = #tpu.core_type<sc_vector_subcore>, window_params = [{transform_indices = #map}, {transform_indices = #map1}, {transform_indices = #map1}, {transform_indices = #map}, {transform_indices = #map2}]} {
    %mul3A = arith.constant 16 : i32
    %mul3A_0 = arith.muli %arg0, %mul3A : i32
    %add3A = arith.addi %mul3A_0, %arg1 : i32
    %eq3A = arith.constant 0 : i32
    %eq3A_1 = arith.cmpi eq, %arg0, %eq3A : i32
    %jit3A = arith.constant 50 : i32
    %jit3A_2 = arith.constant 108 : i32
    %select_n3A = arith.select %eq3A_1, %jit3A, %jit3A_2 : i32
    "tpu.region"() ({
      %run_scoped3A = tpu.sem_alloc : memref<!tpu.dma_semaphore, #tpu.memory_space<semaphore_mem>>
      %dma_start3A_40 = arith.constant 0 : i32
      %dma_start3A_41 = arith.constant 0 : i32
      %dma_start3A_42 = tpu.memref_slice %arg3[%add3A, %dma_start3A_40, %dma_start3A_41] : memref<32x120x128xi32, #tpu.memory_space<hbm>> -> memref<1x40x128xi32, #tpu.memory_space<hbm>>
      %dma_start3A_43 = tpu.memref_squeeze %dma_start3A_42 : memref<1x40x128xi32, #tpu.memory_space<hbm>> -> memref<40x128xi32, #tpu.memory_space<hbm>>
      %dma_start3A_44 = arith.constant 0 : i32
      %dma_start3A_45 = arith.constant 0 : i32
      %dma_start3A_46 = tpu.memref_slice %arg3[%add3A, %dma_start3A_44, %dma_start3A_45] : memref<32x120x128xi32, #tpu.memory_space<hbm>> -> memref<1x40x128xi32, #tpu.memory_space<hbm>>
      %dma_start3A_47 = tpu.memref_squeeze %dma_start3A_46 : memref<1x40x128xi32, #tpu.memory_space<hbm>> -> memref<40x128xi32, #tpu.memory_space<hbm>>
      tpu.enqueue_dma source(%dma_start3A_47 : memref<40x128xi32, #tpu.memory_space<hbm>>) target(%arg7 : memref<40x128xi32, #tpu.memory_space<vmem>>) target_semaphore(%run_scoped3A : memref<!tpu.dma_semaphore, #tpu.memory_space<semaphore_mem>>)
      %dma_wait3A = arith.constant 0 : i32
      %dma_wait3A_48 = arith.constant 0 : i32
      %dma_wait3A_49 = tpu.memref_slice %arg3[%add3A, %dma_wait3A, %dma_wait3A_48] : memref<32x120x128xi32, #tpu.memory_space<hbm>> -> memref<1x40x128xi32, #tpu.memory_space<hbm>>
      %dma_wait3A_50 = tpu.memref_squeeze %dma_wait3A_49 : memref<1x40x128xi32, #tpu.memory_space<hbm>> -> memref<40x128xi32, #tpu.memory_space<hbm>>
      %dma_wait3A_51 = arith.constant 0 : i32
      %dma_wait3A_52 = arith.constant 0 : i32
      %dma_wait3A_53 = tpu.memref_slice %arg3[%add3A, %dma_wait3A_51, %dma_wait3A_52] : memref<32x120x128xi32, #tpu.memory_space<hbm>> -> memref<1x40x128xi32, #tpu.memory_space<hbm>>
      %dma_wait3A_54 = tpu.memref_squeeze %dma_wait3A_53 : memref<1x40x128xi32, #tpu.memory_space<hbm>> -> memref<40x128xi32, #tpu.memory_space<hbm>>
      tpu.wait_dma2 semaphore(%run_scoped3A : memref<!tpu.dma_semaphore, #tpu.memory_space<semaphore_mem>>) src(%dma_wait3A_54 : memref<40x128xi32, #tpu.memory_space<hbm>>) dst(%arg7 : memref<40x128xi32, #tpu.memory_space<vmem>>)
      tpu.yield
    }) : () -> ()
    "tpu.region"() ({
      %run_scoped3A = tpu.sem_alloc : memref<!tpu.dma_semaphore, #tpu.memory_space<semaphore_mem>>
      %dma_start3A_40 = arith.constant 0 : i32
      %dma_start3A_41 = arith.constant 0 : i32
      %dma_start3A_42 = tpu.memref_slice %arg4[%add3A, %dma_start3A_40, %dma_start3A_41] : memref<32x120x128xi32, #tpu.memory_space<hbm>> -> memref<1x40x128xi32, #tpu.memory_space<hbm>>
      %dma_start3A_43 = tpu.memref_squeeze %dma_start3A_42 : memref<1x40x128xi32, #tpu.memory_space<hbm>> -> memref<40x128xi32, #tpu.memory_space<hbm>>
      %dma_start3A_44 = arith.constant 0 : i32
      %dma_start3A_45 = arith.constant 0 : i32
      %dma_start3A_46 = tpu.memref_slice %arg4[%add3A, %dma_start3A_44, %dma_start3A_45] : memref<32x120x128xi32, #tpu.memory_space<hbm>> -> memref<1x40x128xi32, #tpu.memory_space<hbm>>
      %dma_start3A_47 = tpu.memref_squeeze %dma_start3A_46 : memref<1x40x128xi32, #tpu.memory_space<hbm>> -> memref<40x128xi32, #tpu.memory_space<hbm>>
      tpu.enqueue_dma source(%dma_start3A_47 : memref<40x128xi32, #tpu.memory_space<hbm>>) target(%arg8 : memref<40x128xi32, #tpu.memory_space<vmem>>) target_semaphore(%run_scoped3A : memref<!tpu.dma_semaphore, #tpu.memory_space<semaphore_mem>>)
      %dma_wait3A = arith.constant 0 : i32
      %dma_wait3A_48 = arith.constant 0 : i32
      %dma_wait3A_49 = tpu.memref_slice %arg4[%add3A, %dma_wait3A, %dma_wait3A_48] : memref<32x120x128xi32, #tpu.memory_space<hbm>> -> memref<1x40x128xi32, #tpu.memory_space<hbm>>
      %dma_wait3A_50 = tpu.memref_squeeze %dma_wait3A_49 : memref<1x40x128xi32, #tpu.memory_space<hbm>> -> memref<40x128xi32, #tpu.memory_space<hbm>>
      %dma_wait3A_51 = arith.constant 0 : i32
      %dma_wait3A_52 = arith.constant 0 : i32
      %dma_wait3A_53 = tpu.memref_slice %arg4[%add3A, %dma_wait3A_51, %dma_wait3A_52] : memref<32x120x128xi32, #tpu.memory_space<hbm>> -> memref<1x40x128xi32, #tpu.memory_space<hbm>>
      %dma_wait3A_54 = tpu.memref_squeeze %dma_wait3A_53 : memref<1x40x128xi32, #tpu.memory_space<hbm>> -> memref<40x128xi32, #tpu.memory_space<hbm>>
      tpu.wait_dma2 semaphore(%run_scoped3A : memref<!tpu.dma_semaphore, #tpu.memory_space<semaphore_mem>>) src(%dma_wait3A_54 : memref<40x128xi32, #tpu.memory_space<hbm>>) dst(%arg8 : memref<40x128xi32, #tpu.memory_space<vmem>>)
      tpu.yield
    }) : () -> ()
    %eq3A_3 = arith.constant 0 : i32
    %eq3A_4 = arith.cmpi eq, %arg0, %eq3A_3 : i32
    %eq3A_5 = arith.constant 0 : i32
    %eq3A_6 = arith.cmpi eq, %arg1, %eq3A_5 : i32
    %and3A = arith.andi %eq3A_4, %eq3A_6 : i1
    %convert_element_type3A = arith.extui %and3A : i1 to i32
    %cond3A = arith.constant 0 : i32
    %cond3A_7 = arith.cmpi ne, %convert_element_type3A, %cond3A : i32
    scf.if %cond3A_7 {
      "tpu.region"() ({
        %run_scoped3A = tpu.sem_alloc : memref<!tpu.dma_semaphore, #tpu.memory_space<semaphore_mem>>
        %dma_start3A_40 = arith.constant 0 : i32
        %dma_start3A_41 = arith.constant 0 : i32
        %dma_start3A_42 = tpu.memref_slice %arg10[%dma_start3A_40, %dma_start3A_41] : memref<10008x128xf32, #tpu.memory_space<vmem_shared>> -> memref<10000x128xf32, #tpu.memory_space<vmem_shared>>
        tpu.enqueue_dma source(%arg2 : memref<10000x128xf32, #tpu.memory_space<hbm>>) target(%dma_start3A_42 : memref<10000x128xf32, #tpu.memory_space<vmem_shared>>) target_semaphore(%run_scoped3A : memref<!tpu.dma_semaphore, #tpu.memory_space<semaphore_mem>>)
        %dma_wait3A = arith.constant 0 : i32
        %dma_wait3A_43 = arith.constant 0 : i32
        %dma_wait3A_44 = tpu.memref_slice %arg10[%dma_wait3A, %dma_wait3A_43] : memref<10008x128xf32, #tpu.memory_space<vmem_shared>> -> memref<10000x128xf32, #tpu.memory_space<vmem_shared>>
        tpu.wait_dma2 semaphore(%run_scoped3A : memref<!tpu.dma_semaphore, #tpu.memory_space<semaphore_mem>>) src(%arg2 : memref<10000x128xf32, #tpu.memory_space<hbm>>) dst(%dma_wait3A_44 : memref<10000x128xf32, #tpu.memory_space<vmem_shared>>)
        tpu.yield
      }) : () -> ()
    } else {
    }
    %eq3A_8 = arith.constant 1 : i32
    %eq3A_9 = arith.cmpi eq, %arg0, %eq3A_8 : i32
    %convert_element_type3A_10 = arith.extui %eq3A_9 : i1 to i32
    %cond3A_11 = arith.constant 0 : i32
    %cond3A_12 = arith.cmpi ne, %convert_element_type3A_10, %cond3A_11 : i32
    scf.if %cond3A_12 {
      %mul3A_40 = arith.constant 625 : i32
      %mul3A_41 = arith.muli %arg1, %mul3A_40 : i32
      "tpu.region"() ({
        %run_scoped3A = tpu.sem_alloc : memref<!tpu.dma_semaphore, #tpu.memory_space<semaphore_mem>>
        %dma_start3A_42 = arith.constant 0 : i32
        %dma_start3A_43 = tpu.memref_slice %arg10[%mul3A_41, %dma_start3A_42] : memref<10008x128xf32, #tpu.memory_space<vmem_shared>> -> memref<625x128xf32, #tpu.memory_space<vmem_shared>>
        tpu.enqueue_dma source(%arg5 : memref<625x128xf32, #tpu.memory_space<hbm>>) target(%dma_start3A_43 : memref<625x128xf32, #tpu.memory_space<vmem_shared>>) target_semaphore(%run_scoped3A : memref<!tpu.dma_semaphore, #tpu.memory_space<semaphore_mem>>)
        %dma_wait3A = arith.constant 0 : i32
        %dma_wait3A_44 = tpu.memref_slice %arg10[%mul3A_41, %dma_wait3A] : memref<10008x128xf32, #tpu.memory_space<vmem_shared>> -> memref<625x128xf32, #tpu.memory_space<vmem_shared>>
        tpu.wait_dma2 semaphore(%run_scoped3A : memref<!tpu.dma_semaphore, #tpu.memory_space<semaphore_mem>>) src(%arg5 : memref<625x128xf32, #tpu.memory_space<hbm>>) dst(%dma_wait3A_44 : memref<625x128xf32, #tpu.memory_space<vmem_shared>>)
        tpu.yield
      }) : () -> ()
    } else {
    }
    %eq3A_13 = arith.constant 0 : i32
    %eq3A_14 = arith.cmpi eq, %arg1, %eq3A_13 : i32
    %convert_element_type3A_15 = arith.extui %eq3A_14 : i1 to i32
    %cond3A_16 = arith.constant 0 : i32
    %cond3A_17 = arith.cmpi ne, %convert_element_type3A_15, %cond3A_16 : i32
    scf.if %cond3A_17 {
      "tpu.region"() ({
        %run_scoped3A = tpu.sem_alloc : memref<!tpu.dma_semaphore, #tpu.memory_space<semaphore_mem>>
        %dma_start3A_40 = arith.constant 10000 : i32
        %dma_start3A_41 = arith.constant 0 : i32
        %dma_start3A_42 = tpu.memref_slice %arg10[%dma_start3A_40, %dma_start3A_41] : memref<10008x128xf32, #tpu.memory_space<vmem_shared>> -> memref<8x128xf32, #tpu.memory_space<vmem_shared>>
        %dma_start3A_43 = arith.constant 0 : i32
        %dma_start3A_44 = arith.constant 0 : i32
        %dma_start3A_45 = tpu.memref_slice %arg5[%dma_start3A_43, %dma_start3A_44] : memref<625x128xf32, #tpu.memory_space<hbm>> -> memref<8x128xf32, #tpu.memory_space<hbm>>
        tpu.enqueue_dma source(%dma_start3A_45 : memref<8x128xf32, #tpu.memory_space<hbm>>) target(%dma_start3A_42 : memref<8x128xf32, #tpu.memory_space<vmem_shared>>) target_semaphore(%run_scoped3A : memref<!tpu.dma_semaphore, #tpu.memory_space<semaphore_mem>>)
        %dma_wait3A = arith.constant 10000 : i32
        %dma_wait3A_46 = arith.constant 0 : i32
        %dma_wait3A_47 = tpu.memref_slice %arg10[%dma_wait3A, %dma_wait3A_46] : memref<10008x128xf32, #tpu.memory_space<vmem_shared>> -> memref<8x128xf32, #tpu.memory_space<vmem_shared>>
        %dma_wait3A_48 = arith.constant 0 : i32
        %dma_wait3A_49 = arith.constant 0 : i32
        %dma_wait3A_50 = tpu.memref_slice %arg5[%dma_wait3A_48, %dma_wait3A_49] : memref<625x128xf32, #tpu.memory_space<hbm>> -> memref<8x128xf32, #tpu.memory_space<hbm>>
        tpu.wait_dma2 semaphore(%run_scoped3A : memref<!tpu.dma_semaphore, #tpu.memory_space<semaphore_mem>>) src(%dma_wait3A_50 : memref<8x128xf32, #tpu.memory_space<hbm>>) dst(%dma_wait3A_47 : memref<8x128xf32, #tpu.memory_space<vmem_shared>>)
        tpu.yield
      }) : () -> ()
    } else {
    }
    %barrier3A = arith.constant 0 : index
    tpu.barrier barrier_id(%barrier3A)
    %dma_start3A = arith.constant 0 : i32
    %dma_start3A_18 = arith.constant 0 : i32
    %dma_start3A_19 = arith.constant 0 : i32
    %dma_start3A_20 = arith.constant 0 : i32
    %dma_start3A_21 = tpu.memref_slice %arg9[%dma_start3A_18, %dma_start3A_19, %dma_start3A_20] : memref<2x128x128xf32, #tpu.memory_space<vmem>> -> memref<1x128x128xf32, #tpu.memory_space<vmem>>
    %dma_start3A_22 = tpu.memref_squeeze %dma_start3A_21 : memref<1x128x128xf32, #tpu.memory_space<vmem>> -> memref<128x128xf32, #tpu.memory_space<vmem>>
    %dma_start3A_23 = arith.constant 0 : i32
    %dma_start3A_24 = tpu.memref_slice %arg7[%dma_start3A, %dma_start3A_23] : memref<40x128xi32, #tpu.memory_space<vmem>> -> memref<1x128xi32, #tpu.memory_space<vmem>>
    %dma_start3A_25 = tpu.memref_squeeze %dma_start3A_24 : memref<1x128xi32, #tpu.memory_space<vmem>> -> memref<128xi32, #tpu.memory_space<vmem>>
    %dma_start3A_26 = arith.constant 0 : i32
    %dma_start3A_27 = arith.constant 0 : i32
    %dma_start3A_28 = tpu.memref_slice %arg2[%dma_start3A_26, %dma_start3A_27] : memref<10000x128xf32, #tpu.memory_space<hbm>> -> memref<10000x128xf32, #tpu.memory_space<hbm>>
    tpu.enqueue_indirect_dma source(%dma_start3A_28 : memref<10000x128xf32, #tpu.memory_space<hbm>>) target(%dma_start3A_22 : memref<128x128xf32, #tpu.memory_space<vmem>>) offsets(%dma_start3A_25 : memref<128xi32, #tpu.memory_space<vmem>>) semaphore(%arg11 : memref<!tpu.dma_semaphore, #tpu.memory_space<semaphore_mem>>)
    %while3A = arith.constant 0 : i32
    %while3A_29 = arith.subi %select_n3A, %while3A : i32
    %while3A_30 = arith.addi %while3A, %while3A_29 : i32
    %while3A_31 = arith.constant 1 : i32
    %while3A_32 = arith.divsi %while3A_29, %while3A_31 : i32
    %while3A_33 = arith.muli %while3A_32, %while3A_31 : i32
    %while3A_34 = arith.addi %while3A, %while3A_33 : i32
    %while3A_35 = arith.constant 1 : i32
    scf.for %while3A_40 = %while3A to %while3A_34 step %while3A_35  : i32 {
      %rem3A = arith.constant 40 : i32
      %rem3A_41 = arith.remsi %while3A_40, %rem3A : i32
      %eq3A_42 = arith.constant 39 : i32
      %eq3A_43 = arith.cmpi eq, %rem3A_41, %eq3A_42 : i32
      %add3A_44 = arith.constant 1 : i32
      %add3A_45 = arith.addi %while3A_40, %add3A_44 : i32
      %lt3A = arith.cmpi slt, %add3A_45, %select_n3A : i32
      %and3A_46 = arith.andi %eq3A_43, %lt3A : i1
      %rem3A_47 = arith.constant 2 : i32
      %rem3A_48 = arith.remsi %while3A_40, %rem3A_47 : i32
      %dma_wait3A = arith.constant 0 : i32
      %dma_wait3A_49 = arith.constant 0 : i32
      %dma_wait3A_50 = tpu.memref_slice %arg9[%rem3A_48, %dma_wait3A, %dma_wait3A_49] : memref<2x128x128xf32, #tpu.memory_space<vmem>> -> memref<1x128x128xf32, #tpu.memory_space<vmem>>
      %dma_wait3A_51 = tpu.memref_squeeze %dma_wait3A_50 : memref<1x128x128xf32, #tpu.memory_space<vmem>> -> memref<128x128xf32, #tpu.memory_space<vmem>>
      %dma_wait3A_52 = arith.constant 0 : i32
      %dma_wait3A_53 = tpu.memref_slice %arg7[%rem3A_41, %dma_wait3A_52] : memref<40x128xi32, #tpu.memory_space<vmem>> -> memref<1x128xi32, #tpu.memory_space<vmem>>
      %dma_wait3A_54 = tpu.memref_squeeze %dma_wait3A_53 : memref<1x128xi32, #tpu.memory_space<vmem>> -> memref<128xi32, #tpu.memory_space<vmem>>
      %dma_wait3A_55 = arith.constant 0 : i32
      %dma_wait3A_56 = arith.constant 0 : i32
      %dma_wait3A_57 = tpu.memref_slice %arg2[%dma_wait3A_55, %dma_wait3A_56] : memref<10000x128xf32, #tpu.memory_space<hbm>> -> memref<10000x128xf32, #tpu.memory_space<hbm>>
      tpu.wait_indirect_dma semaphore(%arg11 : memref<!tpu.dma_semaphore, #tpu.memory_space<semaphore_mem>>) src(%dma_wait3A_57 : memref<10000x128xf32, #tpu.memory_space<hbm>>) dst(%dma_wait3A_51 : memref<128x128xf32, #tpu.memory_space<vmem>>)
      %not3A = arith.constant true
      %not3A_58 = arith.xori %and3A_46, %not3A : i1
      %add3A_59 = arith.constant 1 : i32
      %add3A_60 = arith.addi %while3A_40, %add3A_59 : i32
      %lt3A_61 = arith.cmpi slt, %add3A_60, %select_n3A : i32
      %and3A_62 = arith.andi %not3A_58, %lt3A_61 : i1
      %convert_element_type3A_63 = arith.extui %and3A_62 : i1 to i32
      %cond3A_64 = arith.constant 0 : i32
      %cond3A_65 = arith.cmpi ne, %convert_element_type3A_63, %cond3A_64 : i32
      scf.if %cond3A_65 {
        %add3A_71 = arith.constant 1 : i32
        %add3A_72 = arith.addi %while3A_40, %add3A_71 : i32
        %rem3A_73 = arith.constant 40 : i32
        %rem3A_74 = arith.remsi %add3A_72, %rem3A_73 : i32
        %add3A_75 = arith.constant 1 : i32
        %add3A_76 = arith.addi %while3A_40, %add3A_75 : i32
        %rem3A_77 = arith.constant 2 : i32
        %rem3A_78 = arith.remsi %add3A_76, %rem3A_77 : i32
        %dma_start3A_79 = arith.constant 0 : i32
        %dma_start3A_80 = arith.constant 0 : i32
        %dma_start3A_81 = tpu.memref_slice %arg9[%rem3A_78, %dma_start3A_79, %dma_start3A_80] : memref<2x128x128xf32, #tpu.memory_space<vmem>> -> memref<1x128x128xf32, #tpu.memory_space<vmem>>
        %dma_start3A_82 = tpu.memref_squeeze %dma_start3A_81 : memref<1x128x128xf32, #tpu.memory_space<vmem>> -> memref<128x128xf32, #tpu.memory_space<vmem>>
        %dma_start3A_83 = arith.constant 0 : i32
        %dma_start3A_84 = tpu.memref_slice %arg7[%rem3A_74, %dma_start3A_83] : memref<40x128xi32, #tpu.memory_space<vmem>> -> memref<1x128xi32, #tpu.memory_space<vmem>>
        %dma_start3A_85 = tpu.memref_squeeze %dma_start3A_84 : memref<1x128xi32, #tpu.memory_space<vmem>> -> memref<128xi32, #tpu.memory_space<vmem>>
        %dma_start3A_86 = arith.constant 0 : i32
        %dma_start3A_87 = arith.constant 0 : i32
        %dma_start3A_88 = tpu.memref_slice %arg2[%dma_start3A_86, %dma_start3A_87] : memref<10000x128xf32, #tpu.memory_space<hbm>> -> memref<10000x128xf32, #tpu.memory_space<hbm>>
        tpu.enqueue_indirect_dma source(%dma_start3A_88 : memref<10000x128xf32, #tpu.memory_space<hbm>>) target(%dma_start3A_82 : memref<128x128xf32, #tpu.memory_space<vmem>>) offsets(%dma_start3A_85 : memref<128xi32, #tpu.memory_space<vmem>>) semaphore(%arg11 : memref<!tpu.dma_semaphore, #tpu.memory_space<semaphore_mem>>)
      } else {
      }
      %rem3A_66 = arith.constant 2 : i32
      %rem3A_67 = arith.remsi %while3A_40, %rem3A_66 : i32
      "tpu.region"() ({
        %run_scoped3A = tpu.sem_alloc : memref<!tpu.dma_semaphore, #tpu.memory_space<semaphore_mem>>
        %dma_start3A_71 = arith.constant 0 : i32
        %dma_start3A_72 = arith.constant 0 : i32
        %dma_start3A_73 = tpu.memref_slice %arg9[%rem3A_67, %dma_start3A_71, %dma_start3A_72] : memref<2x128x128xf32, #tpu.memory_space<vmem>> -> memref<1x128x128xf32, #tpu.memory_space<vmem>>
        %dma_start3A_74 = tpu.memref_squeeze %dma_start3A_73 : memref<1x128x128xf32, #tpu.memory_space<vmem>> -> memref<128x128xf32, #tpu.memory_space<vmem>>
        %dma_start3A_75 = arith.constant 0 : i32
        %dma_start3A_76 = tpu.memref_slice %arg8[%rem3A_41, %dma_start3A_75] : memref<40x128xi32, #tpu.memory_space<vmem>> -> memref<1x128xi32, #tpu.memory_space<vmem>>
        %dma_start3A_77 = tpu.memref_squeeze %dma_start3A_76 : memref<1x128xi32, #tpu.memory_space<vmem>> -> memref<128xi32, #tpu.memory_space<vmem>>
        %dma_start3A_78 = arith.constant 0 : i32
        %dma_start3A_79 = arith.constant 0 : i32
        %dma_start3A_80 = tpu.memref_slice %arg10[%dma_start3A_78, %dma_start3A_79] : memref<10008x128xf32, #tpu.memory_space<vmem_shared>> -> memref<10008x128xf32, #tpu.memory_space<vmem_shared>>
        tpu.enqueue_indirect_dma source(%dma_start3A_74 : memref<128x128xf32, #tpu.memory_space<vmem>>) target(%dma_start3A_80 : memref<10008x128xf32, #tpu.memory_space<vmem_shared>>) offsets(%dma_start3A_77 : memref<128xi32, #tpu.memory_space<vmem>>) semaphore(%run_scoped3A : memref<!tpu.dma_semaphore, #tpu.memory_space<semaphore_mem>>) {add = true}
        %dma_wait3A_81 = arith.constant 0 : i32
        %dma_wait3A_82 = arith.constant 0 : i32
        %dma_wait3A_83 = tpu.memref_slice %arg9[%rem3A_67, %dma_wait3A_81, %dma_wait3A_82] : memref<2x128x128xf32, #tpu.memory_space<vmem>> -> memref<1x128x128xf32, #tpu.memory_space<vmem>>
        %dma_wait3A_84 = tpu.memref_squeeze %dma_wait3A_83 : memref<1x128x128xf32, #tpu.memory_space<vmem>> -> memref<128x128xf32, #tpu.memory_space<vmem>>
        %dma_wait3A_85 = arith.constant 0 : i32
        %dma_wait3A_86 = tpu.memref_slice %arg8[%rem3A_41, %dma_wait3A_85] : memref<40x128xi32, #tpu.memory_space<vmem>> -> memref<1x128xi32, #tpu.memory_space<vmem>>
        %dma_wait3A_87 = tpu.memref_squeeze %dma_wait3A_86 : memref<1x128xi32, #tpu.memory_space<vmem>> -> memref<128xi32, #tpu.memory_space<vmem>>
        %dma_wait3A_88 = arith.constant 0 : i32
        %dma_wait3A_89 = arith.constant 0 : i32
        %dma_wait3A_90 = tpu.memref_slice %arg10[%dma_wait3A_88, %dma_wait3A_89] : memref<10008x128xf32, #tpu.memory_space<vmem_shared>> -> memref<10008x128xf32, #tpu.memory_space<vmem_shared>>
        tpu.wait_indirect_dma semaphore(%run_scoped3A : memref<!tpu.dma_semaphore, #tpu.memory_space<semaphore_mem>>) src(%dma_wait3A_84 : memref<128x128xf32, #tpu.memory_space<vmem>>) dst(%dma_wait3A_90 : memref<10008x128xf32, #tpu.memory_space<vmem_shared>>)
        tpu.yield
      }) : () -> ()
      %convert_element_type3A_68 = arith.extui %and3A_46 : i1 to i32
      %cond3A_69 = arith.constant 0 : i32
      %cond3A_70 = arith.cmpi ne, %convert_element_type3A_68, %cond3A_69 : i32
      scf.if %cond3A_70 {
        %add3A_71 = arith.constant 1 : i32
        %add3A_72 = arith.addi %while3A_40, %add3A_71 : i32
        %multiple_of3A = tpu.assume_multiple %add3A_72, 8 : i32
        "tpu.region"() ({
          %run_scoped3A = tpu.sem_alloc : memref<!tpu.dma_semaphore, #tpu.memory_space<semaphore_mem>>
          %dma_start3A_88 = arith.constant 0 : i32
          %dma_start3A_89 = tpu.memref_slice %arg3[%add3A, %multiple_of3A, %dma_start3A_88] : memref<32x120x128xi32, #tpu.memory_space<hbm>> -> memref<1x40x128xi32, #tpu.memory_space<hbm>>
          %dma_start3A_90 = tpu.memref_squeeze %dma_start3A_89 : memref<1x40x128xi32, #tpu.memory_space<hbm>> -> memref<40x128xi32, #tpu.memory_space<hbm>>
          %dma_start3A_91 = arith.constant 0 : i32
          %dma_start3A_92 = tpu.memref_slice %arg3[%add3A, %multiple_of3A, %dma_start3A_91] : memref<32x120x128xi32, #tpu.memory_space<hbm>> -> memref<1x40x128xi32, #tpu.memory_space<hbm>>
          %dma_start3A_93 = tpu.memref_squeeze %dma_start3A_92 : memref<1x40x128xi32, #tpu.memory_space<hbm>> -> memref<40x128xi32, #tpu.memory_space<hbm>>
          tpu.enqueue_dma source(%dma_start3A_93 : memref<40x128xi32, #tpu.memory_space<hbm>>) target(%arg7 : memref<40x128xi32, #tpu.memory_space<vmem>>) target_semaphore(%run_scoped3A : memref<!tpu.dma_semaphore, #tpu.memory_space<semaphore_mem>>)
          %dma_wait3A_94 = arith.constant 0 : i32
          %dma_wait3A_95 = tpu.memref_slice %arg3[%add3A, %multiple_of3A, %dma_wait3A_94] : memref<32x120x128xi32, #tpu.memory_space<hbm>> -> memref<1x40x128xi32, #tpu.memory_space<hbm>>
          %dma_wait3A_96 = tpu.memref_squeeze %dma_wait3A_95 : memref<1x40x128xi32, #tpu.memory_space<hbm>> -> memref<40x128xi32, #tpu.memory_space<hbm>>
          %dma_wait3A_97 = arith.constant 0 : i32
          %dma_wait3A_98 = tpu.memref_slice %arg3[%add3A, %multiple_of3A, %dma_wait3A_97] : memref<32x120x128xi32, #tpu.memory_space<hbm>> -> memref<1x40x128xi32, #tpu.memory_space<hbm>>
          %dma_wait3A_99 = tpu.memref_squeeze %dma_wait3A_98 : memref<1x40x128xi32, #tpu.memory_space<hbm>> -> memref<40x128xi32, #tpu.memory_space<hbm>>
          tpu.wait_dma2 semaphore(%run_scoped3A : memref<!tpu.dma_semaphore, #tpu.memory_space<semaphore_mem>>) src(%dma_wait3A_99 : memref<40x128xi32, #tpu.memory_space<hbm>>) dst(%arg7 : memref<40x128xi32, #tpu.memory_space<vmem>>)
          tpu.yield
        }) : () -> ()
        "tpu.region"() ({
          %run_scoped3A = tpu.sem_alloc : memref<!tpu.dma_semaphore, #tpu.memory_space<semaphore_mem>>
          %dma_start3A_88 = arith.constant 0 : i32
          %dma_start3A_89 = tpu.memref_slice %arg4[%add3A, %multiple_of3A, %dma_start3A_88] : memref<32x120x128xi32, #tpu.memory_space<hbm>> -> memref<1x40x128xi32, #tpu.memory_space<hbm>>
          %dma_start3A_90 = tpu.memref_squeeze %dma_start3A_89 : memref<1x40x128xi32, #tpu.memory_space<hbm>> -> memref<40x128xi32, #tpu.memory_space<hbm>>
          %dma_start3A_91 = arith.constant 0 : i32
          %dma_start3A_92 = tpu.memref_slice %arg4[%add3A, %multiple_of3A, %dma_start3A_91] : memref<32x120x128xi32, #tpu.memory_space<hbm>> -> memref<1x40x128xi32, #tpu.memory_space<hbm>>
          %dma_start3A_93 = tpu.memref_squeeze %dma_start3A_92 : memref<1x40x128xi32, #tpu.memory_space<hbm>> -> memref<40x128xi32, #tpu.memory_space<hbm>>
          tpu.enqueue_dma source(%dma_start3A_93 : memref<40x128xi32, #tpu.memory_space<hbm>>) target(%arg8 : memref<40x128xi32, #tpu.memory_space<vmem>>) target_semaphore(%run_scoped3A : memref<!tpu.dma_semaphore, #tpu.memory_space<semaphore_mem>>)
          %dma_wait3A_94 = arith.constant 0 : i32
          %dma_wait3A_95 = tpu.memref_slice %arg4[%add3A, %multiple_of3A, %dma_wait3A_94] : memref<32x120x128xi32, #tpu.memory_space<hbm>> -> memref<1x40x128xi32, #tpu.memory_space<hbm>>
          %dma_wait3A_96 = tpu.memref_squeeze %dma_wait3A_95 : memref<1x40x128xi32, #tpu.memory_space<hbm>> -> memref<40x128xi32, #tpu.memory_space<hbm>>
          %dma_wait3A_97 = arith.constant 0 : i32
          %dma_wait3A_98 = tpu.memref_slice %arg4[%add3A, %multiple_of3A, %dma_wait3A_97] : memref<32x120x128xi32, #tpu.memory_space<hbm>> -> memref<1x40x128xi32, #tpu.memory_space<hbm>>
          %dma_wait3A_99 = tpu.memref_squeeze %dma_wait3A_98 : memref<1x40x128xi32, #tpu.memory_space<hbm>> -> memref<40x128xi32, #tpu.memory_space<hbm>>
          tpu.wait_dma2 semaphore(%run_scoped3A : memref<!tpu.dma_semaphore, #tpu.memory_space<semaphore_mem>>) src(%dma_wait3A_99 : memref<40x128xi32, #tpu.memory_space<hbm>>) dst(%arg8 : memref<40x128xi32, #tpu.memory_space<vmem>>)
          tpu.yield
        }) : () -> ()
        %add3A_73 = arith.constant 1 : i32
        %add3A_74 = arith.addi %while3A_40, %add3A_73 : i32
        %rem3A_75 = arith.constant 2 : i32
        %rem3A_76 = arith.remsi %add3A_74, %rem3A_75 : i32
        %dma_start3A_77 = arith.constant 0 : i32
        %dma_start3A_78 = arith.constant 0 : i32
        %dma_start3A_79 = arith.constant 0 : i32
        %dma_start3A_80 = tpu.memref_slice %arg9[%rem3A_76, %dma_start3A_78, %dma_start3A_79] : memref<2x128x128xf32, #tpu.memory_space<vmem>> -> memref<1x128x128xf32, #tpu.memory_space<vmem>>
        %dma_start3A_81 = tpu.memref_squeeze %dma_start3A_80 : memref<1x128x128xf32, #tpu.memory_space<vmem>> -> memref<128x128xf32, #tpu.memory_space<vmem>>
        %dma_start3A_82 = arith.constant 0 : i32
        %dma_start3A_83 = tpu.memref_slice %arg7[%dma_start3A_77, %dma_start3A_82] : memref<40x128xi32, #tpu.memory_space<vmem>> -> memref<1x128xi32, #tpu.memory_space<vmem>>
        %dma_start3A_84 = tpu.memref_squeeze %dma_start3A_83 : memref<1x128xi32, #tpu.memory_space<vmem>> -> memref<128xi32, #tpu.memory_space<vmem>>
        %dma_start3A_85 = arith.constant 0 : i32
        %dma_start3A_86 = arith.constant 0 : i32
        %dma_start3A_87 = tpu.memref_slice %arg2[%dma_start3A_85, %dma_start3A_86] : memref<10000x128xf32, #tpu.memory_space<hbm>> -> memref<10000x128xf32, #tpu.memory_space<hbm>>
        tpu.enqueue_indirect_dma source(%dma_start3A_87 : memref<10000x128xf32, #tpu.memory_space<hbm>>) target(%dma_start3A_81 : memref<128x128xf32, #tpu.memory_space<vmem>>) offsets(%dma_start3A_84 : memref<128xi32, #tpu.memory_space<vmem>>) semaphore(%arg11 : memref<!tpu.dma_semaphore, #tpu.memory_space<semaphore_mem>>)
      } else {
      }
    }
    %while3A_36 = arith.constant 1 : i32
    scf.for %while3A_40 = %while3A_34 to %while3A_30 step %while3A_36  : i32 {
      %rem3A = arith.constant 40 : i32
      %rem3A_41 = arith.remsi %while3A_40, %rem3A : i32
      %eq3A_42 = arith.constant 39 : i32
      %eq3A_43 = arith.cmpi eq, %rem3A_41, %eq3A_42 : i32
      %add3A_44 = arith.constant 1 : i32
      %add3A_45 = arith.addi %while3A_40, %add3A_44 : i32
      %lt3A = arith.cmpi slt, %add3A_45, %select_n3A : i32
      %and3A_46 = arith.andi %eq3A_43, %lt3A : i1
      %rem3A_47 = arith.constant 2 : i32
      %rem3A_48 = arith.remsi %while3A_40, %rem3A_47 : i32
      %dma_wait3A = arith.constant 0 : i32
      %dma_wait3A_49 = arith.constant 0 : i32
      %dma_wait3A_50 = tpu.memref_slice %arg9[%rem3A_48, %dma_wait3A, %dma_wait3A_49] : memref<2x128x128xf32, #tpu.memory_space<vmem>> -> memref<1x128x128xf32, #tpu.memory_space<vmem>>
      %dma_wait3A_51 = tpu.memref_squeeze %dma_wait3A_50 : memref<1x128x128xf32, #tpu.memory_space<vmem>> -> memref<128x128xf32, #tpu.memory_space<vmem>>
      %dma_wait3A_52 = arith.constant 0 : i32
      %dma_wait3A_53 = tpu.memref_slice %arg7[%rem3A_41, %dma_wait3A_52] : memref<40x128xi32, #tpu.memory_space<vmem>> -> memref<1x128xi32, #tpu.memory_space<vmem>>
      %dma_wait3A_54 = tpu.memref_squeeze %dma_wait3A_53 : memref<1x128xi32, #tpu.memory_space<vmem>> -> memref<128xi32, #tpu.memory_space<vmem>>
      %dma_wait3A_55 = arith.constant 0 : i32
      %dma_wait3A_56 = arith.constant 0 : i32
      %dma_wait3A_57 = tpu.memref_slice %arg2[%dma_wait3A_55, %dma_wait3A_56] : memref<10000x128xf32, #tpu.memory_space<hbm>> -> memref<10000x128xf32, #tpu.memory_space<hbm>>
      tpu.wait_indirect_dma semaphore(%arg11 : memref<!tpu.dma_semaphore, #tpu.memory_space<semaphore_mem>>) src(%dma_wait3A_57 : memref<10000x128xf32, #tpu.memory_space<hbm>>) dst(%dma_wait3A_51 : memref<128x128xf32, #tpu.memory_space<vmem>>)
      %not3A = arith.constant true
      %not3A_58 = arith.xori %and3A_46, %not3A : i1
      %add3A_59 = arith.constant 1 : i32
      %add3A_60 = arith.addi %while3A_40, %add3A_59 : i32
      %lt3A_61 = arith.cmpi slt, %add3A_60, %select_n3A : i32
      %and3A_62 = arith.andi %not3A_58, %lt3A_61 : i1
      %convert_element_type3A_63 = arith.extui %and3A_62 : i1 to i32
      %cond3A_64 = arith.constant 0 : i32
      %cond3A_65 = arith.cmpi ne, %convert_element_type3A_63, %cond3A_64 : i32
      scf.if %cond3A_65 {
        %add3A_71 = arith.constant 1 : i32
        %add3A_72 = arith.addi %while3A_40, %add3A_71 : i32
        %rem3A_73 = arith.constant 40 : i32
        %rem3A_74 = arith.remsi %add3A_72, %rem3A_73 : i32
        %add3A_75 = arith.constant 1 : i32
        %add3A_76 = arith.addi %while3A_40, %add3A_75 : i32
        %rem3A_77 = arith.constant 2 : i32
        %rem3A_78 = arith.remsi %add3A_76, %rem3A_77 : i32
        %dma_start3A_79 = arith.constant 0 : i32
        %dma_start3A_80 = arith.constant 0 : i32
        %dma_start3A_81 = tpu.memref_slice %arg9[%rem3A_78, %dma_start3A_79, %dma_start3A_80] : memref<2x128x128xf32, #tpu.memory_space<vmem>> -> memref<1x128x128xf32, #tpu.memory_space<vmem>>
        %dma_start3A_82 = tpu.memref_squeeze %dma_start3A_81 : memref<1x128x128xf32, #tpu.memory_space<vmem>> -> memref<128x128xf32, #tpu.memory_space<vmem>>
        %dma_start3A_83 = arith.constant 0 : i32
        %dma_start3A_84 = tpu.memref_slice %arg7[%rem3A_74, %dma_start3A_83] : memref<40x128xi32, #tpu.memory_space<vmem>> -> memref<1x128xi32, #tpu.memory_space<vmem>>
        %dma_start3A_85 = tpu.memref_squeeze %dma_start3A_84 : memref<1x128xi32, #tpu.memory_space<vmem>> -> memref<128xi32, #tpu.memory_space<vmem>>
        %dma_start3A_86 = arith.constant 0 : i32
        %dma_start3A_87 = arith.constant 0 : i32
        %dma_start3A_88 = tpu.memref_slice %arg2[%dma_start3A_86, %dma_start3A_87] : memref<10000x128xf32, #tpu.memory_space<hbm>> -> memref<10000x128xf32, #tpu.memory_space<hbm>>
        tpu.enqueue_indirect_dma source(%dma_start3A_88 : memref<10000x128xf32, #tpu.memory_space<hbm>>) target(%dma_start3A_82 : memref<128x128xf32, #tpu.memory_space<vmem>>) offsets(%dma_start3A_85 : memref<128xi32, #tpu.memory_space<vmem>>) semaphore(%arg11 : memref<!tpu.dma_semaphore, #tpu.memory_space<semaphore_mem>>)
      } else {
      }
      %rem3A_66 = arith.constant 2 : i32
      %rem3A_67 = arith.remsi %while3A_40, %rem3A_66 : i32
      "tpu.region"() ({
        %run_scoped3A = tpu.sem_alloc : memref<!tpu.dma_semaphore, #tpu.memory_space<semaphore_mem>>
        %dma_start3A_71 = arith.constant 0 : i32
        %dma_start3A_72 = arith.constant 0 : i32
        %dma_start3A_73 = tpu.memref_slice %arg9[%rem3A_67, %dma_start3A_71, %dma_start3A_72] : memref<2x128x128xf32, #tpu.memory_space<vmem>> -> memref<1x128x128xf32, #tpu.memory_space<vmem>>
        %dma_start3A_74 = tpu.memref_squeeze %dma_start3A_73 : memref<1x128x128xf32, #tpu.memory_space<vmem>> -> memref<128x128xf32, #tpu.memory_space<vmem>>
        %dma_start3A_75 = arith.constant 0 : i32
        %dma_start3A_76 = tpu.memref_slice %arg8[%rem3A_41, %dma_start3A_75] : memref<40x128xi32, #tpu.memory_space<vmem>> -> memref<1x128xi32, #tpu.memory_space<vmem>>
        %dma_start3A_77 = tpu.memref_squeeze %dma_start3A_76 : memref<1x128xi32, #tpu.memory_space<vmem>> -> memref<128xi32, #tpu.memory_space<vmem>>
        %dma_start3A_78 = arith.constant 0 : i32
        %dma_start3A_79 = arith.constant 0 : i32
        %dma_start3A_80 = tpu.memref_slice %arg10[%dma_start3A_78, %dma_start3A_79] : memref<10008x128xf32, #tpu.memory_space<vmem_shared>> -> memref<10008x128xf32, #tpu.memory_space<vmem_shared>>
        tpu.enqueue_indirect_dma source(%dma_start3A_74 : memref<128x128xf32, #tpu.memory_space<vmem>>) target(%dma_start3A_80 : memref<10008x128xf32, #tpu.memory_space<vmem_shared>>) offsets(%dma_start3A_77 : memref<128xi32, #tpu.memory_space<vmem>>) semaphore(%run_scoped3A : memref<!tpu.dma_semaphore, #tpu.memory_space<semaphore_mem>>) {add = true}
        %dma_wait3A_81 = arith.constant 0 : i32
        %dma_wait3A_82 = arith.constant 0 : i32
        %dma_wait3A_83 = tpu.memref_slice %arg9[%rem3A_67, %dma_wait3A_81, %dma_wait3A_82] : memref<2x128x128xf32, #tpu.memory_space<vmem>> -> memref<1x128x128xf32, #tpu.memory_space<vmem>>
        %dma_wait3A_84 = tpu.memref_squeeze %dma_wait3A_83 : memref<1x128x128xf32, #tpu.memory_space<vmem>> -> memref<128x128xf32, #tpu.memory_space<vmem>>
        %dma_wait3A_85 = arith.constant 0 : i32
        %dma_wait3A_86 = tpu.memref_slice %arg8[%rem3A_41, %dma_wait3A_85] : memref<40x128xi32, #tpu.memory_space<vmem>> -> memref<1x128xi32, #tpu.memory_space<vmem>>
        %dma_wait3A_87 = tpu.memref_squeeze %dma_wait3A_86 : memref<1x128xi32, #tpu.memory_space<vmem>> -> memref<128xi32, #tpu.memory_space<vmem>>
        %dma_wait3A_88 = arith.constant 0 : i32
        %dma_wait3A_89 = arith.constant 0 : i32
        %dma_wait3A_90 = tpu.memref_slice %arg10[%dma_wait3A_88, %dma_wait3A_89] : memref<10008x128xf32, #tpu.memory_space<vmem_shared>> -> memref<10008x128xf32, #tpu.memory_space<vmem_shared>>
        tpu.wait_indirect_dma semaphore(%run_scoped3A : memref<!tpu.dma_semaphore, #tpu.memory_space<semaphore_mem>>) src(%dma_wait3A_84 : memref<128x128xf32, #tpu.memory_space<vmem>>) dst(%dma_wait3A_90 : memref<10008x128xf32, #tpu.memory_space<vmem_shared>>)
        tpu.yield
      }) : () -> ()
      %convert_element_type3A_68 = arith.extui %and3A_46 : i1 to i32
      %cond3A_69 = arith.constant 0 : i32
      %cond3A_70 = arith.cmpi ne, %convert_element_type3A_68, %cond3A_69 : i32
      scf.if %cond3A_70 {
        %add3A_71 = arith.constant 1 : i32
        %add3A_72 = arith.addi %while3A_40, %add3A_71 : i32
        %multiple_of3A = tpu.assume_multiple %add3A_72, 8 : i32
        "tpu.region"() ({
          %run_scoped3A = tpu.sem_alloc : memref<!tpu.dma_semaphore, #tpu.memory_space<semaphore_mem>>
          %dma_start3A_88 = arith.constant 0 : i32
          %dma_start3A_89 = tpu.memref_slice %arg3[%add3A, %multiple_of3A, %dma_start3A_88] : memref<32x120x128xi32, #tpu.memory_space<hbm>> -> memref<1x40x128xi32, #tpu.memory_space<hbm>>
          %dma_start3A_90 = tpu.memref_squeeze %dma_start3A_89 : memref<1x40x128xi32, #tpu.memory_space<hbm>> -> memref<40x128xi32, #tpu.memory_space<hbm>>
          %dma_start3A_91 = arith.constant 0 : i32
          %dma_start3A_92 = tpu.memref_slice %arg3[%add3A, %multiple_of3A, %dma_start3A_91] : memref<32x120x128xi32, #tpu.memory_space<hbm>> -> memref<1x40x128xi32, #tpu.memory_space<hbm>>
          %dma_start3A_93 = tpu.memref_squeeze %dma_start3A_92 : memref<1x40x128xi32, #tpu.memory_space<hbm>> -> memref<40x128xi32, #tpu.memory_space<hbm>>
          tpu.enqueue_dma source(%dma_start3A_93 : memref<40x128xi32, #tpu.memory_space<hbm>>) target(%arg7 : memref<40x128xi32, #tpu.memory_space<vmem>>) target_semaphore(%run_scoped3A : memref<!tpu.dma_semaphore, #tpu.memory_space<semaphore_mem>>)
          %dma_wait3A_94 = arith.constant 0 : i32
          %dma_wait3A_95 = tpu.memref_slice %arg3[%add3A, %multiple_of3A, %dma_wait3A_94] : memref<32x120x128xi32, #tpu.memory_space<hbm>> -> memref<1x40x128xi32, #tpu.memory_space<hbm>>
          %dma_wait3A_96 = tpu.memref_squeeze %dma_wait3A_95 : memref<1x40x128xi32, #tpu.memory_space<hbm>> -> memref<40x128xi32, #tpu.memory_space<hbm>>
          %dma_wait3A_97 = arith.constant 0 : i32
          %dma_wait3A_98 = tpu.memref_slice %arg3[%add3A, %multiple_of3A, %dma_wait3A_97] : memref<32x120x128xi32, #tpu.memory_space<hbm>> -> memref<1x40x128xi32, #tpu.memory_space<hbm>>
          %dma_wait3A_99 = tpu.memref_squeeze %dma_wait3A_98 : memref<1x40x128xi32, #tpu.memory_space<hbm>> -> memref<40x128xi32, #tpu.memory_space<hbm>>
          tpu.wait_dma2 semaphore(%run_scoped3A : memref<!tpu.dma_semaphore, #tpu.memory_space<semaphore_mem>>) src(%dma_wait3A_99 : memref<40x128xi32, #tpu.memory_space<hbm>>) dst(%arg7 : memref<40x128xi32, #tpu.memory_space<vmem>>)
          tpu.yield
        }) : () -> ()
        "tpu.region"() ({
          %run_scoped3A = tpu.sem_alloc : memref<!tpu.dma_semaphore, #tpu.memory_space<semaphore_mem>>
          %dma_start3A_88 = arith.constant 0 : i32
          %dma_start3A_89 = tpu.memref_slice %arg4[%add3A, %multiple_of3A, %dma_start3A_88] : memref<32x120x128xi32, #tpu.memory_space<hbm>> -> memref<1x40x128xi32, #tpu.memory_space<hbm>>
          %dma_start3A_90 = tpu.memref_squeeze %dma_start3A_89 : memref<1x40x128xi32, #tpu.memory_space<hbm>> -> memref<40x128xi32, #tpu.memory_space<hbm>>
          %dma_start3A_91 = arith.constant 0 : i32
          %dma_start3A_92 = tpu.memref_slice %arg4[%add3A, %multiple_of3A, %dma_start3A_91] : memref<32x120x128xi32, #tpu.memory_space<hbm>> -> memref<1x40x128xi32, #tpu.memory_space<hbm>>
          %dma_start3A_93 = tpu.memref_squeeze %dma_start3A_92 : memref<1x40x128xi32, #tpu.memory_space<hbm>> -> memref<40x128xi32, #tpu.memory_space<hbm>>
          tpu.enqueue_dma source(%dma_start3A_93 : memref<40x128xi32, #tpu.memory_space<hbm>>) target(%arg8 : memref<40x128xi32, #tpu.memory_space<vmem>>) target_semaphore(%run_scoped3A : memref<!tpu.dma_semaphore, #tpu.memory_space<semaphore_mem>>)
          %dma_wait3A_94 = arith.constant 0 : i32
          %dma_wait3A_95 = tpu.memref_slice %arg4[%add3A, %multiple_of3A, %dma_wait3A_94] : memref<32x120x128xi32, #tpu.memory_space<hbm>> -> memref<1x40x128xi32, #tpu.memory_space<hbm>>
          %dma_wait3A_96 = tpu.memref_squeeze %dma_wait3A_95 : memref<1x40x128xi32, #tpu.memory_space<hbm>> -> memref<40x128xi32, #tpu.memory_space<hbm>>
          %dma_wait3A_97 = arith.constant 0 : i32
          %dma_wait3A_98 = tpu.memref_slice %arg4[%add3A, %multiple_of3A, %dma_wait3A_97] : memref<32x120x128xi32, #tpu.memory_space<hbm>> -> memref<1x40x128xi32, #tpu.memory_space<hbm>>
          %dma_wait3A_99 = tpu.memref_squeeze %dma_wait3A_98 : memref<1x40x128xi32, #tpu.memory_space<hbm>> -> memref<40x128xi32, #tpu.memory_space<hbm>>
          tpu.wait_dma2 semaphore(%run_scoped3A : memref<!tpu.dma_semaphore, #tpu.memory_space<semaphore_mem>>) src(%dma_wait3A_99 : memref<40x128xi32, #tpu.memory_space<hbm>>) dst(%arg8 : memref<40x128xi32, #tpu.memory_space<vmem>>)
          tpu.yield
        }) : () -> ()
        %add3A_73 = arith.constant 1 : i32
        %add3A_74 = arith.addi %while3A_40, %add3A_73 : i32
        %rem3A_75 = arith.constant 2 : i32
        %rem3A_76 = arith.remsi %add3A_74, %rem3A_75 : i32
        %dma_start3A_77 = arith.constant 0 : i32
        %dma_start3A_78 = arith.constant 0 : i32
        %dma_start3A_79 = arith.constant 0 : i32
        %dma_start3A_80 = tpu.memref_slice %arg9[%rem3A_76, %dma_start3A_78, %dma_start3A_79] : memref<2x128x128xf32, #tpu.memory_space<vmem>> -> memref<1x128x128xf32, #tpu.memory_space<vmem>>
        %dma_start3A_81 = tpu.memref_squeeze %dma_start3A_80 : memref<1x128x128xf32, #tpu.memory_space<vmem>> -> memref<128x128xf32, #tpu.memory_space<vmem>>
        %dma_start3A_82 = arith.constant 0 : i32
        %dma_start3A_83 = tpu.memref_slice %arg7[%dma_start3A_77, %dma_start3A_82] : memref<40x128xi32, #tpu.memory_space<vmem>> -> memref<1x128xi32, #tpu.memory_space<vmem>>
        %dma_start3A_84 = tpu.memref_squeeze %dma_start3A_83 : memref<1x128xi32, #tpu.memory_space<vmem>> -> memref<128xi32, #tpu.memory_space<vmem>>
        %dma_start3A_85 = arith.constant 0 : i32
        %dma_start3A_86 = arith.constant 0 : i32
        %dma_start3A_87 = tpu.memref_slice %arg2[%dma_start3A_85, %dma_start3A_86] : memref<10000x128xf32, #tpu.memory_space<hbm>> -> memref<10000x128xf32, #tpu.memory_space<hbm>>
        tpu.enqueue_indirect_dma source(%dma_start3A_87 : memref<10000x128xf32, #tpu.memory_space<hbm>>) target(%dma_start3A_81 : memref<128x128xf32, #tpu.memory_space<vmem>>) offsets(%dma_start3A_84 : memref<128xi32, #tpu.memory_space<vmem>>) semaphore(%arg11 : memref<!tpu.dma_semaphore, #tpu.memory_space<semaphore_mem>>)
      } else {
      }
    }
    %barrier3A_37 = arith.constant 0 : index
    tpu.barrier barrier_id(%barrier3A_37)
    %mul3A_38 = arith.constant 625 : i32
    %mul3A_39 = arith.muli %arg1, %mul3A_38 : i32
    "tpu.region"() ({
      %run_scoped3A = tpu.sem_alloc : memref<!tpu.dma_semaphore, #tpu.memory_space<semaphore_mem>>
      %dma_start3A_40 = arith.constant 0 : i32
      %dma_start3A_41 = arith.constant 0 : i32
      %dma_start3A_42 = tpu.memref_slice %arg6[%arg0, %arg1, %dma_start3A_40, %dma_start3A_41] : memref<2x16x625x128xf32, #tpu.memory_space<hbm>> -> memref<1x1x625x128xf32, #tpu.memory_space<hbm>>
      %dma_start3A_43 = tpu.memref_squeeze %dma_start3A_42 : memref<1x1x625x128xf32, #tpu.memory_space<hbm>> -> memref<625x128xf32, #tpu.memory_space<hbm>>
      %dma_start3A_44 = arith.constant 0 : i32
      %dma_start3A_45 = tpu.memref_slice %arg10[%mul3A_39, %dma_start3A_44] : memref<10008x128xf32, #tpu.memory_space<vmem_shared>> -> memref<625x128xf32, #tpu.memory_space<vmem_shared>>
      tpu.enqueue_dma source(%dma_start3A_45 : memref<625x128xf32, #tpu.memory_space<vmem_shared>>) target(%dma_start3A_43 : memref<625x128xf32, #tpu.memory_space<hbm>>) target_semaphore(%run_scoped3A : memref<!tpu.dma_semaphore, #tpu.memory_space<semaphore_mem>>)
      %dma_wait3A = arith.constant 0 : i32
      %dma_wait3A_46 = arith.constant 0 : i32
      %dma_wait3A_47 = tpu.memref_slice %arg6[%arg0, %arg1, %dma_wait3A, %dma_wait3A_46] : memref<2x16x625x128xf32, #tpu.memory_space<hbm>> -> memref<1x1x625x128xf32, #tpu.memory_space<hbm>>
      %dma_wait3A_48 = tpu.memref_squeeze %dma_wait3A_47 : memref<1x1x625x128xf32, #tpu.memory_space<hbm>> -> memref<625x128xf32, #tpu.memory_space<hbm>>
      %dma_wait3A_49 = arith.constant 0 : i32
      %dma_wait3A_50 = tpu.memref_slice %arg10[%mul3A_39, %dma_wait3A_49] : memref<10008x128xf32, #tpu.memory_space<vmem_shared>> -> memref<625x128xf32, #tpu.memory_space<vmem_shared>>
      tpu.wait_dma2 semaphore(%run_scoped3A : memref<!tpu.dma_semaphore, #tpu.memory_space<semaphore_mem>>) src(%dma_wait3A_50 : memref<625x128xf32, #tpu.memory_space<vmem_shared>>) dst(%dma_wait3A_48 : memref<625x128xf32, #tpu.memory_space<hbm>>)
      tpu.yield
    }) : () -> ()
    return
  }
}

#map = affine_map<(d0, d1) -> (0, 0, 0)>
#map1 = affine_map<(d0, d1) -> (0, 0)>
#map2 = affine_map<(d0, d1) -> (0, 0, 0, 0)>
module attributes {stable_mosaic.version = 14 : i64} {
  func.func @_sc_histograms(%arg0: i32, %arg1: i32, %arg2: memref<32x79x128xi32, #tpu.memory_space<hbm>>, %arg3: memref<125x80xi32, #tpu.memory_space<hbm>>, %arg4: memref<128x128xf32, #tpu.memory_space<hbm>>, %arg5: memref<625x128xf32, #tpu.memory_space<hbm>>, %arg6: memref<2x16x625x128xf32, #tpu.memory_space<hbm>>, %arg7: memref<2x128x128xf32, #tpu.memory_space<hbm>>, %arg8: memref<79x128xi32, #tpu.memory_space<vmem>>, %arg9: memref<125x80xi32, #tpu.memory_space<vmem>>, %arg10: memref<128x128xf32, #tpu.memory_space<vmem>>, %arg11: memref<10136x128xf32, #tpu.memory_space<vmem_shared>>, %arg12: memref<!tpu.dma_semaphore, #tpu.memory_space<semaphore_mem>>) attributes {dimension_semantics = [#tpu.dimension_semantics<core_parallel>, #tpu.dimension_semantics<subcore_parallel>], iteration_bounds = array<i64: 2, 16>, scalar_prefetch = 0 : i64, scratch_operands = 5 : i64, tpu.core_type = #tpu.core_type<sc_vector_subcore>, window_params = [{transform_indices = #map}, {transform_indices = #map1}, {transform_indices = #map1}, {transform_indices = #map1}, {transform_indices = #map2}, {transform_indices = #map}]} {
    %mul3A = arith.constant 16 : i32
    %mul3A_0 = arith.muli %arg0, %mul3A : i32
    %add3A = arith.addi %mul3A_0, %arg1 : i32
    "tpu.region"() ({
      %run_scoped3A = tpu.sem_alloc : memref<!tpu.dma_semaphore, #tpu.memory_space<semaphore_mem>>
      %dma_start3A_77 = arith.constant 0 : i32
      %dma_start3A_78 = arith.constant 0 : i32
      %dma_start3A_79 = tpu.memref_slice %arg2[%add3A, %dma_start3A_77, %dma_start3A_78] : memref<32x79x128xi32, #tpu.memory_space<hbm>> -> memref<1x79x128xi32, #tpu.memory_space<hbm>>
      %dma_start3A_80 = tpu.memref_squeeze %dma_start3A_79 : memref<1x79x128xi32, #tpu.memory_space<hbm>> -> memref<79x128xi32, #tpu.memory_space<hbm>>
      %dma_start3A_81 = arith.constant 0 : i32
      %dma_start3A_82 = arith.constant 0 : i32
      %dma_start3A_83 = tpu.memref_slice %arg2[%add3A, %dma_start3A_81, %dma_start3A_82] : memref<32x79x128xi32, #tpu.memory_space<hbm>> -> memref<1x79x128xi32, #tpu.memory_space<hbm>>
      %dma_start3A_84 = tpu.memref_squeeze %dma_start3A_83 : memref<1x79x128xi32, #tpu.memory_space<hbm>> -> memref<79x128xi32, #tpu.memory_space<hbm>>
      tpu.enqueue_dma source(%dma_start3A_84 : memref<79x128xi32, #tpu.memory_space<hbm>>) target(%arg8 : memref<79x128xi32, #tpu.memory_space<vmem>>) target_semaphore(%run_scoped3A : memref<!tpu.dma_semaphore, #tpu.memory_space<semaphore_mem>>)
      %dma_wait3A = arith.constant 0 : i32
      %dma_wait3A_85 = arith.constant 0 : i32
      %dma_wait3A_86 = tpu.memref_slice %arg2[%add3A, %dma_wait3A, %dma_wait3A_85] : memref<32x79x128xi32, #tpu.memory_space<hbm>> -> memref<1x79x128xi32, #tpu.memory_space<hbm>>
      %dma_wait3A_87 = tpu.memref_squeeze %dma_wait3A_86 : memref<1x79x128xi32, #tpu.memory_space<hbm>> -> memref<79x128xi32, #tpu.memory_space<hbm>>
      %dma_wait3A_88 = arith.constant 0 : i32
      %dma_wait3A_89 = arith.constant 0 : i32
      %dma_wait3A_90 = tpu.memref_slice %arg2[%add3A, %dma_wait3A_88, %dma_wait3A_89] : memref<32x79x128xi32, #tpu.memory_space<hbm>> -> memref<1x79x128xi32, #tpu.memory_space<hbm>>
      %dma_wait3A_91 = tpu.memref_squeeze %dma_wait3A_90 : memref<1x79x128xi32, #tpu.memory_space<hbm>> -> memref<79x128xi32, #tpu.memory_space<hbm>>
      tpu.wait_dma2 semaphore(%run_scoped3A : memref<!tpu.dma_semaphore, #tpu.memory_space<semaphore_mem>>) src(%dma_wait3A_91 : memref<79x128xi32, #tpu.memory_space<hbm>>) dst(%arg8 : memref<79x128xi32, #tpu.memory_space<vmem>>)
      tpu.yield
    }) : () -> ()
    "tpu.region"() ({
      %run_scoped3A = tpu.sem_alloc : memref<!tpu.dma_semaphore, #tpu.memory_space<semaphore_mem>>
      tpu.enqueue_dma source(%arg3 : memref<125x80xi32, #tpu.memory_space<hbm>>) target(%arg9 : memref<125x80xi32, #tpu.memory_space<vmem>>) target_semaphore(%run_scoped3A : memref<!tpu.dma_semaphore, #tpu.memory_space<semaphore_mem>>)
      tpu.wait_dma2 semaphore(%run_scoped3A : memref<!tpu.dma_semaphore, #tpu.memory_space<semaphore_mem>>) src(%arg3 : memref<125x80xi32, #tpu.memory_space<hbm>>) dst(%arg9 : memref<125x80xi32, #tpu.memory_space<vmem>>)
      tpu.yield
    }) : () -> ()
    "tpu.region"() ({
      %run_scoped3A = tpu.sem_alloc : memref<!tpu.dma_semaphore, #tpu.memory_space<semaphore_mem>>
      tpu.enqueue_dma source(%arg4 : memref<128x128xf32, #tpu.memory_space<hbm>>) target(%arg10 : memref<128x128xf32, #tpu.memory_space<vmem>>) target_semaphore(%run_scoped3A : memref<!tpu.dma_semaphore, #tpu.memory_space<semaphore_mem>>)
      tpu.wait_dma2 semaphore(%run_scoped3A : memref<!tpu.dma_semaphore, #tpu.memory_space<semaphore_mem>>) src(%arg4 : memref<128x128xf32, #tpu.memory_space<hbm>>) dst(%arg10 : memref<128x128xf32, #tpu.memory_space<vmem>>)
      tpu.yield
    }) : () -> ()
    %mul3A_1 = arith.constant 625 : i32
    %mul3A_2 = arith.muli %arg1, %mul3A_1 : i32
    "tpu.region"() ({
      %run_scoped3A = tpu.sem_alloc : memref<!tpu.dma_semaphore, #tpu.memory_space<semaphore_mem>>
      %dma_start3A_77 = arith.constant 0 : i32
      %dma_start3A_78 = tpu.memref_slice %arg11[%mul3A_2, %dma_start3A_77] : memref<10136x128xf32, #tpu.memory_space<vmem_shared>> -> memref<625x128xf32, #tpu.memory_space<vmem_shared>>
      tpu.enqueue_dma source(%arg5 : memref<625x128xf32, #tpu.memory_space<hbm>>) target(%dma_start3A_78 : memref<625x128xf32, #tpu.memory_space<vmem_shared>>) target_semaphore(%run_scoped3A : memref<!tpu.dma_semaphore, #tpu.memory_space<semaphore_mem>>)
      %dma_wait3A = arith.constant 0 : i32
      %dma_wait3A_79 = tpu.memref_slice %arg11[%mul3A_2, %dma_wait3A] : memref<10136x128xf32, #tpu.memory_space<vmem_shared>> -> memref<625x128xf32, #tpu.memory_space<vmem_shared>>
      tpu.wait_dma2 semaphore(%run_scoped3A : memref<!tpu.dma_semaphore, #tpu.memory_space<semaphore_mem>>) src(%arg5 : memref<625x128xf32, #tpu.memory_space<hbm>>) dst(%dma_wait3A_79 : memref<625x128xf32, #tpu.memory_space<vmem_shared>>)
      tpu.yield
    }) : () -> ()
    %eq3A = arith.constant 0 : i32
    %eq3A_3 = arith.cmpi eq, %arg1, %eq3A : i32
    %convert_element_type3A = arith.extui %eq3A_3 : i1 to i32
    %cond3A = arith.constant 0 : i32
    %cond3A_4 = arith.cmpi ne, %convert_element_type3A, %cond3A : i32
    scf.if %cond3A_4 {
      "tpu.region"() ({
        %run_scoped3A = tpu.sem_alloc : memref<!tpu.dma_semaphore, #tpu.memory_space<semaphore_mem>>
        %dma_start3A_77 = arith.constant 10000 : i32
        %dma_start3A_78 = arith.constant 0 : i32
        %dma_start3A_79 = tpu.memref_slice %arg11[%dma_start3A_77, %dma_start3A_78] : memref<10136x128xf32, #tpu.memory_space<vmem_shared>> -> memref<136x128xf32, #tpu.memory_space<vmem_shared>>
        %dma_start3A_80 = arith.constant 0 : i32
        %dma_start3A_81 = arith.constant 0 : i32
        %dma_start3A_82 = tpu.memref_slice %arg5[%dma_start3A_80, %dma_start3A_81] : memref<625x128xf32, #tpu.memory_space<hbm>> -> memref<136x128xf32, #tpu.memory_space<hbm>>
        tpu.enqueue_dma source(%dma_start3A_82 : memref<136x128xf32, #tpu.memory_space<hbm>>) target(%dma_start3A_79 : memref<136x128xf32, #tpu.memory_space<vmem_shared>>) target_semaphore(%run_scoped3A : memref<!tpu.dma_semaphore, #tpu.memory_space<semaphore_mem>>)
        %dma_wait3A = arith.constant 10000 : i32
        %dma_wait3A_83 = arith.constant 0 : i32
        %dma_wait3A_84 = tpu.memref_slice %arg11[%dma_wait3A, %dma_wait3A_83] : memref<10136x128xf32, #tpu.memory_space<vmem_shared>> -> memref<136x128xf32, #tpu.memory_space<vmem_shared>>
        %dma_wait3A_85 = arith.constant 0 : i32
        %dma_wait3A_86 = arith.constant 0 : i32
        %dma_wait3A_87 = tpu.memref_slice %arg5[%dma_wait3A_85, %dma_wait3A_86] : memref<625x128xf32, #tpu.memory_space<hbm>> -> memref<136x128xf32, #tpu.memory_space<hbm>>
        tpu.wait_dma2 semaphore(%run_scoped3A : memref<!tpu.dma_semaphore, #tpu.memory_space<semaphore_mem>>) src(%dma_wait3A_87 : memref<136x128xf32, #tpu.memory_space<hbm>>) dst(%dma_wait3A_84 : memref<136x128xf32, #tpu.memory_space<vmem_shared>>)
        tpu.yield
      }) : () -> ()
    } else {
    }
    %barrier3A = arith.constant 0 : index
    tpu.barrier barrier_id(%barrier3A)
    %dma_start3A = arith.constant 0 : i32
    %dma_start3A_5 = arith.constant 0 : i32
    %dma_start3A_6 = tpu.memref_slice %arg8[%dma_start3A, %dma_start3A_5] : memref<79x128xi32, #tpu.memory_space<vmem>> -> memref<1x128xi32, #tpu.memory_space<vmem>>
    %dma_start3A_7 = tpu.memref_squeeze %dma_start3A_6 : memref<1x128xi32, #tpu.memory_space<vmem>> -> memref<128xi32, #tpu.memory_space<vmem>>
    %dma_start3A_8 = arith.constant 0 : i32
    %dma_start3A_9 = arith.constant 0 : i32
    %dma_start3A_10 = tpu.memref_slice %arg11[%dma_start3A_8, %dma_start3A_9] : memref<10136x128xf32, #tpu.memory_space<vmem_shared>> -> memref<10136x128xf32, #tpu.memory_space<vmem_shared>>
    tpu.enqueue_indirect_dma source(%arg10 : memref<128x128xf32, #tpu.memory_space<vmem>>) target(%dma_start3A_10 : memref<10136x128xf32, #tpu.memory_space<vmem_shared>>) offsets(%dma_start3A_7 : memref<128xi32, #tpu.memory_space<vmem>>) semaphore(%arg12 : memref<!tpu.dma_semaphore, #tpu.memory_space<semaphore_mem>>) {add = true}
    %dma_start3A_11 = arith.constant 1 : i32
    %dma_start3A_12 = arith.constant 0 : i32
    %dma_start3A_13 = tpu.memref_slice %arg8[%dma_start3A_11, %dma_start3A_12] : memref<79x128xi32, #tpu.memory_space<vmem>> -> memref<1x128xi32, #tpu.memory_space<vmem>>
    %dma_start3A_14 = tpu.memref_squeeze %dma_start3A_13 : memref<1x128xi32, #tpu.memory_space<vmem>> -> memref<128xi32, #tpu.memory_space<vmem>>
    %dma_start3A_15 = arith.constant 0 : i32
    %dma_start3A_16 = arith.constant 0 : i32
    %dma_start3A_17 = tpu.memref_slice %arg11[%dma_start3A_15, %dma_start3A_16] : memref<10136x128xf32, #tpu.memory_space<vmem_shared>> -> memref<10136x128xf32, #tpu.memory_space<vmem_shared>>
    tpu.enqueue_indirect_dma source(%arg10 : memref<128x128xf32, #tpu.memory_space<vmem>>) target(%dma_start3A_17 : memref<10136x128xf32, #tpu.memory_space<vmem_shared>>) offsets(%dma_start3A_14 : memref<128xi32, #tpu.memory_space<vmem>>) semaphore(%arg12 : memref<!tpu.dma_semaphore, #tpu.memory_space<semaphore_mem>>) {add = true}
    %dma_start3A_18 = arith.constant 2 : i32
    %dma_start3A_19 = arith.constant 0 : i32
    %dma_start3A_20 = tpu.memref_slice %arg8[%dma_start3A_18, %dma_start3A_19] : memref<79x128xi32, #tpu.memory_space<vmem>> -> memref<1x128xi32, #tpu.memory_space<vmem>>
    %dma_start3A_21 = tpu.memref_squeeze %dma_start3A_20 : memref<1x128xi32, #tpu.memory_space<vmem>> -> memref<128xi32, #tpu.memory_space<vmem>>
    %dma_start3A_22 = arith.constant 0 : i32
    %dma_start3A_23 = arith.constant 0 : i32
    %dma_start3A_24 = tpu.memref_slice %arg11[%dma_start3A_22, %dma_start3A_23] : memref<10136x128xf32, #tpu.memory_space<vmem_shared>> -> memref<10136x128xf32, #tpu.memory_space<vmem_shared>>
    tpu.enqueue_indirect_dma source(%arg10 : memref<128x128xf32, #tpu.memory_space<vmem>>) target(%dma_start3A_24 : memref<10136x128xf32, #tpu.memory_space<vmem_shared>>) offsets(%dma_start3A_21 : memref<128xi32, #tpu.memory_space<vmem>>) semaphore(%arg12 : memref<!tpu.dma_semaphore, #tpu.memory_space<semaphore_mem>>) {add = true}
    %dma_start3A_25 = arith.constant 3 : i32
    %dma_start3A_26 = arith.constant 0 : i32
    %dma_start3A_27 = tpu.memref_slice %arg8[%dma_start3A_25, %dma_start3A_26] : memref<79x128xi32, #tpu.memory_space<vmem>> -> memref<1x128xi32, #tpu.memory_space<vmem>>
    %dma_start3A_28 = tpu.memref_squeeze %dma_start3A_27 : memref<1x128xi32, #tpu.memory_space<vmem>> -> memref<128xi32, #tpu.memory_space<vmem>>
    %dma_start3A_29 = arith.constant 0 : i32
    %dma_start3A_30 = arith.constant 0 : i32
    %dma_start3A_31 = tpu.memref_slice %arg11[%dma_start3A_29, %dma_start3A_30] : memref<10136x128xf32, #tpu.memory_space<vmem_shared>> -> memref<10136x128xf32, #tpu.memory_space<vmem_shared>>
    tpu.enqueue_indirect_dma source(%arg10 : memref<128x128xf32, #tpu.memory_space<vmem>>) target(%dma_start3A_31 : memref<10136x128xf32, #tpu.memory_space<vmem_shared>>) offsets(%dma_start3A_28 : memref<128xi32, #tpu.memory_space<vmem>>) semaphore(%arg12 : memref<!tpu.dma_semaphore, #tpu.memory_space<semaphore_mem>>) {add = true}
    %dma_start3A_32 = arith.constant 4 : i32
    %dma_start3A_33 = arith.constant 0 : i32
    %dma_start3A_34 = tpu.memref_slice %arg8[%dma_start3A_32, %dma_start3A_33] : memref<79x128xi32, #tpu.memory_space<vmem>> -> memref<1x128xi32, #tpu.memory_space<vmem>>
    %dma_start3A_35 = tpu.memref_squeeze %dma_start3A_34 : memref<1x128xi32, #tpu.memory_space<vmem>> -> memref<128xi32, #tpu.memory_space<vmem>>
    %dma_start3A_36 = arith.constant 0 : i32
    %dma_start3A_37 = arith.constant 0 : i32
    %dma_start3A_38 = tpu.memref_slice %arg11[%dma_start3A_36, %dma_start3A_37] : memref<10136x128xf32, #tpu.memory_space<vmem_shared>> -> memref<10136x128xf32, #tpu.memory_space<vmem_shared>>
    tpu.enqueue_indirect_dma source(%arg10 : memref<128x128xf32, #tpu.memory_space<vmem>>) target(%dma_start3A_38 : memref<10136x128xf32, #tpu.memory_space<vmem_shared>>) offsets(%dma_start3A_35 : memref<128xi32, #tpu.memory_space<vmem>>) semaphore(%arg12 : memref<!tpu.dma_semaphore, #tpu.memory_space<semaphore_mem>>) {add = true}
    %dma_start3A_39 = arith.constant 5 : i32
    %dma_start3A_40 = arith.constant 0 : i32
    %dma_start3A_41 = tpu.memref_slice %arg8[%dma_start3A_39, %dma_start3A_40] : memref<79x128xi32, #tpu.memory_space<vmem>> -> memref<1x128xi32, #tpu.memory_space<vmem>>
    %dma_start3A_42 = tpu.memref_squeeze %dma_start3A_41 : memref<1x128xi32, #tpu.memory_space<vmem>> -> memref<128xi32, #tpu.memory_space<vmem>>
    %dma_start3A_43 = arith.constant 0 : i32
    %dma_start3A_44 = arith.constant 0 : i32
    %dma_start3A_45 = tpu.memref_slice %arg11[%dma_start3A_43, %dma_start3A_44] : memref<10136x128xf32, #tpu.memory_space<vmem_shared>> -> memref<10136x128xf32, #tpu.memory_space<vmem_shared>>
    tpu.enqueue_indirect_dma source(%arg10 : memref<128x128xf32, #tpu.memory_space<vmem>>) target(%dma_start3A_45 : memref<10136x128xf32, #tpu.memory_space<vmem_shared>>) offsets(%dma_start3A_42 : memref<128xi32, #tpu.memory_space<vmem>>) semaphore(%arg12 : memref<!tpu.dma_semaphore, #tpu.memory_space<semaphore_mem>>) {add = true}
    %dma_start3A_46 = arith.constant 6 : i32
    %dma_start3A_47 = arith.constant 0 : i32
    %dma_start3A_48 = tpu.memref_slice %arg8[%dma_start3A_46, %dma_start3A_47] : memref<79x128xi32, #tpu.memory_space<vmem>> -> memref<1x128xi32, #tpu.memory_space<vmem>>
    %dma_start3A_49 = tpu.memref_squeeze %dma_start3A_48 : memref<1x128xi32, #tpu.memory_space<vmem>> -> memref<128xi32, #tpu.memory_space<vmem>>
    %dma_start3A_50 = arith.constant 0 : i32
    %dma_start3A_51 = arith.constant 0 : i32
    %dma_start3A_52 = tpu.memref_slice %arg11[%dma_start3A_50, %dma_start3A_51] : memref<10136x128xf32, #tpu.memory_space<vmem_shared>> -> memref<10136x128xf32, #tpu.memory_space<vmem_shared>>
    tpu.enqueue_indirect_dma source(%arg10 : memref<128x128xf32, #tpu.memory_space<vmem>>) target(%dma_start3A_52 : memref<10136x128xf32, #tpu.memory_space<vmem_shared>>) offsets(%dma_start3A_49 : memref<128xi32, #tpu.memory_space<vmem>>) semaphore(%arg12 : memref<!tpu.dma_semaphore, #tpu.memory_space<semaphore_mem>>) {add = true}
    %dma_start3A_53 = arith.constant 7 : i32
    %dma_start3A_54 = arith.constant 0 : i32
    %dma_start3A_55 = tpu.memref_slice %arg8[%dma_start3A_53, %dma_start3A_54] : memref<79x128xi32, #tpu.memory_space<vmem>> -> memref<1x128xi32, #tpu.memory_space<vmem>>
    %dma_start3A_56 = tpu.memref_squeeze %dma_start3A_55 : memref<1x128xi32, #tpu.memory_space<vmem>> -> memref<128xi32, #tpu.memory_space<vmem>>
    %dma_start3A_57 = arith.constant 0 : i32
    %dma_start3A_58 = arith.constant 0 : i32
    %dma_start3A_59 = tpu.memref_slice %arg11[%dma_start3A_57, %dma_start3A_58] : memref<10136x128xf32, #tpu.memory_space<vmem_shared>> -> memref<10136x128xf32, #tpu.memory_space<vmem_shared>>
    tpu.enqueue_indirect_dma source(%arg10 : memref<128x128xf32, #tpu.memory_space<vmem>>) target(%dma_start3A_59 : memref<10136x128xf32, #tpu.memory_space<vmem_shared>>) offsets(%dma_start3A_56 : memref<128xi32, #tpu.memory_space<vmem>>) semaphore(%arg12 : memref<!tpu.dma_semaphore, #tpu.memory_space<semaphore_mem>>) {add = true}
    %scan3A = arith.constant 0 : i32
    %scan3A_60 = arith.constant 79 : i32
    %scan3A_61 = arith.addi %scan3A, %scan3A_60 : i32
    %scan3A_62 = arith.constant 1 : i32
    scf.for %scan3A_77 = %scan3A to %scan3A_61 step %scan3A_62  : i32 {
      %add3A_78 = arith.constant 8 : i32
      %add3A_79 = arith.addi %scan3A_77, %add3A_78 : i32
      %lt3A = arith.constant 79 : i32
      %lt3A_80 = arith.cmpi slt, %add3A_79, %lt3A : i32
      %convert_element_type3A_81 = arith.extui %lt3A_80 : i1 to i32
      %cond3A_82 = arith.constant 0 : i32
      %cond3A_83 = arith.cmpi ne, %convert_element_type3A_81, %cond3A_82 : i32
      scf.if %cond3A_83 {
        %add3A_89 = arith.constant 8 : i32
        %add3A_90 = arith.addi %scan3A_77, %add3A_89 : i32
        %dma_start3A_91 = arith.constant 0 : i32
        %dma_start3A_92 = tpu.memref_slice %arg8[%add3A_90, %dma_start3A_91] : memref<79x128xi32, #tpu.memory_space<vmem>> -> memref<1x128xi32, #tpu.memory_space<vmem>>
        %dma_start3A_93 = tpu.memref_squeeze %dma_start3A_92 : memref<1x128xi32, #tpu.memory_space<vmem>> -> memref<128xi32, #tpu.memory_space<vmem>>
        %dma_start3A_94 = arith.constant 0 : i32
        %dma_start3A_95 = arith.constant 0 : i32
        %dma_start3A_96 = tpu.memref_slice %arg11[%dma_start3A_94, %dma_start3A_95] : memref<10136x128xf32, #tpu.memory_space<vmem_shared>> -> memref<10136x128xf32, #tpu.memory_space<vmem_shared>>
        tpu.enqueue_indirect_dma source(%arg10 : memref<128x128xf32, #tpu.memory_space<vmem>>) target(%dma_start3A_96 : memref<10136x128xf32, #tpu.memory_space<vmem_shared>>) offsets(%dma_start3A_93 : memref<128xi32, #tpu.memory_space<vmem>>) semaphore(%arg12 : memref<!tpu.dma_semaphore, #tpu.memory_space<semaphore_mem>>) {add = true}
      } else {
      }
      %dma_wait3A = arith.constant 0 : i32
      %dma_wait3A_84 = tpu.memref_slice %arg8[%scan3A_77, %dma_wait3A] : memref<79x128xi32, #tpu.memory_space<vmem>> -> memref<1x128xi32, #tpu.memory_space<vmem>>
      %dma_wait3A_85 = tpu.memref_squeeze %dma_wait3A_84 : memref<1x128xi32, #tpu.memory_space<vmem>> -> memref<128xi32, #tpu.memory_space<vmem>>
      %dma_wait3A_86 = arith.constant 0 : i32
      %dma_wait3A_87 = arith.constant 0 : i32
      %dma_wait3A_88 = tpu.memref_slice %arg11[%dma_wait3A_86, %dma_wait3A_87] : memref<10136x128xf32, #tpu.memory_space<vmem_shared>> -> memref<10136x128xf32, #tpu.memory_space<vmem_shared>>
      tpu.wait_indirect_dma semaphore(%arg12 : memref<!tpu.dma_semaphore, #tpu.memory_space<semaphore_mem>>) src(%arg10 : memref<128x128xf32, #tpu.memory_space<vmem>>) dst(%dma_wait3A_88 : memref<10136x128xf32, #tpu.memory_space<vmem_shared>>)
    }
    %scan3A_63 = arith.constant 79 : i32
    %scan3A_64 = arith.constant 0 : i32
    %scan3A_65 = arith.constant 4 : i32
    %scan3A_66 = arith.addi %scan3A_64, %scan3A_65 : i32
    %scan3A_67 = arith.constant 1 : i32
    scf.for %scan3A_77 = %scan3A_64 to %scan3A_66 step %scan3A_67  : i32 {
      %mul3A_78 = arith.constant 32 : i32
      %mul3A_79 = arith.muli %scan3A_77, %mul3A_78 : i32
      %add3A_80 = arith.addi %add3A, %mul3A_79 : i32
      %lt3A = arith.constant 125 : i32
      %lt3A_81 = arith.cmpi slt, %add3A_80, %lt3A : i32
      %convert_element_type3A_82 = arith.extui %lt3A_81 : i1 to i32
      %cond3A_83 = arith.constant 0 : i32
      %cond3A_84 = arith.cmpi ne, %convert_element_type3A_82, %cond3A_83 : i32
      scf.if %cond3A_84 {
        "tpu.region"() ({
          %run_scoped3A = tpu.sem_alloc : memref<!tpu.dma_semaphore, #tpu.memory_space<semaphore_mem>>
          %dma_start3A_85 = arith.constant 0 : i32
          %dma_start3A_86 = arith.constant 0 : i32
          %dma_start3A_87 = tpu.memref_slice %arg10[%dma_start3A_85, %dma_start3A_86] : memref<128x128xf32, #tpu.memory_space<vmem>> -> memref<80x128xf32, #tpu.memory_space<vmem>>
          %dma_start3A_88 = arith.constant 0 : i32
          %dma_start3A_89 = tpu.memref_slice %arg9[%add3A_80, %dma_start3A_88] : memref<125x80xi32, #tpu.memory_space<vmem>> -> memref<1x80xi32, #tpu.memory_space<vmem>>
          %dma_start3A_90 = tpu.memref_squeeze %dma_start3A_89 : memref<1x80xi32, #tpu.memory_space<vmem>> -> memref<80xi32, #tpu.memory_space<vmem>>
          %dma_start3A_91 = arith.constant 0 : i32
          %dma_start3A_92 = arith.constant 0 : i32
          %dma_start3A_93 = tpu.memref_slice %arg11[%dma_start3A_91, %dma_start3A_92] : memref<10136x128xf32, #tpu.memory_space<vmem_shared>> -> memref<10136x128xf32, #tpu.memory_space<vmem_shared>>
          tpu.enqueue_indirect_dma source(%dma_start3A_87 : memref<80x128xf32, #tpu.memory_space<vmem>>) target(%dma_start3A_93 : memref<10136x128xf32, #tpu.memory_space<vmem_shared>>) offsets(%dma_start3A_90 : memref<80xi32, #tpu.memory_space<vmem>>) semaphore(%run_scoped3A : memref<!tpu.dma_semaphore, #tpu.memory_space<semaphore_mem>>) {add = true}
          %dma_wait3A = arith.constant 0 : i32
          %dma_wait3A_94 = arith.constant 0 : i32
          %dma_wait3A_95 = tpu.memref_slice %arg10[%dma_wait3A, %dma_wait3A_94] : memref<128x128xf32, #tpu.memory_space<vmem>> -> memref<80x128xf32, #tpu.memory_space<vmem>>
          %dma_wait3A_96 = arith.constant 0 : i32
          %dma_wait3A_97 = tpu.memref_slice %arg9[%add3A_80, %dma_wait3A_96] : memref<125x80xi32, #tpu.memory_space<vmem>> -> memref<1x80xi32, #tpu.memory_space<vmem>>
          %dma_wait3A_98 = tpu.memref_squeeze %dma_wait3A_97 : memref<1x80xi32, #tpu.memory_space<vmem>> -> memref<80xi32, #tpu.memory_space<vmem>>
          %dma_wait3A_99 = arith.constant 0 : i32
          %dma_wait3A_100 = arith.constant 0 : i32
          %dma_wait3A_101 = tpu.memref_slice %arg11[%dma_wait3A_99, %dma_wait3A_100] : memref<10136x128xf32, #tpu.memory_space<vmem_shared>> -> memref<10136x128xf32, #tpu.memory_space<vmem_shared>>
          tpu.wait_indirect_dma semaphore(%run_scoped3A : memref<!tpu.dma_semaphore, #tpu.memory_space<semaphore_mem>>) src(%dma_wait3A_95 : memref<80x128xf32, #tpu.memory_space<vmem>>) dst(%dma_wait3A_101 : memref<10136x128xf32, #tpu.memory_space<vmem_shared>>)
          tpu.yield
        }) : () -> ()
      } else {
      }
    }
    %scan3A_68 = arith.constant 4 : i32
    %barrier3A_69 = arith.constant 0 : index
    tpu.barrier barrier_id(%barrier3A_69)
    %mul3A_70 = arith.constant 625 : i32
    %mul3A_71 = arith.muli %arg1, %mul3A_70 : i32
    "tpu.region"() ({
      %run_scoped3A = tpu.sem_alloc : memref<!tpu.dma_semaphore, #tpu.memory_space<semaphore_mem>>
      %dma_start3A_77 = arith.constant 0 : i32
      %dma_start3A_78 = arith.constant 0 : i32
      %dma_start3A_79 = tpu.memref_slice %arg6[%arg0, %arg1, %dma_start3A_77, %dma_start3A_78] : memref<2x16x625x128xf32, #tpu.memory_space<hbm>> -> memref<1x1x625x128xf32, #tpu.memory_space<hbm>>
      %dma_start3A_80 = tpu.memref_squeeze %dma_start3A_79 : memref<1x1x625x128xf32, #tpu.memory_space<hbm>> -> memref<625x128xf32, #tpu.memory_space<hbm>>
      %dma_start3A_81 = arith.constant 0 : i32
      %dma_start3A_82 = tpu.memref_slice %arg11[%mul3A_71, %dma_start3A_81] : memref<10136x128xf32, #tpu.memory_space<vmem_shared>> -> memref<625x128xf32, #tpu.memory_space<vmem_shared>>
      tpu.enqueue_dma source(%dma_start3A_82 : memref<625x128xf32, #tpu.memory_space<vmem_shared>>) target(%dma_start3A_80 : memref<625x128xf32, #tpu.memory_space<hbm>>) target_semaphore(%run_scoped3A : memref<!tpu.dma_semaphore, #tpu.memory_space<semaphore_mem>>)
      %dma_wait3A = arith.constant 0 : i32
      %dma_wait3A_83 = arith.constant 0 : i32
      %dma_wait3A_84 = tpu.memref_slice %arg6[%arg0, %arg1, %dma_wait3A, %dma_wait3A_83] : memref<2x16x625x128xf32, #tpu.memory_space<hbm>> -> memref<1x1x625x128xf32, #tpu.memory_space<hbm>>
      %dma_wait3A_85 = tpu.memref_squeeze %dma_wait3A_84 : memref<1x1x625x128xf32, #tpu.memory_space<hbm>> -> memref<625x128xf32, #tpu.memory_space<hbm>>
      %dma_wait3A_86 = arith.constant 0 : i32
      %dma_wait3A_87 = tpu.memref_slice %arg11[%mul3A_71, %dma_wait3A_86] : memref<10136x128xf32, #tpu.memory_space<vmem_shared>> -> memref<625x128xf32, #tpu.memory_space<vmem_shared>>
      tpu.wait_dma2 semaphore(%run_scoped3A : memref<!tpu.dma_semaphore, #tpu.memory_space<semaphore_mem>>) src(%dma_wait3A_87 : memref<625x128xf32, #tpu.memory_space<vmem_shared>>) dst(%dma_wait3A_85 : memref<625x128xf32, #tpu.memory_space<hbm>>)
      tpu.yield
    }) : () -> ()
    %eq3A_72 = arith.constant 0 : i32
    %eq3A_73 = arith.cmpi eq, %arg1, %eq3A_72 : i32
    %convert_element_type3A_74 = arith.extui %eq3A_73 : i1 to i32
    %cond3A_75 = arith.constant 0 : i32
    %cond3A_76 = arith.cmpi ne, %convert_element_type3A_74, %cond3A_75 : i32
    scf.if %cond3A_76 {
      "tpu.region"() ({
        %run_scoped3A = tpu.sem_alloc : memref<!tpu.dma_semaphore, #tpu.memory_space<semaphore_mem>>
        %dma_start3A_77 = arith.constant 0 : i32
        %dma_start3A_78 = arith.constant 0 : i32
        %dma_start3A_79 = tpu.memref_slice %arg7[%arg0, %dma_start3A_77, %dma_start3A_78] : memref<2x128x128xf32, #tpu.memory_space<hbm>> -> memref<1x128x128xf32, #tpu.memory_space<hbm>>
        %dma_start3A_80 = tpu.memref_squeeze %dma_start3A_79 : memref<1x128x128xf32, #tpu.memory_space<hbm>> -> memref<128x128xf32, #tpu.memory_space<hbm>>
        %dma_start3A_81 = arith.constant 10008 : i32
        %dma_start3A_82 = arith.constant 0 : i32
        %dma_start3A_83 = tpu.memref_slice %arg11[%dma_start3A_81, %dma_start3A_82] : memref<10136x128xf32, #tpu.memory_space<vmem_shared>> -> memref<128x128xf32, #tpu.memory_space<vmem_shared>>
        tpu.enqueue_dma source(%dma_start3A_83 : memref<128x128xf32, #tpu.memory_space<vmem_shared>>) target(%dma_start3A_80 : memref<128x128xf32, #tpu.memory_space<hbm>>) target_semaphore(%run_scoped3A : memref<!tpu.dma_semaphore, #tpu.memory_space<semaphore_mem>>)
        %dma_wait3A = arith.constant 0 : i32
        %dma_wait3A_84 = arith.constant 0 : i32
        %dma_wait3A_85 = tpu.memref_slice %arg7[%arg0, %dma_wait3A, %dma_wait3A_84] : memref<2x128x128xf32, #tpu.memory_space<hbm>> -> memref<1x128x128xf32, #tpu.memory_space<hbm>>
        %dma_wait3A_86 = tpu.memref_squeeze %dma_wait3A_85 : memref<1x128x128xf32, #tpu.memory_space<hbm>> -> memref<128x128xf32, #tpu.memory_space<hbm>>
        %dma_wait3A_87 = arith.constant 10008 : i32
        %dma_wait3A_88 = arith.constant 0 : i32
        %dma_wait3A_89 = tpu.memref_slice %arg11[%dma_wait3A_87, %dma_wait3A_88] : memref<10136x128xf32, #tpu.memory_space<vmem_shared>> -> memref<128x128xf32, #tpu.memory_space<vmem_shared>>
        tpu.wait_dma2 semaphore(%run_scoped3A : memref<!tpu.dma_semaphore, #tpu.memory_space<semaphore_mem>>) src(%dma_wait3A_89 : memref<128x128xf32, #tpu.memory_space<vmem_shared>>) dst(%dma_wait3A_86 : memref<128x128xf32, #tpu.memory_space<hbm>>)
        tpu.yield
      }) : () -> ()
    } else {
    }
    return
  }
}

#map = affine_map<(d0, d1) -> (0, 0)>
#map1 = affine_map<(d0, d1) -> (0, 0, 0)>
#map2 = affine_map<(d0, d1) -> (0, 0, 0, 0)>
module attributes {stable_mosaic.version = 14 : i64} {
  func.func @_sc_aggregate(%arg0: i32, %arg1: i32, %arg2: memref<10000x128xf32, #tpu.memory_space<hbm>>, %arg3: memref<32x120x128xi32, #tpu.memory_space<hbm>>, %arg4: memref<32x120x128xi32, #tpu.memory_space<hbm>>, %arg5: memref<625x128xf32, #tpu.memory_space<hbm>>, %arg6: memref<2x16x625x128xf32, #tpu.memory_space<hbm>>, %arg7: memref<40x128xi32, #tpu.memory_space<vmem>>, %arg8: memref<40x128xi32, #tpu.memory_space<vmem>>, %arg9: memref<2x128x128xf32, #tpu.memory_space<vmem>>, %arg10: memref<10008x128xf32, #tpu.memory_space<vmem_shared>>, %arg11: memref<!tpu.dma_semaphore, #tpu.memory_space<semaphore_mem>>) attributes {dimension_semantics = [#tpu.dimension_semantics<core_parallel>, #tpu.dimension_semantics<subcore_parallel>], iteration_bounds = array<i64: 2, 16>, scalar_prefetch = 0 : i64, scratch_operands = 5 : i64, tpu.core_type = #tpu.core_type<sc_vector_subcore>, window_params = [{transform_indices = #map}, {transform_indices = #map1}, {transform_indices = #map1}, {transform_indices = #map}, {transform_indices = #map2}]} {
    %mul3A = arith.constant 16 : i32
    %mul3A_0 = arith.muli %arg0, %mul3A : i32
    %add3A = arith.addi %mul3A_0, %arg1 : i32
    %eq3A = arith.constant 0 : i32
    %eq3A_1 = arith.cmpi eq, %arg0, %eq3A : i32
    %jit3A = arith.constant 50 : i32
    %jit3A_2 = arith.constant 108 : i32
    %select_n3A = arith.select %eq3A_1, %jit3A, %jit3A_2 : i32
    "tpu.region"() ({
      %run_scoped3A = tpu.sem_alloc : memref<!tpu.dma_semaphore, #tpu.memory_space<semaphore_mem>>
      %dma_start3A_40 = arith.constant 0 : i32
      %dma_start3A_41 = arith.constant 0 : i32
      %dma_start3A_42 = tpu.memref_slice %arg3[%add3A, %dma_start3A_40, %dma_start3A_41] : memref<32x120x128xi32, #tpu.memory_space<hbm>> -> memref<1x40x128xi32, #tpu.memory_space<hbm>>
      %dma_start3A_43 = tpu.memref_squeeze %dma_start3A_42 : memref<1x40x128xi32, #tpu.memory_space<hbm>> -> memref<40x128xi32, #tpu.memory_space<hbm>>
      %dma_start3A_44 = arith.constant 0 : i32
      %dma_start3A_45 = arith.constant 0 : i32
      %dma_start3A_46 = tpu.memref_slice %arg3[%add3A, %dma_start3A_44, %dma_start3A_45] : memref<32x120x128xi32, #tpu.memory_space<hbm>> -> memref<1x40x128xi32, #tpu.memory_space<hbm>>
      %dma_start3A_47 = tpu.memref_squeeze %dma_start3A_46 : memref<1x40x128xi32, #tpu.memory_space<hbm>> -> memref<40x128xi32, #tpu.memory_space<hbm>>
      tpu.enqueue_dma source(%dma_start3A_47 : memref<40x128xi32, #tpu.memory_space<hbm>>) target(%arg7 : memref<40x128xi32, #tpu.memory_space<vmem>>) target_semaphore(%run_scoped3A : memref<!tpu.dma_semaphore, #tpu.memory_space<semaphore_mem>>)
      %dma_wait3A = arith.constant 0 : i32
      %dma_wait3A_48 = arith.constant 0 : i32
      %dma_wait3A_49 = tpu.memref_slice %arg3[%add3A, %dma_wait3A, %dma_wait3A_48] : memref<32x120x128xi32, #tpu.memory_space<hbm>> -> memref<1x40x128xi32, #tpu.memory_space<hbm>>
      %dma_wait3A_50 = tpu.memref_squeeze %dma_wait3A_49 : memref<1x40x128xi32, #tpu.memory_space<hbm>> -> memref<40x128xi32, #tpu.memory_space<hbm>>
      %dma_wait3A_51 = arith.constant 0 : i32
      %dma_wait3A_52 = arith.constant 0 : i32
      %dma_wait3A_53 = tpu.memref_slice %arg3[%add3A, %dma_wait3A_51, %dma_wait3A_52] : memref<32x120x128xi32, #tpu.memory_space<hbm>> -> memref<1x40x128xi32, #tpu.memory_space<hbm>>
      %dma_wait3A_54 = tpu.memref_squeeze %dma_wait3A_53 : memref<1x40x128xi32, #tpu.memory_space<hbm>> -> memref<40x128xi32, #tpu.memory_space<hbm>>
      tpu.wait_dma2 semaphore(%run_scoped3A : memref<!tpu.dma_semaphore, #tpu.memory_space<semaphore_mem>>) src(%dma_wait3A_54 : memref<40x128xi32, #tpu.memory_space<hbm>>) dst(%arg7 : memref<40x128xi32, #tpu.memory_space<vmem>>)
      tpu.yield
    }) : () -> ()
    "tpu.region"() ({
      %run_scoped3A = tpu.sem_alloc : memref<!tpu.dma_semaphore, #tpu.memory_space<semaphore_mem>>
      %dma_start3A_40 = arith.constant 0 : i32
      %dma_start3A_41 = arith.constant 0 : i32
      %dma_start3A_42 = tpu.memref_slice %arg4[%add3A, %dma_start3A_40, %dma_start3A_41] : memref<32x120x128xi32, #tpu.memory_space<hbm>> -> memref<1x40x128xi32, #tpu.memory_space<hbm>>
      %dma_start3A_43 = tpu.memref_squeeze %dma_start3A_42 : memref<1x40x128xi32, #tpu.memory_space<hbm>> -> memref<40x128xi32, #tpu.memory_space<hbm>>
      %dma_start3A_44 = arith.constant 0 : i32
      %dma_start3A_45 = arith.constant 0 : i32
      %dma_start3A_46 = tpu.memref_slice %arg4[%add3A, %dma_start3A_44, %dma_start3A_45] : memref<32x120x128xi32, #tpu.memory_space<hbm>> -> memref<1x40x128xi32, #tpu.memory_space<hbm>>
      %dma_start3A_47 = tpu.memref_squeeze %dma_start3A_46 : memref<1x40x128xi32, #tpu.memory_space<hbm>> -> memref<40x128xi32, #tpu.memory_space<hbm>>
      tpu.enqueue_dma source(%dma_start3A_47 : memref<40x128xi32, #tpu.memory_space<hbm>>) target(%arg8 : memref<40x128xi32, #tpu.memory_space<vmem>>) target_semaphore(%run_scoped3A : memref<!tpu.dma_semaphore, #tpu.memory_space<semaphore_mem>>)
      %dma_wait3A = arith.constant 0 : i32
      %dma_wait3A_48 = arith.constant 0 : i32
      %dma_wait3A_49 = tpu.memref_slice %arg4[%add3A, %dma_wait3A, %dma_wait3A_48] : memref<32x120x128xi32, #tpu.memory_space<hbm>> -> memref<1x40x128xi32, #tpu.memory_space<hbm>>
      %dma_wait3A_50 = tpu.memref_squeeze %dma_wait3A_49 : memref<1x40x128xi32, #tpu.memory_space<hbm>> -> memref<40x128xi32, #tpu.memory_space<hbm>>
      %dma_wait3A_51 = arith.constant 0 : i32
      %dma_wait3A_52 = arith.constant 0 : i32
      %dma_wait3A_53 = tpu.memref_slice %arg4[%add3A, %dma_wait3A_51, %dma_wait3A_52] : memref<32x120x128xi32, #tpu.memory_space<hbm>> -> memref<1x40x128xi32, #tpu.memory_space<hbm>>
      %dma_wait3A_54 = tpu.memref_squeeze %dma_wait3A_53 : memref<1x40x128xi32, #tpu.memory_space<hbm>> -> memref<40x128xi32, #tpu.memory_space<hbm>>
      tpu.wait_dma2 semaphore(%run_scoped3A : memref<!tpu.dma_semaphore, #tpu.memory_space<semaphore_mem>>) src(%dma_wait3A_54 : memref<40x128xi32, #tpu.memory_space<hbm>>) dst(%arg8 : memref<40x128xi32, #tpu.memory_space<vmem>>)
      tpu.yield
    }) : () -> ()
    %eq3A_3 = arith.constant 0 : i32
    %eq3A_4 = arith.cmpi eq, %arg0, %eq3A_3 : i32
    %eq3A_5 = arith.constant 0 : i32
    %eq3A_6 = arith.cmpi eq, %arg1, %eq3A_5 : i32
    %and3A = arith.andi %eq3A_4, %eq3A_6 : i1
    %convert_element_type3A = arith.extui %and3A : i1 to i32
    %cond3A = arith.constant 0 : i32
    %cond3A_7 = arith.cmpi ne, %convert_element_type3A, %cond3A : i32
    scf.if %cond3A_7 {
      "tpu.region"() ({
        %run_scoped3A = tpu.sem_alloc : memref<!tpu.dma_semaphore, #tpu.memory_space<semaphore_mem>>
        %dma_start3A_40 = arith.constant 0 : i32
        %dma_start3A_41 = arith.constant 0 : i32
        %dma_start3A_42 = tpu.memref_slice %arg10[%dma_start3A_40, %dma_start3A_41] : memref<10008x128xf32, #tpu.memory_space<vmem_shared>> -> memref<10000x128xf32, #tpu.memory_space<vmem_shared>>
        tpu.enqueue_dma source(%arg2 : memref<10000x128xf32, #tpu.memory_space<hbm>>) target(%dma_start3A_42 : memref<10000x128xf32, #tpu.memory_space<vmem_shared>>) target_semaphore(%run_scoped3A : memref<!tpu.dma_semaphore, #tpu.memory_space<semaphore_mem>>)
        %dma_wait3A = arith.constant 0 : i32
        %dma_wait3A_43 = arith.constant 0 : i32
        %dma_wait3A_44 = tpu.memref_slice %arg10[%dma_wait3A, %dma_wait3A_43] : memref<10008x128xf32, #tpu.memory_space<vmem_shared>> -> memref<10000x128xf32, #tpu.memory_space<vmem_shared>>
        tpu.wait_dma2 semaphore(%run_scoped3A : memref<!tpu.dma_semaphore, #tpu.memory_space<semaphore_mem>>) src(%arg2 : memref<10000x128xf32, #tpu.memory_space<hbm>>) dst(%dma_wait3A_44 : memref<10000x128xf32, #tpu.memory_space<vmem_shared>>)
        tpu.yield
      }) : () -> ()
    } else {
    }
    %eq3A_8 = arith.constant 1 : i32
    %eq3A_9 = arith.cmpi eq, %arg0, %eq3A_8 : i32
    %convert_element_type3A_10 = arith.extui %eq3A_9 : i1 to i32
    %cond3A_11 = arith.constant 0 : i32
    %cond3A_12 = arith.cmpi ne, %convert_element_type3A_10, %cond3A_11 : i32
    scf.if %cond3A_12 {
      %mul3A_40 = arith.constant 625 : i32
      %mul3A_41 = arith.muli %arg1, %mul3A_40 : i32
      "tpu.region"() ({
        %run_scoped3A = tpu.sem_alloc : memref<!tpu.dma_semaphore, #tpu.memory_space<semaphore_mem>>
        %dma_start3A_42 = arith.constant 0 : i32
        %dma_start3A_43 = tpu.memref_slice %arg10[%mul3A_41, %dma_start3A_42] : memref<10008x128xf32, #tpu.memory_space<vmem_shared>> -> memref<625x128xf32, #tpu.memory_space<vmem_shared>>
        tpu.enqueue_dma source(%arg5 : memref<625x128xf32, #tpu.memory_space<hbm>>) target(%dma_start3A_43 : memref<625x128xf32, #tpu.memory_space<vmem_shared>>) target_semaphore(%run_scoped3A : memref<!tpu.dma_semaphore, #tpu.memory_space<semaphore_mem>>)
        %dma_wait3A = arith.constant 0 : i32
        %dma_wait3A_44 = tpu.memref_slice %arg10[%mul3A_41, %dma_wait3A] : memref<10008x128xf32, #tpu.memory_space<vmem_shared>> -> memref<625x128xf32, #tpu.memory_space<vmem_shared>>
        tpu.wait_dma2 semaphore(%run_scoped3A : memref<!tpu.dma_semaphore, #tpu.memory_space<semaphore_mem>>) src(%arg5 : memref<625x128xf32, #tpu.memory_space<hbm>>) dst(%dma_wait3A_44 : memref<625x128xf32, #tpu.memory_space<vmem_shared>>)
        tpu.yield
      }) : () -> ()
    } else {
    }
    %eq3A_13 = arith.constant 0 : i32
    %eq3A_14 = arith.cmpi eq, %arg1, %eq3A_13 : i32
    %convert_element_type3A_15 = arith.extui %eq3A_14 : i1 to i32
    %cond3A_16 = arith.constant 0 : i32
    %cond3A_17 = arith.cmpi ne, %convert_element_type3A_15, %cond3A_16 : i32
    scf.if %cond3A_17 {
      "tpu.region"() ({
        %run_scoped3A = tpu.sem_alloc : memref<!tpu.dma_semaphore, #tpu.memory_space<semaphore_mem>>
        %dma_start3A_40 = arith.constant 10000 : i32
        %dma_start3A_41 = arith.constant 0 : i32
        %dma_start3A_42 = tpu.memref_slice %arg10[%dma_start3A_40, %dma_start3A_41] : memref<10008x128xf32, #tpu.memory_space<vmem_shared>> -> memref<8x128xf32, #tpu.memory_space<vmem_shared>>
        %dma_start3A_43 = arith.constant 0 : i32
        %dma_start3A_44 = arith.constant 0 : i32
        %dma_start3A_45 = tpu.memref_slice %arg5[%dma_start3A_43, %dma_start3A_44] : memref<625x128xf32, #tpu.memory_space<hbm>> -> memref<8x128xf32, #tpu.memory_space<hbm>>
        tpu.enqueue_dma source(%dma_start3A_45 : memref<8x128xf32, #tpu.memory_space<hbm>>) target(%dma_start3A_42 : memref<8x128xf32, #tpu.memory_space<vmem_shared>>) target_semaphore(%run_scoped3A : memref<!tpu.dma_semaphore, #tpu.memory_space<semaphore_mem>>)
        %dma_wait3A = arith.constant 10000 : i32
        %dma_wait3A_46 = arith.constant 0 : i32
        %dma_wait3A_47 = tpu.memref_slice %arg10[%dma_wait3A, %dma_wait3A_46] : memref<10008x128xf32, #tpu.memory_space<vmem_shared>> -> memref<8x128xf32, #tpu.memory_space<vmem_shared>>
        %dma_wait3A_48 = arith.constant 0 : i32
        %dma_wait3A_49 = arith.constant 0 : i32
        %dma_wait3A_50 = tpu.memref_slice %arg5[%dma_wait3A_48, %dma_wait3A_49] : memref<625x128xf32, #tpu.memory_space<hbm>> -> memref<8x128xf32, #tpu.memory_space<hbm>>
        tpu.wait_dma2 semaphore(%run_scoped3A : memref<!tpu.dma_semaphore, #tpu.memory_space<semaphore_mem>>) src(%dma_wait3A_50 : memref<8x128xf32, #tpu.memory_space<hbm>>) dst(%dma_wait3A_47 : memref<8x128xf32, #tpu.memory_space<vmem_shared>>)
        tpu.yield
      }) : () -> ()
    } else {
    }
    %barrier3A = arith.constant 0 : index
    tpu.barrier barrier_id(%barrier3A)
    %dma_start3A = arith.constant 0 : i32
    %dma_start3A_18 = arith.constant 0 : i32
    %dma_start3A_19 = arith.constant 0 : i32
    %dma_start3A_20 = arith.constant 0 : i32
    %dma_start3A_21 = tpu.memref_slice %arg9[%dma_start3A_18, %dma_start3A_19, %dma_start3A_20] : memref<2x128x128xf32, #tpu.memory_space<vmem>> -> memref<1x128x128xf32, #tpu.memory_space<vmem>>
    %dma_start3A_22 = tpu.memref_squeeze %dma_start3A_21 : memref<1x128x128xf32, #tpu.memory_space<vmem>> -> memref<128x128xf32, #tpu.memory_space<vmem>>
    %dma_start3A_23 = arith.constant 0 : i32
    %dma_start3A_24 = tpu.memref_slice %arg7[%dma_start3A, %dma_start3A_23] : memref<40x128xi32, #tpu.memory_space<vmem>> -> memref<1x128xi32, #tpu.memory_space<vmem>>
    %dma_start3A_25 = tpu.memref_squeeze %dma_start3A_24 : memref<1x128xi32, #tpu.memory_space<vmem>> -> memref<128xi32, #tpu.memory_space<vmem>>
    %dma_start3A_26 = arith.constant 0 : i32
    %dma_start3A_27 = arith.constant 0 : i32
    %dma_start3A_28 = tpu.memref_slice %arg2[%dma_start3A_26, %dma_start3A_27] : memref<10000x128xf32, #tpu.memory_space<hbm>> -> memref<10000x128xf32, #tpu.memory_space<hbm>>
    tpu.enqueue_indirect_dma source(%dma_start3A_28 : memref<10000x128xf32, #tpu.memory_space<hbm>>) target(%dma_start3A_22 : memref<128x128xf32, #tpu.memory_space<vmem>>) offsets(%dma_start3A_25 : memref<128xi32, #tpu.memory_space<vmem>>) semaphore(%arg11 : memref<!tpu.dma_semaphore, #tpu.memory_space<semaphore_mem>>)
    %while3A = arith.constant 0 : i32
    %while3A_29 = arith.subi %select_n3A, %while3A : i32
    %while3A_30 = arith.addi %while3A, %while3A_29 : i32
    %while3A_31 = arith.constant 1 : i32
    %while3A_32 = arith.divsi %while3A_29, %while3A_31 : i32
    %while3A_33 = arith.muli %while3A_32, %while3A_31 : i32
    %while3A_34 = arith.addi %while3A, %while3A_33 : i32
    %while3A_35 = arith.constant 1 : i32
    scf.for %while3A_40 = %while3A to %while3A_34 step %while3A_35  : i32 {
      %rem3A = arith.constant 40 : i32
      %rem3A_41 = arith.remsi %while3A_40, %rem3A : i32
      %eq3A_42 = arith.constant 39 : i32
      %eq3A_43 = arith.cmpi eq, %rem3A_41, %eq3A_42 : i32
      %add3A_44 = arith.constant 1 : i32
      %add3A_45 = arith.addi %while3A_40, %add3A_44 : i32
      %lt3A = arith.cmpi slt, %add3A_45, %select_n3A : i32
      %and3A_46 = arith.andi %eq3A_43, %lt3A : i1
      %rem3A_47 = arith.constant 2 : i32
      %rem3A_48 = arith.remsi %while3A_40, %rem3A_47 : i32
      %dma_wait3A = arith.constant 0 : i32
      %dma_wait3A_49 = arith.constant 0 : i32
      %dma_wait3A_50 = tpu.memref_slice %arg9[%rem3A_48, %dma_wait3A, %dma_wait3A_49] : memref<2x128x128xf32, #tpu.memory_space<vmem>> -> memref<1x128x128xf32, #tpu.memory_space<vmem>>
      %dma_wait3A_51 = tpu.memref_squeeze %dma_wait3A_50 : memref<1x128x128xf32, #tpu.memory_space<vmem>> -> memref<128x128xf32, #tpu.memory_space<vmem>>
      %dma_wait3A_52 = arith.constant 0 : i32
      %dma_wait3A_53 = tpu.memref_slice %arg7[%rem3A_41, %dma_wait3A_52] : memref<40x128xi32, #tpu.memory_space<vmem>> -> memref<1x128xi32, #tpu.memory_space<vmem>>
      %dma_wait3A_54 = tpu.memref_squeeze %dma_wait3A_53 : memref<1x128xi32, #tpu.memory_space<vmem>> -> memref<128xi32, #tpu.memory_space<vmem>>
      %dma_wait3A_55 = arith.constant 0 : i32
      %dma_wait3A_56 = arith.constant 0 : i32
      %dma_wait3A_57 = tpu.memref_slice %arg2[%dma_wait3A_55, %dma_wait3A_56] : memref<10000x128xf32, #tpu.memory_space<hbm>> -> memref<10000x128xf32, #tpu.memory_space<hbm>>
      tpu.wait_indirect_dma semaphore(%arg11 : memref<!tpu.dma_semaphore, #tpu.memory_space<semaphore_mem>>) src(%dma_wait3A_57 : memref<10000x128xf32, #tpu.memory_space<hbm>>) dst(%dma_wait3A_51 : memref<128x128xf32, #tpu.memory_space<vmem>>)
      %not3A = arith.constant true
      %not3A_58 = arith.xori %and3A_46, %not3A : i1
      %add3A_59 = arith.constant 1 : i32
      %add3A_60 = arith.addi %while3A_40, %add3A_59 : i32
      %lt3A_61 = arith.cmpi slt, %add3A_60, %select_n3A : i32
      %and3A_62 = arith.andi %not3A_58, %lt3A_61 : i1
      %convert_element_type3A_63 = arith.extui %and3A_62 : i1 to i32
      %cond3A_64 = arith.constant 0 : i32
      %cond3A_65 = arith.cmpi ne, %convert_element_type3A_63, %cond3A_64 : i32
      scf.if %cond3A_65 {
        %add3A_71 = arith.constant 1 : i32
        %add3A_72 = arith.addi %while3A_40, %add3A_71 : i32
        %rem3A_73 = arith.constant 40 : i32
        %rem3A_74 = arith.remsi %add3A_72, %rem3A_73 : i32
        %add3A_75 = arith.constant 1 : i32
        %add3A_76 = arith.addi %while3A_40, %add3A_75 : i32
        %rem3A_77 = arith.constant 2 : i32
        %rem3A_78 = arith.remsi %add3A_76, %rem3A_77 : i32
        %dma_start3A_79 = arith.constant 0 : i32
        %dma_start3A_80 = arith.constant 0 : i32
        %dma_start3A_81 = tpu.memref_slice %arg9[%rem3A_78, %dma_start3A_79, %dma_start3A_80] : memref<2x128x128xf32, #tpu.memory_space<vmem>> -> memref<1x128x128xf32, #tpu.memory_space<vmem>>
        %dma_start3A_82 = tpu.memref_squeeze %dma_start3A_81 : memref<1x128x128xf32, #tpu.memory_space<vmem>> -> memref<128x128xf32, #tpu.memory_space<vmem>>
        %dma_start3A_83 = arith.constant 0 : i32
        %dma_start3A_84 = tpu.memref_slice %arg7[%rem3A_74, %dma_start3A_83] : memref<40x128xi32, #tpu.memory_space<vmem>> -> memref<1x128xi32, #tpu.memory_space<vmem>>
        %dma_start3A_85 = tpu.memref_squeeze %dma_start3A_84 : memref<1x128xi32, #tpu.memory_space<vmem>> -> memref<128xi32, #tpu.memory_space<vmem>>
        %dma_start3A_86 = arith.constant 0 : i32
        %dma_start3A_87 = arith.constant 0 : i32
        %dma_start3A_88 = tpu.memref_slice %arg2[%dma_start3A_86, %dma_start3A_87] : memref<10000x128xf32, #tpu.memory_space<hbm>> -> memref<10000x128xf32, #tpu.memory_space<hbm>>
        tpu.enqueue_indirect_dma source(%dma_start3A_88 : memref<10000x128xf32, #tpu.memory_space<hbm>>) target(%dma_start3A_82 : memref<128x128xf32, #tpu.memory_space<vmem>>) offsets(%dma_start3A_85 : memref<128xi32, #tpu.memory_space<vmem>>) semaphore(%arg11 : memref<!tpu.dma_semaphore, #tpu.memory_space<semaphore_mem>>)
      } else {
      }
      %rem3A_66 = arith.constant 2 : i32
      %rem3A_67 = arith.remsi %while3A_40, %rem3A_66 : i32
      "tpu.region"() ({
        %run_scoped3A = tpu.sem_alloc : memref<!tpu.dma_semaphore, #tpu.memory_space<semaphore_mem>>
        %dma_start3A_71 = arith.constant 0 : i32
        %dma_start3A_72 = arith.constant 0 : i32
        %dma_start3A_73 = tpu.memref_slice %arg9[%rem3A_67, %dma_start3A_71, %dma_start3A_72] : memref<2x128x128xf32, #tpu.memory_space<vmem>> -> memref<1x128x128xf32, #tpu.memory_space<vmem>>
        %dma_start3A_74 = tpu.memref_squeeze %dma_start3A_73 : memref<1x128x128xf32, #tpu.memory_space<vmem>> -> memref<128x128xf32, #tpu.memory_space<vmem>>
        %dma_start3A_75 = arith.constant 0 : i32
        %dma_start3A_76 = tpu.memref_slice %arg8[%rem3A_41, %dma_start3A_75] : memref<40x128xi32, #tpu.memory_space<vmem>> -> memref<1x128xi32, #tpu.memory_space<vmem>>
        %dma_start3A_77 = tpu.memref_squeeze %dma_start3A_76 : memref<1x128xi32, #tpu.memory_space<vmem>> -> memref<128xi32, #tpu.memory_space<vmem>>
        %dma_start3A_78 = arith.constant 0 : i32
        %dma_start3A_79 = arith.constant 0 : i32
        %dma_start3A_80 = tpu.memref_slice %arg10[%dma_start3A_78, %dma_start3A_79] : memref<10008x128xf32, #tpu.memory_space<vmem_shared>> -> memref<10008x128xf32, #tpu.memory_space<vmem_shared>>
        tpu.enqueue_indirect_dma source(%dma_start3A_74 : memref<128x128xf32, #tpu.memory_space<vmem>>) target(%dma_start3A_80 : memref<10008x128xf32, #tpu.memory_space<vmem_shared>>) offsets(%dma_start3A_77 : memref<128xi32, #tpu.memory_space<vmem>>) semaphore(%run_scoped3A : memref<!tpu.dma_semaphore, #tpu.memory_space<semaphore_mem>>) {add = true}
        %dma_wait3A_81 = arith.constant 0 : i32
        %dma_wait3A_82 = arith.constant 0 : i32
        %dma_wait3A_83 = tpu.memref_slice %arg9[%rem3A_67, %dma_wait3A_81, %dma_wait3A_82] : memref<2x128x128xf32, #tpu.memory_space<vmem>> -> memref<1x128x128xf32, #tpu.memory_space<vmem>>
        %dma_wait3A_84 = tpu.memref_squeeze %dma_wait3A_83 : memref<1x128x128xf32, #tpu.memory_space<vmem>> -> memref<128x128xf32, #tpu.memory_space<vmem>>
        %dma_wait3A_85 = arith.constant 0 : i32
        %dma_wait3A_86 = tpu.memref_slice %arg8[%rem3A_41, %dma_wait3A_85] : memref<40x128xi32, #tpu.memory_space<vmem>> -> memref<1x128xi32, #tpu.memory_space<vmem>>
        %dma_wait3A_87 = tpu.memref_squeeze %dma_wait3A_86 : memref<1x128xi32, #tpu.memory_space<vmem>> -> memref<128xi32, #tpu.memory_space<vmem>>
        %dma_wait3A_88 = arith.constant 0 : i32
        %dma_wait3A_89 = arith.constant 0 : i32
        %dma_wait3A_90 = tpu.memref_slice %arg10[%dma_wait3A_88, %dma_wait3A_89] : memref<10008x128xf32, #tpu.memory_space<vmem_shared>> -> memref<10008x128xf32, #tpu.memory_space<vmem_shared>>
        tpu.wait_indirect_dma semaphore(%run_scoped3A : memref<!tpu.dma_semaphore, #tpu.memory_space<semaphore_mem>>) src(%dma_wait3A_84 : memref<128x128xf32, #tpu.memory_space<vmem>>) dst(%dma_wait3A_90 : memref<10008x128xf32, #tpu.memory_space<vmem_shared>>)
        tpu.yield
      }) : () -> ()
      %convert_element_type3A_68 = arith.extui %and3A_46 : i1 to i32
      %cond3A_69 = arith.constant 0 : i32
      %cond3A_70 = arith.cmpi ne, %convert_element_type3A_68, %cond3A_69 : i32
      scf.if %cond3A_70 {
        %add3A_71 = arith.constant 1 : i32
        %add3A_72 = arith.addi %while3A_40, %add3A_71 : i32
        %multiple_of3A = tpu.assume_multiple %add3A_72, 8 : i32
        "tpu.region"() ({
          %run_scoped3A = tpu.sem_alloc : memref<!tpu.dma_semaphore, #tpu.memory_space<semaphore_mem>>
          %dma_start3A_88 = arith.constant 0 : i32
          %dma_start3A_89 = tpu.memref_slice %arg3[%add3A, %multiple_of3A, %dma_start3A_88] : memref<32x120x128xi32, #tpu.memory_space<hbm>> -> memref<1x40x128xi32, #tpu.memory_space<hbm>>
          %dma_start3A_90 = tpu.memref_squeeze %dma_start3A_89 : memref<1x40x128xi32, #tpu.memory_space<hbm>> -> memref<40x128xi32, #tpu.memory_space<hbm>>
          %dma_start3A_91 = arith.constant 0 : i32
          %dma_start3A_92 = tpu.memref_slice %arg3[%add3A, %multiple_of3A, %dma_start3A_91] : memref<32x120x128xi32, #tpu.memory_space<hbm>> -> memref<1x40x128xi32, #tpu.memory_space<hbm>>
          %dma_start3A_93 = tpu.memref_squeeze %dma_start3A_92 : memref<1x40x128xi32, #tpu.memory_space<hbm>> -> memref<40x128xi32, #tpu.memory_space<hbm>>
          tpu.enqueue_dma source(%dma_start3A_93 : memref<40x128xi32, #tpu.memory_space<hbm>>) target(%arg7 : memref<40x128xi32, #tpu.memory_space<vmem>>) target_semaphore(%run_scoped3A : memref<!tpu.dma_semaphore, #tpu.memory_space<semaphore_mem>>)
          %dma_wait3A_94 = arith.constant 0 : i32
          %dma_wait3A_95 = tpu.memref_slice %arg3[%add3A, %multiple_of3A, %dma_wait3A_94] : memref<32x120x128xi32, #tpu.memory_space<hbm>> -> memref<1x40x128xi32, #tpu.memory_space<hbm>>
          %dma_wait3A_96 = tpu.memref_squeeze %dma_wait3A_95 : memref<1x40x128xi32, #tpu.memory_space<hbm>> -> memref<40x128xi32, #tpu.memory_space<hbm>>
          %dma_wait3A_97 = arith.constant 0 : i32
          %dma_wait3A_98 = tpu.memref_slice %arg3[%add3A, %multiple_of3A, %dma_wait3A_97] : memref<32x120x128xi32, #tpu.memory_space<hbm>> -> memref<1x40x128xi32, #tpu.memory_space<hbm>>
          %dma_wait3A_99 = tpu.memref_squeeze %dma_wait3A_98 : memref<1x40x128xi32, #tpu.memory_space<hbm>> -> memref<40x128xi32, #tpu.memory_space<hbm>>
          tpu.wait_dma2 semaphore(%run_scoped3A : memref<!tpu.dma_semaphore, #tpu.memory_space<semaphore_mem>>) src(%dma_wait3A_99 : memref<40x128xi32, #tpu.memory_space<hbm>>) dst(%arg7 : memref<40x128xi32, #tpu.memory_space<vmem>>)
          tpu.yield
        }) : () -> ()
        "tpu.region"() ({
          %run_scoped3A = tpu.sem_alloc : memref<!tpu.dma_semaphore, #tpu.memory_space<semaphore_mem>>
          %dma_start3A_88 = arith.constant 0 : i32
          %dma_start3A_89 = tpu.memref_slice %arg4[%add3A, %multiple_of3A, %dma_start3A_88] : memref<32x120x128xi32, #tpu.memory_space<hbm>> -> memref<1x40x128xi32, #tpu.memory_space<hbm>>
          %dma_start3A_90 = tpu.memref_squeeze %dma_start3A_89 : memref<1x40x128xi32, #tpu.memory_space<hbm>> -> memref<40x128xi32, #tpu.memory_space<hbm>>
          %dma_start3A_91 = arith.constant 0 : i32
          %dma_start3A_92 = tpu.memref_slice %arg4[%add3A, %multiple_of3A, %dma_start3A_91] : memref<32x120x128xi32, #tpu.memory_space<hbm>> -> memref<1x40x128xi32, #tpu.memory_space<hbm>>
          %dma_start3A_93 = tpu.memref_squeeze %dma_start3A_92 : memref<1x40x128xi32, #tpu.memory_space<hbm>> -> memref<40x128xi32, #tpu.memory_space<hbm>>
          tpu.enqueue_dma source(%dma_start3A_93 : memref<40x128xi32, #tpu.memory_space<hbm>>) target(%arg8 : memref<40x128xi32, #tpu.memory_space<vmem>>) target_semaphore(%run_scoped3A : memref<!tpu.dma_semaphore, #tpu.memory_space<semaphore_mem>>)
          %dma_wait3A_94 = arith.constant 0 : i32
          %dma_wait3A_95 = tpu.memref_slice %arg4[%add3A, %multiple_of3A, %dma_wait3A_94] : memref<32x120x128xi32, #tpu.memory_space<hbm>> -> memref<1x40x128xi32, #tpu.memory_space<hbm>>
          %dma_wait3A_96 = tpu.memref_squeeze %dma_wait3A_95 : memref<1x40x128xi32, #tpu.memory_space<hbm>> -> memref<40x128xi32, #tpu.memory_space<hbm>>
          %dma_wait3A_97 = arith.constant 0 : i32
          %dma_wait3A_98 = tpu.memref_slice %arg4[%add3A, %multiple_of3A, %dma_wait3A_97] : memref<32x120x128xi32, #tpu.memory_space<hbm>> -> memref<1x40x128xi32, #tpu.memory_space<hbm>>
          %dma_wait3A_99 = tpu.memref_squeeze %dma_wait3A_98 : memref<1x40x128xi32, #tpu.memory_space<hbm>> -> memref<40x128xi32, #tpu.memory_space<hbm>>
          tpu.wait_dma2 semaphore(%run_scoped3A : memref<!tpu.dma_semaphore, #tpu.memory_space<semaphore_mem>>) src(%dma_wait3A_99 : memref<40x128xi32, #tpu.memory_space<hbm>>) dst(%arg8 : memref<40x128xi32, #tpu.memory_space<vmem>>)
          tpu.yield
        }) : () -> ()
        %add3A_73 = arith.constant 1 : i32
        %add3A_74 = arith.addi %while3A_40, %add3A_73 : i32
        %rem3A_75 = arith.constant 2 : i32
        %rem3A_76 = arith.remsi %add3A_74, %rem3A_75 : i32
        %dma_start3A_77 = arith.constant 0 : i32
        %dma_start3A_78 = arith.constant 0 : i32
        %dma_start3A_79 = arith.constant 0 : i32
        %dma_start3A_80 = tpu.memref_slice %arg9[%rem3A_76, %dma_start3A_78, %dma_start3A_79] : memref<2x128x128xf32, #tpu.memory_space<vmem>> -> memref<1x128x128xf32, #tpu.memory_space<vmem>>
        %dma_start3A_81 = tpu.memref_squeeze %dma_start3A_80 : memref<1x128x128xf32, #tpu.memory_space<vmem>> -> memref<128x128xf32, #tpu.memory_space<vmem>>
        %dma_start3A_82 = arith.constant 0 : i32
        %dma_start3A_83 = tpu.memref_slice %arg7[%dma_start3A_77, %dma_start3A_82] : memref<40x128xi32, #tpu.memory_space<vmem>> -> memref<1x128xi32, #tpu.memory_space<vmem>>
        %dma_start3A_84 = tpu.memref_squeeze %dma_start3A_83 : memref<1x128xi32, #tpu.memory_space<vmem>> -> memref<128xi32, #tpu.memory_space<vmem>>
        %dma_start3A_85 = arith.constant 0 : i32
        %dma_start3A_86 = arith.constant 0 : i32
        %dma_start3A_87 = tpu.memref_slice %arg2[%dma_start3A_85, %dma_start3A_86] : memref<10000x128xf32, #tpu.memory_space<hbm>> -> memref<10000x128xf32, #tpu.memory_space<hbm>>
        tpu.enqueue_indirect_dma source(%dma_start3A_87 : memref<10000x128xf32, #tpu.memory_space<hbm>>) target(%dma_start3A_81 : memref<128x128xf32, #tpu.memory_space<vmem>>) offsets(%dma_start3A_84 : memref<128xi32, #tpu.memory_space<vmem>>) semaphore(%arg11 : memref<!tpu.dma_semaphore, #tpu.memory_space<semaphore_mem>>)
      } else {
      }
    }
    %while3A_36 = arith.constant 1 : i32
    scf.for %while3A_40 = %while3A_34 to %while3A_30 step %while3A_36  : i32 {
      %rem3A = arith.constant 40 : i32
      %rem3A_41 = arith.remsi %while3A_40, %rem3A : i32
      %eq3A_42 = arith.constant 39 : i32
      %eq3A_43 = arith.cmpi eq, %rem3A_41, %eq3A_42 : i32
      %add3A_44 = arith.constant 1 : i32
      %add3A_45 = arith.addi %while3A_40, %add3A_44 : i32
      %lt3A = arith.cmpi slt, %add3A_45, %select_n3A : i32
      %and3A_46 = arith.andi %eq3A_43, %lt3A : i1
      %rem3A_47 = arith.constant 2 : i32
      %rem3A_48 = arith.remsi %while3A_40, %rem3A_47 : i32
      %dma_wait3A = arith.constant 0 : i32
      %dma_wait3A_49 = arith.constant 0 : i32
      %dma_wait3A_50 = tpu.memref_slice %arg9[%rem3A_48, %dma_wait3A, %dma_wait3A_49] : memref<2x128x128xf32, #tpu.memory_space<vmem>> -> memref<1x128x128xf32, #tpu.memory_space<vmem>>
      %dma_wait3A_51 = tpu.memref_squeeze %dma_wait3A_50 : memref<1x128x128xf32, #tpu.memory_space<vmem>> -> memref<128x128xf32, #tpu.memory_space<vmem>>
      %dma_wait3A_52 = arith.constant 0 : i32
      %dma_wait3A_53 = tpu.memref_slice %arg7[%rem3A_41, %dma_wait3A_52] : memref<40x128xi32, #tpu.memory_space<vmem>> -> memref<1x128xi32, #tpu.memory_space<vmem>>
      %dma_wait3A_54 = tpu.memref_squeeze %dma_wait3A_53 : memref<1x128xi32, #tpu.memory_space<vmem>> -> memref<128xi32, #tpu.memory_space<vmem>>
      %dma_wait3A_55 = arith.constant 0 : i32
      %dma_wait3A_56 = arith.constant 0 : i32
      %dma_wait3A_57 = tpu.memref_slice %arg2[%dma_wait3A_55, %dma_wait3A_56] : memref<10000x128xf32, #tpu.memory_space<hbm>> -> memref<10000x128xf32, #tpu.memory_space<hbm>>
      tpu.wait_indirect_dma semaphore(%arg11 : memref<!tpu.dma_semaphore, #tpu.memory_space<semaphore_mem>>) src(%dma_wait3A_57 : memref<10000x128xf32, #tpu.memory_space<hbm>>) dst(%dma_wait3A_51 : memref<128x128xf32, #tpu.memory_space<vmem>>)
      %not3A = arith.constant true
      %not3A_58 = arith.xori %and3A_46, %not3A : i1
      %add3A_59 = arith.constant 1 : i32
      %add3A_60 = arith.addi %while3A_40, %add3A_59 : i32
      %lt3A_61 = arith.cmpi slt, %add3A_60, %select_n3A : i32
      %and3A_62 = arith.andi %not3A_58, %lt3A_61 : i1
      %convert_element_type3A_63 = arith.extui %and3A_62 : i1 to i32
      %cond3A_64 = arith.constant 0 : i32
      %cond3A_65 = arith.cmpi ne, %convert_element_type3A_63, %cond3A_64 : i32
      scf.if %cond3A_65 {
        %add3A_71 = arith.constant 1 : i32
        %add3A_72 = arith.addi %while3A_40, %add3A_71 : i32
        %rem3A_73 = arith.constant 40 : i32
        %rem3A_74 = arith.remsi %add3A_72, %rem3A_73 : i32
        %add3A_75 = arith.constant 1 : i32
        %add3A_76 = arith.addi %while3A_40, %add3A_75 : i32
        %rem3A_77 = arith.constant 2 : i32
        %rem3A_78 = arith.remsi %add3A_76, %rem3A_77 : i32
        %dma_start3A_79 = arith.constant 0 : i32
        %dma_start3A_80 = arith.constant 0 : i32
        %dma_start3A_81 = tpu.memref_slice %arg9[%rem3A_78, %dma_start3A_79, %dma_start3A_80] : memref<2x128x128xf32, #tpu.memory_space<vmem>> -> memref<1x128x128xf32, #tpu.memory_space<vmem>>
        %dma_start3A_82 = tpu.memref_squeeze %dma_start3A_81 : memref<1x128x128xf32, #tpu.memory_space<vmem>> -> memref<128x128xf32, #tpu.memory_space<vmem>>
        %dma_start3A_83 = arith.constant 0 : i32
        %dma_start3A_84 = tpu.memref_slice %arg7[%rem3A_74, %dma_start3A_83] : memref<40x128xi32, #tpu.memory_space<vmem>> -> memref<1x128xi32, #tpu.memory_space<vmem>>
        %dma_start3A_85 = tpu.memref_squeeze %dma_start3A_84 : memref<1x128xi32, #tpu.memory_space<vmem>> -> memref<128xi32, #tpu.memory_space<vmem>>
        %dma_start3A_86 = arith.constant 0 : i32
        %dma_start3A_87 = arith.constant 0 : i32
        %dma_start3A_88 = tpu.memref_slice %arg2[%dma_start3A_86, %dma_start3A_87] : memref<10000x128xf32, #tpu.memory_space<hbm>> -> memref<10000x128xf32, #tpu.memory_space<hbm>>
        tpu.enqueue_indirect_dma source(%dma_start3A_88 : memref<10000x128xf32, #tpu.memory_space<hbm>>) target(%dma_start3A_82 : memref<128x128xf32, #tpu.memory_space<vmem>>) offsets(%dma_start3A_85 : memref<128xi32, #tpu.memory_space<vmem>>) semaphore(%arg11 : memref<!tpu.dma_semaphore, #tpu.memory_space<semaphore_mem>>)
      } else {
      }
      %rem3A_66 = arith.constant 2 : i32
      %rem3A_67 = arith.remsi %while3A_40, %rem3A_66 : i32
      "tpu.region"() ({
        %run_scoped3A = tpu.sem_alloc : memref<!tpu.dma_semaphore, #tpu.memory_space<semaphore_mem>>
        %dma_start3A_71 = arith.constant 0 : i32
        %dma_start3A_72 = arith.constant 0 : i32
        %dma_start3A_73 = tpu.memref_slice %arg9[%rem3A_67, %dma_start3A_71, %dma_start3A_72] : memref<2x128x128xf32, #tpu.memory_space<vmem>> -> memref<1x128x128xf32, #tpu.memory_space<vmem>>
        %dma_start3A_74 = tpu.memref_squeeze %dma_start3A_73 : memref<1x128x128xf32, #tpu.memory_space<vmem>> -> memref<128x128xf32, #tpu.memory_space<vmem>>
        %dma_start3A_75 = arith.constant 0 : i32
        %dma_start3A_76 = tpu.memref_slice %arg8[%rem3A_41, %dma_start3A_75] : memref<40x128xi32, #tpu.memory_space<vmem>> -> memref<1x128xi32, #tpu.memory_space<vmem>>
        %dma_start3A_77 = tpu.memref_squeeze %dma_start3A_76 : memref<1x128xi32, #tpu.memory_space<vmem>> -> memref<128xi32, #tpu.memory_space<vmem>>
        %dma_start3A_78 = arith.constant 0 : i32
        %dma_start3A_79 = arith.constant 0 : i32
        %dma_start3A_80 = tpu.memref_slice %arg10[%dma_start3A_78, %dma_start3A_79] : memref<10008x128xf32, #tpu.memory_space<vmem_shared>> -> memref<10008x128xf32, #tpu.memory_space<vmem_shared>>
        tpu.enqueue_indirect_dma source(%dma_start3A_74 : memref<128x128xf32, #tpu.memory_space<vmem>>) target(%dma_start3A_80 : memref<10008x128xf32, #tpu.memory_space<vmem_shared>>) offsets(%dma_start3A_77 : memref<128xi32, #tpu.memory_space<vmem>>) semaphore(%run_scoped3A : memref<!tpu.dma_semaphore, #tpu.memory_space<semaphore_mem>>) {add = true}
        %dma_wait3A_81 = arith.constant 0 : i32
        %dma_wait3A_82 = arith.constant 0 : i32
        %dma_wait3A_83 = tpu.memref_slice %arg9[%rem3A_67, %dma_wait3A_81, %dma_wait3A_82] : memref<2x128x128xf32, #tpu.memory_space<vmem>> -> memref<1x128x128xf32, #tpu.memory_space<vmem>>
        %dma_wait3A_84 = tpu.memref_squeeze %dma_wait3A_83 : memref<1x128x128xf32, #tpu.memory_space<vmem>> -> memref<128x128xf32, #tpu.memory_space<vmem>>
        %dma_wait3A_85 = arith.constant 0 : i32
        %dma_wait3A_86 = tpu.memref_slice %arg8[%rem3A_41, %dma_wait3A_85] : memref<40x128xi32, #tpu.memory_space<vmem>> -> memref<1x128xi32, #tpu.memory_space<vmem>>
        %dma_wait3A_87 = tpu.memref_squeeze %dma_wait3A_86 : memref<1x128xi32, #tpu.memory_space<vmem>> -> memref<128xi32, #tpu.memory_space<vmem>>
        %dma_wait3A_88 = arith.constant 0 : i32
        %dma_wait3A_89 = arith.constant 0 : i32
        %dma_wait3A_90 = tpu.memref_slice %arg10[%dma_wait3A_88, %dma_wait3A_89] : memref<10008x128xf32, #tpu.memory_space<vmem_shared>> -> memref<10008x128xf32, #tpu.memory_space<vmem_shared>>
        tpu.wait_indirect_dma semaphore(%run_scoped3A : memref<!tpu.dma_semaphore, #tpu.memory_space<semaphore_mem>>) src(%dma_wait3A_84 : memref<128x128xf32, #tpu.memory_space<vmem>>) dst(%dma_wait3A_90 : memref<10008x128xf32, #tpu.memory_space<vmem_shared>>)
        tpu.yield
      }) : () -> ()
      %convert_element_type3A_68 = arith.extui %and3A_46 : i1 to i32
      %cond3A_69 = arith.constant 0 : i32
      %cond3A_70 = arith.cmpi ne, %convert_element_type3A_68, %cond3A_69 : i32
      scf.if %cond3A_70 {
        %add3A_71 = arith.constant 1 : i32
        %add3A_72 = arith.addi %while3A_40, %add3A_71 : i32
        %multiple_of3A = tpu.assume_multiple %add3A_72, 8 : i32
        "tpu.region"() ({
          %run_scoped3A = tpu.sem_alloc : memref<!tpu.dma_semaphore, #tpu.memory_space<semaphore_mem>>
          %dma_start3A_88 = arith.constant 0 : i32
          %dma_start3A_89 = tpu.memref_slice %arg3[%add3A, %multiple_of3A, %dma_start3A_88] : memref<32x120x128xi32, #tpu.memory_space<hbm>> -> memref<1x40x128xi32, #tpu.memory_space<hbm>>
          %dma_start3A_90 = tpu.memref_squeeze %dma_start3A_89 : memref<1x40x128xi32, #tpu.memory_space<hbm>> -> memref<40x128xi32, #tpu.memory_space<hbm>>
          %dma_start3A_91 = arith.constant 0 : i32
          %dma_start3A_92 = tpu.memref_slice %arg3[%add3A, %multiple_of3A, %dma_start3A_91] : memref<32x120x128xi32, #tpu.memory_space<hbm>> -> memref<1x40x128xi32, #tpu.memory_space<hbm>>
          %dma_start3A_93 = tpu.memref_squeeze %dma_start3A_92 : memref<1x40x128xi32, #tpu.memory_space<hbm>> -> memref<40x128xi32, #tpu.memory_space<hbm>>
          tpu.enqueue_dma source(%dma_start3A_93 : memref<40x128xi32, #tpu.memory_space<hbm>>) target(%arg7 : memref<40x128xi32, #tpu.memory_space<vmem>>) target_semaphore(%run_scoped3A : memref<!tpu.dma_semaphore, #tpu.memory_space<semaphore_mem>>)
          %dma_wait3A_94 = arith.constant 0 : i32
          %dma_wait3A_95 = tpu.memref_slice %arg3[%add3A, %multiple_of3A, %dma_wait3A_94] : memref<32x120x128xi32, #tpu.memory_space<hbm>> -> memref<1x40x128xi32, #tpu.memory_space<hbm>>
          %dma_wait3A_96 = tpu.memref_squeeze %dma_wait3A_95 : memref<1x40x128xi32, #tpu.memory_space<hbm>> -> memref<40x128xi32, #tpu.memory_space<hbm>>
          %dma_wait3A_97 = arith.constant 0 : i32
          %dma_wait3A_98 = tpu.memref_slice %arg3[%add3A, %multiple_of3A, %dma_wait3A_97] : memref<32x120x128xi32, #tpu.memory_space<hbm>> -> memref<1x40x128xi32, #tpu.memory_space<hbm>>
          %dma_wait3A_99 = tpu.memref_squeeze %dma_wait3A_98 : memref<1x40x128xi32, #tpu.memory_space<hbm>> -> memref<40x128xi32, #tpu.memory_space<hbm>>
          tpu.wait_dma2 semaphore(%run_scoped3A : memref<!tpu.dma_semaphore, #tpu.memory_space<semaphore_mem>>) src(%dma_wait3A_99 : memref<40x128xi32, #tpu.memory_space<hbm>>) dst(%arg7 : memref<40x128xi32, #tpu.memory_space<vmem>>)
          tpu.yield
        }) : () -> ()
        "tpu.region"() ({
          %run_scoped3A = tpu.sem_alloc : memref<!tpu.dma_semaphore, #tpu.memory_space<semaphore_mem>>
          %dma_start3A_88 = arith.constant 0 : i32
          %dma_start3A_89 = tpu.memref_slice %arg4[%add3A, %multiple_of3A, %dma_start3A_88] : memref<32x120x128xi32, #tpu.memory_space<hbm>> -> memref<1x40x128xi32, #tpu.memory_space<hbm>>
          %dma_start3A_90 = tpu.memref_squeeze %dma_start3A_89 : memref<1x40x128xi32, #tpu.memory_space<hbm>> -> memref<40x128xi32, #tpu.memory_space<hbm>>
          %dma_start3A_91 = arith.constant 0 : i32
          %dma_start3A_92 = tpu.memref_slice %arg4[%add3A, %multiple_of3A, %dma_start3A_91] : memref<32x120x128xi32, #tpu.memory_space<hbm>> -> memref<1x40x128xi32, #tpu.memory_space<hbm>>
          %dma_start3A_93 = tpu.memref_squeeze %dma_start3A_92 : memref<1x40x128xi32, #tpu.memory_space<hbm>> -> memref<40x128xi32, #tpu.memory_space<hbm>>
          tpu.enqueue_dma source(%dma_start3A_93 : memref<40x128xi32, #tpu.memory_space<hbm>>) target(%arg8 : memref<40x128xi32, #tpu.memory_space<vmem>>) target_semaphore(%run_scoped3A : memref<!tpu.dma_semaphore, #tpu.memory_space<semaphore_mem>>)
          %dma_wait3A_94 = arith.constant 0 : i32
          %dma_wait3A_95 = tpu.memref_slice %arg4[%add3A, %multiple_of3A, %dma_wait3A_94] : memref<32x120x128xi32, #tpu.memory_space<hbm>> -> memref<1x40x128xi32, #tpu.memory_space<hbm>>
          %dma_wait3A_96 = tpu.memref_squeeze %dma_wait3A_95 : memref<1x40x128xi32, #tpu.memory_space<hbm>> -> memref<40x128xi32, #tpu.memory_space<hbm>>
          %dma_wait3A_97 = arith.constant 0 : i32
          %dma_wait3A_98 = tpu.memref_slice %arg4[%add3A, %multiple_of3A, %dma_wait3A_97] : memref<32x120x128xi32, #tpu.memory_space<hbm>> -> memref<1x40x128xi32, #tpu.memory_space<hbm>>
          %dma_wait3A_99 = tpu.memref_squeeze %dma_wait3A_98 : memref<1x40x128xi32, #tpu.memory_space<hbm>> -> memref<40x128xi32, #tpu.memory_space<hbm>>
          tpu.wait_dma2 semaphore(%run_scoped3A : memref<!tpu.dma_semaphore, #tpu.memory_space<semaphore_mem>>) src(%dma_wait3A_99 : memref<40x128xi32, #tpu.memory_space<hbm>>) dst(%arg8 : memref<40x128xi32, #tpu.memory_space<vmem>>)
          tpu.yield
        }) : () -> ()
        %add3A_73 = arith.constant 1 : i32
        %add3A_74 = arith.addi %while3A_40, %add3A_73 : i32
        %rem3A_75 = arith.constant 2 : i32
        %rem3A_76 = arith.remsi %add3A_74, %rem3A_75 : i32
        %dma_start3A_77 = arith.constant 0 : i32
        %dma_start3A_78 = arith.constant 0 : i32
        %dma_start3A_79 = arith.constant 0 : i32
        %dma_start3A_80 = tpu.memref_slice %arg9[%rem3A_76, %dma_start3A_78, %dma_start3A_79] : memref<2x128x128xf32, #tpu.memory_space<vmem>> -> memref<1x128x128xf32, #tpu.memory_space<vmem>>
        %dma_start3A_81 = tpu.memref_squeeze %dma_start3A_80 : memref<1x128x128xf32, #tpu.memory_space<vmem>> -> memref<128x128xf32, #tpu.memory_space<vmem>>
        %dma_start3A_82 = arith.constant 0 : i32
        %dma_start3A_83 = tpu.memref_slice %arg7[%dma_start3A_77, %dma_start3A_82] : memref<40x128xi32, #tpu.memory_space<vmem>> -> memref<1x128xi32, #tpu.memory_space<vmem>>
        %dma_start3A_84 = tpu.memref_squeeze %dma_start3A_83 : memref<1x128xi32, #tpu.memory_space<vmem>> -> memref<128xi32, #tpu.memory_space<vmem>>
        %dma_start3A_85 = arith.constant 0 : i32
        %dma_start3A_86 = arith.constant 0 : i32
        %dma_start3A_87 = tpu.memref_slice %arg2[%dma_start3A_85, %dma_start3A_86] : memref<10000x128xf32, #tpu.memory_space<hbm>> -> memref<10000x128xf32, #tpu.memory_space<hbm>>
        tpu.enqueue_indirect_dma source(%dma_start3A_87 : memref<10000x128xf32, #tpu.memory_space<hbm>>) target(%dma_start3A_81 : memref<128x128xf32, #tpu.memory_space<vmem>>) offsets(%dma_start3A_84 : memref<128xi32, #tpu.memory_space<vmem>>) semaphore(%arg11 : memref<!tpu.dma_semaphore, #tpu.memory_space<semaphore_mem>>)
      } else {
      }
    }
    %barrier3A_37 = arith.constant 0 : index
    tpu.barrier barrier_id(%barrier3A_37)
    %mul3A_38 = arith.constant 625 : i32
    %mul3A_39 = arith.muli %arg1, %mul3A_38 : i32
    "tpu.region"() ({
      %run_scoped3A = tpu.sem_alloc : memref<!tpu.dma_semaphore, #tpu.memory_space<semaphore_mem>>
      %dma_start3A_40 = arith.constant 0 : i32
      %dma_start3A_41 = arith.constant 0 : i32
      %dma_start3A_42 = tpu.memref_slice %arg6[%arg0, %arg1, %dma_start3A_40, %dma_start3A_41] : memref<2x16x625x128xf32, #tpu.memory_space<hbm>> -> memref<1x1x625x128xf32, #tpu.memory_space<hbm>>
      %dma_start3A_43 = tpu.memref_squeeze %dma_start3A_42 : memref<1x1x625x128xf32, #tpu.memory_space<hbm>> -> memref<625x128xf32, #tpu.memory_space<hbm>>
      %dma_start3A_44 = arith.constant 0 : i32
      %dma_start3A_45 = tpu.memref_slice %arg10[%mul3A_39, %dma_start3A_44] : memref<10008x128xf32, #tpu.memory_space<vmem_shared>> -> memref<625x128xf32, #tpu.memory_space<vmem_shared>>
      tpu.enqueue_dma source(%dma_start3A_45 : memref<625x128xf32, #tpu.memory_space<vmem_shared>>) target(%dma_start3A_43 : memref<625x128xf32, #tpu.memory_space<hbm>>) target_semaphore(%run_scoped3A : memref<!tpu.dma_semaphore, #tpu.memory_space<semaphore_mem>>)
      %dma_wait3A = arith.constant 0 : i32
      %dma_wait3A_46 = arith.constant 0 : i32
      %dma_wait3A_47 = tpu.memref_slice %arg6[%arg0, %arg1, %dma_wait3A, %dma_wait3A_46] : memref<2x16x625x128xf32, #tpu.memory_space<hbm>> -> memref<1x1x625x128xf32, #tpu.memory_space<hbm>>
      %dma_wait3A_48 = tpu.memref_squeeze %dma_wait3A_47 : memref<1x1x625x128xf32, #tpu.memory_space<hbm>> -> memref<625x128xf32, #tpu.memory_space<hbm>>
      %dma_wait3A_49 = arith.constant 0 : i32
      %dma_wait3A_50 = tpu.memref_slice %arg10[%mul3A_39, %dma_wait3A_49] : memref<10008x128xf32, #tpu.memory_space<vmem_shared>> -> memref<625x128xf32, #tpu.memory_space<vmem_shared>>
      tpu.wait_dma2 semaphore(%run_scoped3A : memref<!tpu.dma_semaphore, #tpu.memory_space<semaphore_mem>>) src(%dma_wait3A_50 : memref<625x128xf32, #tpu.memory_space<vmem_shared>>) dst(%dma_wait3A_48 : memref<625x128xf32, #tpu.memory_space<hbm>>)
      tpu.yield
    }) : () -> ()
    return
  }
}

#map = affine_map<(d0, d1) -> (0, 0)>
#map1 = affine_map<(d0, d1) -> (0, 0, 0)>
#map2 = affine_map<(d0, d1) -> (0, 0, 0, 0)>
module attributes {stable_mosaic.version = 14 : i64} {
  func.func @_sc_aggregate(%arg0: i32, %arg1: i32, %arg2: memref<10000x128xf32, #tpu.memory_space<hbm>>, %arg3: memref<32x120x128xi32, #tpu.memory_space<hbm>>, %arg4: memref<32x120x128xi32, #tpu.memory_space<hbm>>, %arg5: memref<625x128xf32, #tpu.memory_space<hbm>>, %arg6: memref<2x16x625x128xf32, #tpu.memory_space<hbm>>, %arg7: memref<40x128xi32, #tpu.memory_space<vmem>>, %arg8: memref<40x128xi32, #tpu.memory_space<vmem>>, %arg9: memref<2x128x128xf32, #tpu.memory_space<vmem>>, %arg10: memref<10008x128xf32, #tpu.memory_space<vmem_shared>>, %arg11: memref<!tpu.dma_semaphore, #tpu.memory_space<semaphore_mem>>) attributes {dimension_semantics = [#tpu.dimension_semantics<core_parallel>, #tpu.dimension_semantics<subcore_parallel>], iteration_bounds = array<i64: 2, 16>, scalar_prefetch = 0 : i64, scratch_operands = 5 : i64, tpu.core_type = #tpu.core_type<sc_vector_subcore>, window_params = [{transform_indices = #map}, {transform_indices = #map1}, {transform_indices = #map1}, {transform_indices = #map}, {transform_indices = #map2}]} {
    %mul3A = arith.constant 16 : i32
    %mul3A_0 = arith.muli %arg0, %mul3A : i32
    %add3A = arith.addi %mul3A_0, %arg1 : i32
    %eq3A = arith.constant 0 : i32
    %eq3A_1 = arith.cmpi eq, %arg0, %eq3A : i32
    %jit3A = arith.constant 50 : i32
    %jit3A_2 = arith.constant 108 : i32
    %select_n3A = arith.select %eq3A_1, %jit3A, %jit3A_2 : i32
    "tpu.region"() ({
      %run_scoped3A = tpu.sem_alloc : memref<!tpu.dma_semaphore, #tpu.memory_space<semaphore_mem>>
      %dma_start3A_40 = arith.constant 0 : i32
      %dma_start3A_41 = arith.constant 0 : i32
      %dma_start3A_42 = tpu.memref_slice %arg3[%add3A, %dma_start3A_40, %dma_start3A_41] : memref<32x120x128xi32, #tpu.memory_space<hbm>> -> memref<1x40x128xi32, #tpu.memory_space<hbm>>
      %dma_start3A_43 = tpu.memref_squeeze %dma_start3A_42 : memref<1x40x128xi32, #tpu.memory_space<hbm>> -> memref<40x128xi32, #tpu.memory_space<hbm>>
      %dma_start3A_44 = arith.constant 0 : i32
      %dma_start3A_45 = arith.constant 0 : i32
      %dma_start3A_46 = tpu.memref_slice %arg3[%add3A, %dma_start3A_44, %dma_start3A_45] : memref<32x120x128xi32, #tpu.memory_space<hbm>> -> memref<1x40x128xi32, #tpu.memory_space<hbm>>
      %dma_start3A_47 = tpu.memref_squeeze %dma_start3A_46 : memref<1x40x128xi32, #tpu.memory_space<hbm>> -> memref<40x128xi32, #tpu.memory_space<hbm>>
      tpu.enqueue_dma source(%dma_start3A_47 : memref<40x128xi32, #tpu.memory_space<hbm>>) target(%arg7 : memref<40x128xi32, #tpu.memory_space<vmem>>) target_semaphore(%run_scoped3A : memref<!tpu.dma_semaphore, #tpu.memory_space<semaphore_mem>>)
      %dma_wait3A = arith.constant 0 : i32
      %dma_wait3A_48 = arith.constant 0 : i32
      %dma_wait3A_49 = tpu.memref_slice %arg3[%add3A, %dma_wait3A, %dma_wait3A_48] : memref<32x120x128xi32, #tpu.memory_space<hbm>> -> memref<1x40x128xi32, #tpu.memory_space<hbm>>
      %dma_wait3A_50 = tpu.memref_squeeze %dma_wait3A_49 : memref<1x40x128xi32, #tpu.memory_space<hbm>> -> memref<40x128xi32, #tpu.memory_space<hbm>>
      %dma_wait3A_51 = arith.constant 0 : i32
      %dma_wait3A_52 = arith.constant 0 : i32
      %dma_wait3A_53 = tpu.memref_slice %arg3[%add3A, %dma_wait3A_51, %dma_wait3A_52] : memref<32x120x128xi32, #tpu.memory_space<hbm>> -> memref<1x40x128xi32, #tpu.memory_space<hbm>>
      %dma_wait3A_54 = tpu.memref_squeeze %dma_wait3A_53 : memref<1x40x128xi32, #tpu.memory_space<hbm>> -> memref<40x128xi32, #tpu.memory_space<hbm>>
      tpu.wait_dma2 semaphore(%run_scoped3A : memref<!tpu.dma_semaphore, #tpu.memory_space<semaphore_mem>>) src(%dma_wait3A_54 : memref<40x128xi32, #tpu.memory_space<hbm>>) dst(%arg7 : memref<40x128xi32, #tpu.memory_space<vmem>>)
      tpu.yield
    }) : () -> ()
    "tpu.region"() ({
      %run_scoped3A = tpu.sem_alloc : memref<!tpu.dma_semaphore, #tpu.memory_space<semaphore_mem>>
      %dma_start3A_40 = arith.constant 0 : i32
      %dma_start3A_41 = arith.constant 0 : i32
      %dma_start3A_42 = tpu.memref_slice %arg4[%add3A, %dma_start3A_40, %dma_start3A_41] : memref<32x120x128xi32, #tpu.memory_space<hbm>> -> memref<1x40x128xi32, #tpu.memory_space<hbm>>
      %dma_start3A_43 = tpu.memref_squeeze %dma_start3A_42 : memref<1x40x128xi32, #tpu.memory_space<hbm>> -> memref<40x128xi32, #tpu.memory_space<hbm>>
      %dma_start3A_44 = arith.constant 0 : i32
      %dma_start3A_45 = arith.constant 0 : i32
      %dma_start3A_46 = tpu.memref_slice %arg4[%add3A, %dma_start3A_44, %dma_start3A_45] : memref<32x120x128xi32, #tpu.memory_space<hbm>> -> memref<1x40x128xi32, #tpu.memory_space<hbm>>
      %dma_start3A_47 = tpu.memref_squeeze %dma_start3A_46 : memref<1x40x128xi32, #tpu.memory_space<hbm>> -> memref<40x128xi32, #tpu.memory_space<hbm>>
      tpu.enqueue_dma source(%dma_start3A_47 : memref<40x128xi32, #tpu.memory_space<hbm>>) target(%arg8 : memref<40x128xi32, #tpu.memory_space<vmem>>) target_semaphore(%run_scoped3A : memref<!tpu.dma_semaphore, #tpu.memory_space<semaphore_mem>>)
      %dma_wait3A = arith.constant 0 : i32
      %dma_wait3A_48 = arith.constant 0 : i32
      %dma_wait3A_49 = tpu.memref_slice %arg4[%add3A, %dma_wait3A, %dma_wait3A_48] : memref<32x120x128xi32, #tpu.memory_space<hbm>> -> memref<1x40x128xi32, #tpu.memory_space<hbm>>
      %dma_wait3A_50 = tpu.memref_squeeze %dma_wait3A_49 : memref<1x40x128xi32, #tpu.memory_space<hbm>> -> memref<40x128xi32, #tpu.memory_space<hbm>>
      %dma_wait3A_51 = arith.constant 0 : i32
      %dma_wait3A_52 = arith.constant 0 : i32
      %dma_wait3A_53 = tpu.memref_slice %arg4[%add3A, %dma_wait3A_51, %dma_wait3A_52] : memref<32x120x128xi32, #tpu.memory_space<hbm>> -> memref<1x40x128xi32, #tpu.memory_space<hbm>>
      %dma_wait3A_54 = tpu.memref_squeeze %dma_wait3A_53 : memref<1x40x128xi32, #tpu.memory_space<hbm>> -> memref<40x128xi32, #tpu.memory_space<hbm>>
      tpu.wait_dma2 semaphore(%run_scoped3A : memref<!tpu.dma_semaphore, #tpu.memory_space<semaphore_mem>>) src(%dma_wait3A_54 : memref<40x128xi32, #tpu.memory_space<hbm>>) dst(%arg8 : memref<40x128xi32, #tpu.memory_space<vmem>>)
      tpu.yield
    }) : () -> ()
    %eq3A_3 = arith.constant 0 : i32
    %eq3A_4 = arith.cmpi eq, %arg0, %eq3A_3 : i32
    %eq3A_5 = arith.constant 0 : i32
    %eq3A_6 = arith.cmpi eq, %arg1, %eq3A_5 : i32
    %and3A = arith.andi %eq3A_4, %eq3A_6 : i1
    %convert_element_type3A = arith.extui %and3A : i1 to i32
    %cond3A = arith.constant 0 : i32
    %cond3A_7 = arith.cmpi ne, %convert_element_type3A, %cond3A : i32
    scf.if %cond3A_7 {
      "tpu.region"() ({
        %run_scoped3A = tpu.sem_alloc : memref<!tpu.dma_semaphore, #tpu.memory_space<semaphore_mem>>
        %dma_start3A_40 = arith.constant 0 : i32
        %dma_start3A_41 = arith.constant 0 : i32
        %dma_start3A_42 = tpu.memref_slice %arg10[%dma_start3A_40, %dma_start3A_41] : memref<10008x128xf32, #tpu.memory_space<vmem_shared>> -> memref<10000x128xf32, #tpu.memory_space<vmem_shared>>
        tpu.enqueue_dma source(%arg2 : memref<10000x128xf32, #tpu.memory_space<hbm>>) target(%dma_start3A_42 : memref<10000x128xf32, #tpu.memory_space<vmem_shared>>) target_semaphore(%run_scoped3A : memref<!tpu.dma_semaphore, #tpu.memory_space<semaphore_mem>>)
        %dma_wait3A = arith.constant 0 : i32
        %dma_wait3A_43 = arith.constant 0 : i32
        %dma_wait3A_44 = tpu.memref_slice %arg10[%dma_wait3A, %dma_wait3A_43] : memref<10008x128xf32, #tpu.memory_space<vmem_shared>> -> memref<10000x128xf32, #tpu.memory_space<vmem_shared>>
        tpu.wait_dma2 semaphore(%run_scoped3A : memref<!tpu.dma_semaphore, #tpu.memory_space<semaphore_mem>>) src(%arg2 : memref<10000x128xf32, #tpu.memory_space<hbm>>) dst(%dma_wait3A_44 : memref<10000x128xf32, #tpu.memory_space<vmem_shared>>)
        tpu.yield
      }) : () -> ()
    } else {
    }
    %eq3A_8 = arith.constant 1 : i32
    %eq3A_9 = arith.cmpi eq, %arg0, %eq3A_8 : i32
    %convert_element_type3A_10 = arith.extui %eq3A_9 : i1 to i32
    %cond3A_11 = arith.constant 0 : i32
    %cond3A_12 = arith.cmpi ne, %convert_element_type3A_10, %cond3A_11 : i32
    scf.if %cond3A_12 {
      %mul3A_40 = arith.constant 625 : i32
      %mul3A_41 = arith.muli %arg1, %mul3A_40 : i32
      "tpu.region"() ({
        %run_scoped3A = tpu.sem_alloc : memref<!tpu.dma_semaphore, #tpu.memory_space<semaphore_mem>>
        %dma_start3A_42 = arith.constant 0 : i32
        %dma_start3A_43 = tpu.memref_slice %arg10[%mul3A_41, %dma_start3A_42] : memref<10008x128xf32, #tpu.memory_space<vmem_shared>> -> memref<625x128xf32, #tpu.memory_space<vmem_shared>>
        tpu.enqueue_dma source(%arg5 : memref<625x128xf32, #tpu.memory_space<hbm>>) target(%dma_start3A_43 : memref<625x128xf32, #tpu.memory_space<vmem_shared>>) target_semaphore(%run_scoped3A : memref<!tpu.dma_semaphore, #tpu.memory_space<semaphore_mem>>)
        %dma_wait3A = arith.constant 0 : i32
        %dma_wait3A_44 = tpu.memref_slice %arg10[%mul3A_41, %dma_wait3A] : memref<10008x128xf32, #tpu.memory_space<vmem_shared>> -> memref<625x128xf32, #tpu.memory_space<vmem_shared>>
        tpu.wait_dma2 semaphore(%run_scoped3A : memref<!tpu.dma_semaphore, #tpu.memory_space<semaphore_mem>>) src(%arg5 : memref<625x128xf32, #tpu.memory_space<hbm>>) dst(%dma_wait3A_44 : memref<625x128xf32, #tpu.memory_space<vmem_shared>>)
        tpu.yield
      }) : () -> ()
    } else {
    }
    %eq3A_13 = arith.constant 0 : i32
    %eq3A_14 = arith.cmpi eq, %arg1, %eq3A_13 : i32
    %convert_element_type3A_15 = arith.extui %eq3A_14 : i1 to i32
    %cond3A_16 = arith.constant 0 : i32
    %cond3A_17 = arith.cmpi ne, %convert_element_type3A_15, %cond3A_16 : i32
    scf.if %cond3A_17 {
      "tpu.region"() ({
        %run_scoped3A = tpu.sem_alloc : memref<!tpu.dma_semaphore, #tpu.memory_space<semaphore_mem>>
        %dma_start3A_40 = arith.constant 10000 : i32
        %dma_start3A_41 = arith.constant 0 : i32
        %dma_start3A_42 = tpu.memref_slice %arg10[%dma_start3A_40, %dma_start3A_41] : memref<10008x128xf32, #tpu.memory_space<vmem_shared>> -> memref<8x128xf32, #tpu.memory_space<vmem_shared>>
        %dma_start3A_43 = arith.constant 0 : i32
        %dma_start3A_44 = arith.constant 0 : i32
        %dma_start3A_45 = tpu.memref_slice %arg5[%dma_start3A_43, %dma_start3A_44] : memref<625x128xf32, #tpu.memory_space<hbm>> -> memref<8x128xf32, #tpu.memory_space<hbm>>
        tpu.enqueue_dma source(%dma_start3A_45 : memref<8x128xf32, #tpu.memory_space<hbm>>) target(%dma_start3A_42 : memref<8x128xf32, #tpu.memory_space<vmem_shared>>) target_semaphore(%run_scoped3A : memref<!tpu.dma_semaphore, #tpu.memory_space<semaphore_mem>>)
        %dma_wait3A = arith.constant 10000 : i32
        %dma_wait3A_46 = arith.constant 0 : i32
        %dma_wait3A_47 = tpu.memref_slice %arg10[%dma_wait3A, %dma_wait3A_46] : memref<10008x128xf32, #tpu.memory_space<vmem_shared>> -> memref<8x128xf32, #tpu.memory_space<vmem_shared>>
        %dma_wait3A_48 = arith.constant 0 : i32
        %dma_wait3A_49 = arith.constant 0 : i32
        %dma_wait3A_50 = tpu.memref_slice %arg5[%dma_wait3A_48, %dma_wait3A_49] : memref<625x128xf32, #tpu.memory_space<hbm>> -> memref<8x128xf32, #tpu.memory_space<hbm>>
        tpu.wait_dma2 semaphore(%run_scoped3A : memref<!tpu.dma_semaphore, #tpu.memory_space<semaphore_mem>>) src(%dma_wait3A_50 : memref<8x128xf32, #tpu.memory_space<hbm>>) dst(%dma_wait3A_47 : memref<8x128xf32, #tpu.memory_space<vmem_shared>>)
        tpu.yield
      }) : () -> ()
    } else {
    }
    %barrier3A = arith.constant 0 : index
    tpu.barrier barrier_id(%barrier3A)
    %dma_start3A = arith.constant 0 : i32
    %dma_start3A_18 = arith.constant 0 : i32
    %dma_start3A_19 = arith.constant 0 : i32
    %dma_start3A_20 = arith.constant 0 : i32
    %dma_start3A_21 = tpu.memref_slice %arg9[%dma_start3A_18, %dma_start3A_19, %dma_start3A_20] : memref<2x128x128xf32, #tpu.memory_space<vmem>> -> memref<1x128x128xf32, #tpu.memory_space<vmem>>
    %dma_start3A_22 = tpu.memref_squeeze %dma_start3A_21 : memref<1x128x128xf32, #tpu.memory_space<vmem>> -> memref<128x128xf32, #tpu.memory_space<vmem>>
    %dma_start3A_23 = arith.constant 0 : i32
    %dma_start3A_24 = tpu.memref_slice %arg7[%dma_start3A, %dma_start3A_23] : memref<40x128xi32, #tpu.memory_space<vmem>> -> memref<1x128xi32, #tpu.memory_space<vmem>>
    %dma_start3A_25 = tpu.memref_squeeze %dma_start3A_24 : memref<1x128xi32, #tpu.memory_space<vmem>> -> memref<128xi32, #tpu.memory_space<vmem>>
    %dma_start3A_26 = arith.constant 0 : i32
    %dma_start3A_27 = arith.constant 0 : i32
    %dma_start3A_28 = tpu.memref_slice %arg2[%dma_start3A_26, %dma_start3A_27] : memref<10000x128xf32, #tpu.memory_space<hbm>> -> memref<10000x128xf32, #tpu.memory_space<hbm>>
    tpu.enqueue_indirect_dma source(%dma_start3A_28 : memref<10000x128xf32, #tpu.memory_space<hbm>>) target(%dma_start3A_22 : memref<128x128xf32, #tpu.memory_space<vmem>>) offsets(%dma_start3A_25 : memref<128xi32, #tpu.memory_space<vmem>>) semaphore(%arg11 : memref<!tpu.dma_semaphore, #tpu.memory_space<semaphore_mem>>)
    %while3A = arith.constant 0 : i32
    %while3A_29 = arith.subi %select_n3A, %while3A : i32
    %while3A_30 = arith.addi %while3A, %while3A_29 : i32
    %while3A_31 = arith.constant 1 : i32
    %while3A_32 = arith.divsi %while3A_29, %while3A_31 : i32
    %while3A_33 = arith.muli %while3A_32, %while3A_31 : i32
    %while3A_34 = arith.addi %while3A, %while3A_33 : i32
    %while3A_35 = arith.constant 1 : i32
    scf.for %while3A_40 = %while3A to %while3A_34 step %while3A_35  : i32 {
      %rem3A = arith.constant 40 : i32
      %rem3A_41 = arith.remsi %while3A_40, %rem3A : i32
      %eq3A_42 = arith.constant 39 : i32
      %eq3A_43 = arith.cmpi eq, %rem3A_41, %eq3A_42 : i32
      %add3A_44 = arith.constant 1 : i32
      %add3A_45 = arith.addi %while3A_40, %add3A_44 : i32
      %lt3A = arith.cmpi slt, %add3A_45, %select_n3A : i32
      %and3A_46 = arith.andi %eq3A_43, %lt3A : i1
      %rem3A_47 = arith.constant 2 : i32
      %rem3A_48 = arith.remsi %while3A_40, %rem3A_47 : i32
      %dma_wait3A = arith.constant 0 : i32
      %dma_wait3A_49 = arith.constant 0 : i32
      %dma_wait3A_50 = tpu.memref_slice %arg9[%rem3A_48, %dma_wait3A, %dma_wait3A_49] : memref<2x128x128xf32, #tpu.memory_space<vmem>> -> memref<1x128x128xf32, #tpu.memory_space<vmem>>
      %dma_wait3A_51 = tpu.memref_squeeze %dma_wait3A_50 : memref<1x128x128xf32, #tpu.memory_space<vmem>> -> memref<128x128xf32, #tpu.memory_space<vmem>>
      %dma_wait3A_52 = arith.constant 0 : i32
      %dma_wait3A_53 = tpu.memref_slice %arg7[%rem3A_41, %dma_wait3A_52] : memref<40x128xi32, #tpu.memory_space<vmem>> -> memref<1x128xi32, #tpu.memory_space<vmem>>
      %dma_wait3A_54 = tpu.memref_squeeze %dma_wait3A_53 : memref<1x128xi32, #tpu.memory_space<vmem>> -> memref<128xi32, #tpu.memory_space<vmem>>
      %dma_wait3A_55 = arith.constant 0 : i32
      %dma_wait3A_56 = arith.constant 0 : i32
      %dma_wait3A_57 = tpu.memref_slice %arg2[%dma_wait3A_55, %dma_wait3A_56] : memref<10000x128xf32, #tpu.memory_space<hbm>> -> memref<10000x128xf32, #tpu.memory_space<hbm>>
      tpu.wait_indirect_dma semaphore(%arg11 : memref<!tpu.dma_semaphore, #tpu.memory_space<semaphore_mem>>) src(%dma_wait3A_57 : memref<10000x128xf32, #tpu.memory_space<hbm>>) dst(%dma_wait3A_51 : memref<128x128xf32, #tpu.memory_space<vmem>>)
      %not3A = arith.constant true
      %not3A_58 = arith.xori %and3A_46, %not3A : i1
      %add3A_59 = arith.constant 1 : i32
      %add3A_60 = arith.addi %while3A_40, %add3A_59 : i32
      %lt3A_61 = arith.cmpi slt, %add3A_60, %select_n3A : i32
      %and3A_62 = arith.andi %not3A_58, %lt3A_61 : i1
      %convert_element_type3A_63 = arith.extui %and3A_62 : i1 to i32
      %cond3A_64 = arith.constant 0 : i32
      %cond3A_65 = arith.cmpi ne, %convert_element_type3A_63, %cond3A_64 : i32
      scf.if %cond3A_65 {
        %add3A_71 = arith.constant 1 : i32
        %add3A_72 = arith.addi %while3A_40, %add3A_71 : i32
        %rem3A_73 = arith.constant 40 : i32
        %rem3A_74 = arith.remsi %add3A_72, %rem3A_73 : i32
        %add3A_75 = arith.constant 1 : i32
        %add3A_76 = arith.addi %while3A_40, %add3A_75 : i32
        %rem3A_77 = arith.constant 2 : i32
        %rem3A_78 = arith.remsi %add3A_76, %rem3A_77 : i32
        %dma_start3A_79 = arith.constant 0 : i32
        %dma_start3A_80 = arith.constant 0 : i32
        %dma_start3A_81 = tpu.memref_slice %arg9[%rem3A_78, %dma_start3A_79, %dma_start3A_80] : memref<2x128x128xf32, #tpu.memory_space<vmem>> -> memref<1x128x128xf32, #tpu.memory_space<vmem>>
        %dma_start3A_82 = tpu.memref_squeeze %dma_start3A_81 : memref<1x128x128xf32, #tpu.memory_space<vmem>> -> memref<128x128xf32, #tpu.memory_space<vmem>>
        %dma_start3A_83 = arith.constant 0 : i32
        %dma_start3A_84 = tpu.memref_slice %arg7[%rem3A_74, %dma_start3A_83] : memref<40x128xi32, #tpu.memory_space<vmem>> -> memref<1x128xi32, #tpu.memory_space<vmem>>
        %dma_start3A_85 = tpu.memref_squeeze %dma_start3A_84 : memref<1x128xi32, #tpu.memory_space<vmem>> -> memref<128xi32, #tpu.memory_space<vmem>>
        %dma_start3A_86 = arith.constant 0 : i32
        %dma_start3A_87 = arith.constant 0 : i32
        %dma_start3A_88 = tpu.memref_slice %arg2[%dma_start3A_86, %dma_start3A_87] : memref<10000x128xf32, #tpu.memory_space<hbm>> -> memref<10000x128xf32, #tpu.memory_space<hbm>>
        tpu.enqueue_indirect_dma source(%dma_start3A_88 : memref<10000x128xf32, #tpu.memory_space<hbm>>) target(%dma_start3A_82 : memref<128x128xf32, #tpu.memory_space<vmem>>) offsets(%dma_start3A_85 : memref<128xi32, #tpu.memory_space<vmem>>) semaphore(%arg11 : memref<!tpu.dma_semaphore, #tpu.memory_space<semaphore_mem>>)
      } else {
      }
      %rem3A_66 = arith.constant 2 : i32
      %rem3A_67 = arith.remsi %while3A_40, %rem3A_66 : i32
      "tpu.region"() ({
        %run_scoped3A = tpu.sem_alloc : memref<!tpu.dma_semaphore, #tpu.memory_space<semaphore_mem>>
        %dma_start3A_71 = arith.constant 0 : i32
        %dma_start3A_72 = arith.constant 0 : i32
        %dma_start3A_73 = tpu.memref_slice %arg9[%rem3A_67, %dma_start3A_71, %dma_start3A_72] : memref<2x128x128xf32, #tpu.memory_space<vmem>> -> memref<1x128x128xf32, #tpu.memory_space<vmem>>
        %dma_start3A_74 = tpu.memref_squeeze %dma_start3A_73 : memref<1x128x128xf32, #tpu.memory_space<vmem>> -> memref<128x128xf32, #tpu.memory_space<vmem>>
        %dma_start3A_75 = arith.constant 0 : i32
        %dma_start3A_76 = tpu.memref_slice %arg8[%rem3A_41, %dma_start3A_75] : memref<40x128xi32, #tpu.memory_space<vmem>> -> memref<1x128xi32, #tpu.memory_space<vmem>>
        %dma_start3A_77 = tpu.memref_squeeze %dma_start3A_76 : memref<1x128xi32, #tpu.memory_space<vmem>> -> memref<128xi32, #tpu.memory_space<vmem>>
        %dma_start3A_78 = arith.constant 0 : i32
        %dma_start3A_79 = arith.constant 0 : i32
        %dma_start3A_80 = tpu.memref_slice %arg10[%dma_start3A_78, %dma_start3A_79] : memref<10008x128xf32, #tpu.memory_space<vmem_shared>> -> memref<10008x128xf32, #tpu.memory_space<vmem_shared>>
        tpu.enqueue_indirect_dma source(%dma_start3A_74 : memref<128x128xf32, #tpu.memory_space<vmem>>) target(%dma_start3A_80 : memref<10008x128xf32, #tpu.memory_space<vmem_shared>>) offsets(%dma_start3A_77 : memref<128xi32, #tpu.memory_space<vmem>>) semaphore(%run_scoped3A : memref<!tpu.dma_semaphore, #tpu.memory_space<semaphore_mem>>) {add = true}
        %dma_wait3A_81 = arith.constant 0 : i32
        %dma_wait3A_82 = arith.constant 0 : i32
        %dma_wait3A_83 = tpu.memref_slice %arg9[%rem3A_67, %dma_wait3A_81, %dma_wait3A_82] : memref<2x128x128xf32, #tpu.memory_space<vmem>> -> memref<1x128x128xf32, #tpu.memory_space<vmem>>
        %dma_wait3A_84 = tpu.memref_squeeze %dma_wait3A_83 : memref<1x128x128xf32, #tpu.memory_space<vmem>> -> memref<128x128xf32, #tpu.memory_space<vmem>>
        %dma_wait3A_85 = arith.constant 0 : i32
        %dma_wait3A_86 = tpu.memref_slice %arg8[%rem3A_41, %dma_wait3A_85] : memref<40x128xi32, #tpu.memory_space<vmem>> -> memref<1x128xi32, #tpu.memory_space<vmem>>
        %dma_wait3A_87 = tpu.memref_squeeze %dma_wait3A_86 : memref<1x128xi32, #tpu.memory_space<vmem>> -> memref<128xi32, #tpu.memory_space<vmem>>
        %dma_wait3A_88 = arith.constant 0 : i32
        %dma_wait3A_89 = arith.constant 0 : i32
        %dma_wait3A_90 = tpu.memref_slice %arg10[%dma_wait3A_88, %dma_wait3A_89] : memref<10008x128xf32, #tpu.memory_space<vmem_shared>> -> memref<10008x128xf32, #tpu.memory_space<vmem_shared>>
        tpu.wait_indirect_dma semaphore(%run_scoped3A : memref<!tpu.dma_semaphore, #tpu.memory_space<semaphore_mem>>) src(%dma_wait3A_84 : memref<128x128xf32, #tpu.memory_space<vmem>>) dst(%dma_wait3A_90 : memref<10008x128xf32, #tpu.memory_space<vmem_shared>>)
        tpu.yield
      }) : () -> ()
      %convert_element_type3A_68 = arith.extui %and3A_46 : i1 to i32
      %cond3A_69 = arith.constant 0 : i32
      %cond3A_70 = arith.cmpi ne, %convert_element_type3A_68, %cond3A_69 : i32
      scf.if %cond3A_70 {
        %add3A_71 = arith.constant 1 : i32
        %add3A_72 = arith.addi %while3A_40, %add3A_71 : i32
        %multiple_of3A = tpu.assume_multiple %add3A_72, 8 : i32
        "tpu.region"() ({
          %run_scoped3A = tpu.sem_alloc : memref<!tpu.dma_semaphore, #tpu.memory_space<semaphore_mem>>
          %dma_start3A_88 = arith.constant 0 : i32
          %dma_start3A_89 = tpu.memref_slice %arg3[%add3A, %multiple_of3A, %dma_start3A_88] : memref<32x120x128xi32, #tpu.memory_space<hbm>> -> memref<1x40x128xi32, #tpu.memory_space<hbm>>
          %dma_start3A_90 = tpu.memref_squeeze %dma_start3A_89 : memref<1x40x128xi32, #tpu.memory_space<hbm>> -> memref<40x128xi32, #tpu.memory_space<hbm>>
          %dma_start3A_91 = arith.constant 0 : i32
          %dma_start3A_92 = tpu.memref_slice %arg3[%add3A, %multiple_of3A, %dma_start3A_91] : memref<32x120x128xi32, #tpu.memory_space<hbm>> -> memref<1x40x128xi32, #tpu.memory_space<hbm>>
          %dma_start3A_93 = tpu.memref_squeeze %dma_start3A_92 : memref<1x40x128xi32, #tpu.memory_space<hbm>> -> memref<40x128xi32, #tpu.memory_space<hbm>>
          tpu.enqueue_dma source(%dma_start3A_93 : memref<40x128xi32, #tpu.memory_space<hbm>>) target(%arg7 : memref<40x128xi32, #tpu.memory_space<vmem>>) target_semaphore(%run_scoped3A : memref<!tpu.dma_semaphore, #tpu.memory_space<semaphore_mem>>)
          %dma_wait3A_94 = arith.constant 0 : i32
          %dma_wait3A_95 = tpu.memref_slice %arg3[%add3A, %multiple_of3A, %dma_wait3A_94] : memref<32x120x128xi32, #tpu.memory_space<hbm>> -> memref<1x40x128xi32, #tpu.memory_space<hbm>>
          %dma_wait3A_96 = tpu.memref_squeeze %dma_wait3A_95 : memref<1x40x128xi32, #tpu.memory_space<hbm>> -> memref<40x128xi32, #tpu.memory_space<hbm>>
          %dma_wait3A_97 = arith.constant 0 : i32
          %dma_wait3A_98 = tpu.memref_slice %arg3[%add3A, %multiple_of3A, %dma_wait3A_97] : memref<32x120x128xi32, #tpu.memory_space<hbm>> -> memref<1x40x128xi32, #tpu.memory_space<hbm>>
          %dma_wait3A_99 = tpu.memref_squeeze %dma_wait3A_98 : memref<1x40x128xi32, #tpu.memory_space<hbm>> -> memref<40x128xi32, #tpu.memory_space<hbm>>
          tpu.wait_dma2 semaphore(%run_scoped3A : memref<!tpu.dma_semaphore, #tpu.memory_space<semaphore_mem>>) src(%dma_wait3A_99 : memref<40x128xi32, #tpu.memory_space<hbm>>) dst(%arg7 : memref<40x128xi32, #tpu.memory_space<vmem>>)
          tpu.yield
        }) : () -> ()
        "tpu.region"() ({
          %run_scoped3A = tpu.sem_alloc : memref<!tpu.dma_semaphore, #tpu.memory_space<semaphore_mem>>
          %dma_start3A_88 = arith.constant 0 : i32
          %dma_start3A_89 = tpu.memref_slice %arg4[%add3A, %multiple_of3A, %dma_start3A_88] : memref<32x120x128xi32, #tpu.memory_space<hbm>> -> memref<1x40x128xi32, #tpu.memory_space<hbm>>
          %dma_start3A_90 = tpu.memref_squeeze %dma_start3A_89 : memref<1x40x128xi32, #tpu.memory_space<hbm>> -> memref<40x128xi32, #tpu.memory_space<hbm>>
          %dma_start3A_91 = arith.constant 0 : i32
          %dma_start3A_92 = tpu.memref_slice %arg4[%add3A, %multiple_of3A, %dma_start3A_91] : memref<32x120x128xi32, #tpu.memory_space<hbm>> -> memref<1x40x128xi32, #tpu.memory_space<hbm>>
          %dma_start3A_93 = tpu.memref_squeeze %dma_start3A_92 : memref<1x40x128xi32, #tpu.memory_space<hbm>> -> memref<40x128xi32, #tpu.memory_space<hbm>>
          tpu.enqueue_dma source(%dma_start3A_93 : memref<40x128xi32, #tpu.memory_space<hbm>>) target(%arg8 : memref<40x128xi32, #tpu.memory_space<vmem>>) target_semaphore(%run_scoped3A : memref<!tpu.dma_semaphore, #tpu.memory_space<semaphore_mem>>)
          %dma_wait3A_94 = arith.constant 0 : i32
          %dma_wait3A_95 = tpu.memref_slice %arg4[%add3A, %multiple_of3A, %dma_wait3A_94] : memref<32x120x128xi32, #tpu.memory_space<hbm>> -> memref<1x40x128xi32, #tpu.memory_space<hbm>>
          %dma_wait3A_96 = tpu.memref_squeeze %dma_wait3A_95 : memref<1x40x128xi32, #tpu.memory_space<hbm>> -> memref<40x128xi32, #tpu.memory_space<hbm>>
          %dma_wait3A_97 = arith.constant 0 : i32
          %dma_wait3A_98 = tpu.memref_slice %arg4[%add3A, %multiple_of3A, %dma_wait3A_97] : memref<32x120x128xi32, #tpu.memory_space<hbm>> -> memref<1x40x128xi32, #tpu.memory_space<hbm>>
          %dma_wait3A_99 = tpu.memref_squeeze %dma_wait3A_98 : memref<1x40x128xi32, #tpu.memory_space<hbm>> -> memref<40x128xi32, #tpu.memory_space<hbm>>
          tpu.wait_dma2 semaphore(%run_scoped3A : memref<!tpu.dma_semaphore, #tpu.memory_space<semaphore_mem>>) src(%dma_wait3A_99 : memref<40x128xi32, #tpu.memory_space<hbm>>) dst(%arg8 : memref<40x128xi32, #tpu.memory_space<vmem>>)
          tpu.yield
        }) : () -> ()
        %add3A_73 = arith.constant 1 : i32
        %add3A_74 = arith.addi %while3A_40, %add3A_73 : i32
        %rem3A_75 = arith.constant 2 : i32
        %rem3A_76 = arith.remsi %add3A_74, %rem3A_75 : i32
        %dma_start3A_77 = arith.constant 0 : i32
        %dma_start3A_78 = arith.constant 0 : i32
        %dma_start3A_79 = arith.constant 0 : i32
        %dma_start3A_80 = tpu.memref_slice %arg9[%rem3A_76, %dma_start3A_78, %dma_start3A_79] : memref<2x128x128xf32, #tpu.memory_space<vmem>> -> memref<1x128x128xf32, #tpu.memory_space<vmem>>
        %dma_start3A_81 = tpu.memref_squeeze %dma_start3A_80 : memref<1x128x128xf32, #tpu.memory_space<vmem>> -> memref<128x128xf32, #tpu.memory_space<vmem>>
        %dma_start3A_82 = arith.constant 0 : i32
        %dma_start3A_83 = tpu.memref_slice %arg7[%dma_start3A_77, %dma_start3A_82] : memref<40x128xi32, #tpu.memory_space<vmem>> -> memref<1x128xi32, #tpu.memory_space<vmem>>
        %dma_start3A_84 = tpu.memref_squeeze %dma_start3A_83 : memref<1x128xi32, #tpu.memory_space<vmem>> -> memref<128xi32, #tpu.memory_space<vmem>>
        %dma_start3A_85 = arith.constant 0 : i32
        %dma_start3A_86 = arith.constant 0 : i32
        %dma_start3A_87 = tpu.memref_slice %arg2[%dma_start3A_85, %dma_start3A_86] : memref<10000x128xf32, #tpu.memory_space<hbm>> -> memref<10000x128xf32, #tpu.memory_space<hbm>>
        tpu.enqueue_indirect_dma source(%dma_start3A_87 : memref<10000x128xf32, #tpu.memory_space<hbm>>) target(%dma_start3A_81 : memref<128x128xf32, #tpu.memory_space<vmem>>) offsets(%dma_start3A_84 : memref<128xi32, #tpu.memory_space<vmem>>) semaphore(%arg11 : memref<!tpu.dma_semaphore, #tpu.memory_space<semaphore_mem>>)
      } else {
      }
    }
    %while3A_36 = arith.constant 1 : i32
    scf.for %while3A_40 = %while3A_34 to %while3A_30 step %while3A_36  : i32 {
      %rem3A = arith.constant 40 : i32
      %rem3A_41 = arith.remsi %while3A_40, %rem3A : i32
      %eq3A_42 = arith.constant 39 : i32
      %eq3A_43 = arith.cmpi eq, %rem3A_41, %eq3A_42 : i32
      %add3A_44 = arith.constant 1 : i32
      %add3A_45 = arith.addi %while3A_40, %add3A_44 : i32
      %lt3A = arith.cmpi slt, %add3A_45, %select_n3A : i32
      %and3A_46 = arith.andi %eq3A_43, %lt3A : i1
      %rem3A_47 = arith.constant 2 : i32
      %rem3A_48 = arith.remsi %while3A_40, %rem3A_47 : i32
      %dma_wait3A = arith.constant 0 : i32
      %dma_wait3A_49 = arith.constant 0 : i32
      %dma_wait3A_50 = tpu.memref_slice %arg9[%rem3A_48, %dma_wait3A, %dma_wait3A_49] : memref<2x128x128xf32, #tpu.memory_space<vmem>> -> memref<1x128x128xf32, #tpu.memory_space<vmem>>
      %dma_wait3A_51 = tpu.memref_squeeze %dma_wait3A_50 : memref<1x128x128xf32, #tpu.memory_space<vmem>> -> memref<128x128xf32, #tpu.memory_space<vmem>>
      %dma_wait3A_52 = arith.constant 0 : i32
      %dma_wait3A_53 = tpu.memref_slice %arg7[%rem3A_41, %dma_wait3A_52] : memref<40x128xi32, #tpu.memory_space<vmem>> -> memref<1x128xi32, #tpu.memory_space<vmem>>
      %dma_wait3A_54 = tpu.memref_squeeze %dma_wait3A_53 : memref<1x128xi32, #tpu.memory_space<vmem>> -> memref<128xi32, #tpu.memory_space<vmem>>
      %dma_wait3A_55 = arith.constant 0 : i32
      %dma_wait3A_56 = arith.constant 0 : i32
      %dma_wait3A_57 = tpu.memref_slice %arg2[%dma_wait3A_55, %dma_wait3A_56] : memref<10000x128xf32, #tpu.memory_space<hbm>> -> memref<10000x128xf32, #tpu.memory_space<hbm>>
      tpu.wait_indirect_dma semaphore(%arg11 : memref<!tpu.dma_semaphore, #tpu.memory_space<semaphore_mem>>) src(%dma_wait3A_57 : memref<10000x128xf32, #tpu.memory_space<hbm>>) dst(%dma_wait3A_51 : memref<128x128xf32, #tpu.memory_space<vmem>>)
      %not3A = arith.constant true
      %not3A_58 = arith.xori %and3A_46, %not3A : i1
      %add3A_59 = arith.constant 1 : i32
      %add3A_60 = arith.addi %while3A_40, %add3A_59 : i32
      %lt3A_61 = arith.cmpi slt, %add3A_60, %select_n3A : i32
      %and3A_62 = arith.andi %not3A_58, %lt3A_61 : i1
      %convert_element_type3A_63 = arith.extui %and3A_62 : i1 to i32
      %cond3A_64 = arith.constant 0 : i32
      %cond3A_65 = arith.cmpi ne, %convert_element_type3A_63, %cond3A_64 : i32
      scf.if %cond3A_65 {
        %add3A_71 = arith.constant 1 : i32
        %add3A_72 = arith.addi %while3A_40, %add3A_71 : i32
        %rem3A_73 = arith.constant 40 : i32
        %rem3A_74 = arith.remsi %add3A_72, %rem3A_73 : i32
        %add3A_75 = arith.constant 1 : i32
        %add3A_76 = arith.addi %while3A_40, %add3A_75 : i32
        %rem3A_77 = arith.constant 2 : i32
        %rem3A_78 = arith.remsi %add3A_76, %rem3A_77 : i32
        %dma_start3A_79 = arith.constant 0 : i32
        %dma_start3A_80 = arith.constant 0 : i32
        %dma_start3A_81 = tpu.memref_slice %arg9[%rem3A_78, %dma_start3A_79, %dma_start3A_80] : memref<2x128x128xf32, #tpu.memory_space<vmem>> -> memref<1x128x128xf32, #tpu.memory_space<vmem>>
        %dma_start3A_82 = tpu.memref_squeeze %dma_start3A_81 : memref<1x128x128xf32, #tpu.memory_space<vmem>> -> memref<128x128xf32, #tpu.memory_space<vmem>>
        %dma_start3A_83 = arith.constant 0 : i32
        %dma_start3A_84 = tpu.memref_slice %arg7[%rem3A_74, %dma_start3A_83] : memref<40x128xi32, #tpu.memory_space<vmem>> -> memref<1x128xi32, #tpu.memory_space<vmem>>
        %dma_start3A_85 = tpu.memref_squeeze %dma_start3A_84 : memref<1x128xi32, #tpu.memory_space<vmem>> -> memref<128xi32, #tpu.memory_space<vmem>>
        %dma_start3A_86 = arith.constant 0 : i32
        %dma_start3A_87 = arith.constant 0 : i32
        %dma_start3A_88 = tpu.memref_slice %arg2[%dma_start3A_86, %dma_start3A_87] : memref<10000x128xf32, #tpu.memory_space<hbm>> -> memref<10000x128xf32, #tpu.memory_space<hbm>>
        tpu.enqueue_indirect_dma source(%dma_start3A_88 : memref<10000x128xf32, #tpu.memory_space<hbm>>) target(%dma_start3A_82 : memref<128x128xf32, #tpu.memory_space<vmem>>) offsets(%dma_start3A_85 : memref<128xi32, #tpu.memory_space<vmem>>) semaphore(%arg11 : memref<!tpu.dma_semaphore, #tpu.memory_space<semaphore_mem>>)
      } else {
      }
      %rem3A_66 = arith.constant 2 : i32
      %rem3A_67 = arith.remsi %while3A_40, %rem3A_66 : i32
      "tpu.region"() ({
        %run_scoped3A = tpu.sem_alloc : memref<!tpu.dma_semaphore, #tpu.memory_space<semaphore_mem>>
        %dma_start3A_71 = arith.constant 0 : i32
        %dma_start3A_72 = arith.constant 0 : i32
        %dma_start3A_73 = tpu.memref_slice %arg9[%rem3A_67, %dma_start3A_71, %dma_start3A_72] : memref<2x128x128xf32, #tpu.memory_space<vmem>> -> memref<1x128x128xf32, #tpu.memory_space<vmem>>
        %dma_start3A_74 = tpu.memref_squeeze %dma_start3A_73 : memref<1x128x128xf32, #tpu.memory_space<vmem>> -> memref<128x128xf32, #tpu.memory_space<vmem>>
        %dma_start3A_75 = arith.constant 0 : i32
        %dma_start3A_76 = tpu.memref_slice %arg8[%rem3A_41, %dma_start3A_75] : memref<40x128xi32, #tpu.memory_space<vmem>> -> memref<1x128xi32, #tpu.memory_space<vmem>>
        %dma_start3A_77 = tpu.memref_squeeze %dma_start3A_76 : memref<1x128xi32, #tpu.memory_space<vmem>> -> memref<128xi32, #tpu.memory_space<vmem>>
        %dma_start3A_78 = arith.constant 0 : i32
        %dma_start3A_79 = arith.constant 0 : i32
        %dma_start3A_80 = tpu.memref_slice %arg10[%dma_start3A_78, %dma_start3A_79] : memref<10008x128xf32, #tpu.memory_space<vmem_shared>> -> memref<10008x128xf32, #tpu.memory_space<vmem_shared>>
        tpu.enqueue_indirect_dma source(%dma_start3A_74 : memref<128x128xf32, #tpu.memory_space<vmem>>) target(%dma_start3A_80 : memref<10008x128xf32, #tpu.memory_space<vmem_shared>>) offsets(%dma_start3A_77 : memref<128xi32, #tpu.memory_space<vmem>>) semaphore(%run_scoped3A : memref<!tpu.dma_semaphore, #tpu.memory_space<semaphore_mem>>) {add = true}
        %dma_wait3A_81 = arith.constant 0 : i32
        %dma_wait3A_82 = arith.constant 0 : i32
        %dma_wait3A_83 = tpu.memref_slice %arg9[%rem3A_67, %dma_wait3A_81, %dma_wait3A_82] : memref<2x128x128xf32, #tpu.memory_space<vmem>> -> memref<1x128x128xf32, #tpu.memory_space<vmem>>
        %dma_wait3A_84 = tpu.memref_squeeze %dma_wait3A_83 : memref<1x128x128xf32, #tpu.memory_space<vmem>> -> memref<128x128xf32, #tpu.memory_space<vmem>>
        %dma_wait3A_85 = arith.constant 0 : i32
        %dma_wait3A_86 = tpu.memref_slice %arg8[%rem3A_41, %dma_wait3A_85] : memref<40x128xi32, #tpu.memory_space<vmem>> -> memref<1x128xi32, #tpu.memory_space<vmem>>
        %dma_wait3A_87 = tpu.memref_squeeze %dma_wait3A_86 : memref<1x128xi32, #tpu.memory_space<vmem>> -> memref<128xi32, #tpu.memory_space<vmem>>
        %dma_wait3A_88 = arith.constant 0 : i32
        %dma_wait3A_89 = arith.constant 0 : i32
        %dma_wait3A_90 = tpu.memref_slice %arg10[%dma_wait3A_88, %dma_wait3A_89] : memref<10008x128xf32, #tpu.memory_space<vmem_shared>> -> memref<10008x128xf32, #tpu.memory_space<vmem_shared>>
        tpu.wait_indirect_dma semaphore(%run_scoped3A : memref<!tpu.dma_semaphore, #tpu.memory_space<semaphore_mem>>) src(%dma_wait3A_84 : memref<128x128xf32, #tpu.memory_space<vmem>>) dst(%dma_wait3A_90 : memref<10008x128xf32, #tpu.memory_space<vmem_shared>>)
        tpu.yield
      }) : () -> ()
      %convert_element_type3A_68 = arith.extui %and3A_46 : i1 to i32
      %cond3A_69 = arith.constant 0 : i32
      %cond3A_70 = arith.cmpi ne, %convert_element_type3A_68, %cond3A_69 : i32
      scf.if %cond3A_70 {
        %add3A_71 = arith.constant 1 : i32
        %add3A_72 = arith.addi %while3A_40, %add3A_71 : i32
        %multiple_of3A = tpu.assume_multiple %add3A_72, 8 : i32
        "tpu.region"() ({
          %run_scoped3A = tpu.sem_alloc : memref<!tpu.dma_semaphore, #tpu.memory_space<semaphore_mem>>
          %dma_start3A_88 = arith.constant 0 : i32
          %dma_start3A_89 = tpu.memref_slice %arg3[%add3A, %multiple_of3A, %dma_start3A_88] : memref<32x120x128xi32, #tpu.memory_space<hbm>> -> memref<1x40x128xi32, #tpu.memory_space<hbm>>
          %dma_start3A_90 = tpu.memref_squeeze %dma_start3A_89 : memref<1x40x128xi32, #tpu.memory_space<hbm>> -> memref<40x128xi32, #tpu.memory_space<hbm>>
          %dma_start3A_91 = arith.constant 0 : i32
          %dma_start3A_92 = tpu.memref_slice %arg3[%add3A, %multiple_of3A, %dma_start3A_91] : memref<32x120x128xi32, #tpu.memory_space<hbm>> -> memref<1x40x128xi32, #tpu.memory_space<hbm>>
          %dma_start3A_93 = tpu.memref_squeeze %dma_start3A_92 : memref<1x40x128xi32, #tpu.memory_space<hbm>> -> memref<40x128xi32, #tpu.memory_space<hbm>>
          tpu.enqueue_dma source(%dma_start3A_93 : memref<40x128xi32, #tpu.memory_space<hbm>>) target(%arg7 : memref<40x128xi32, #tpu.memory_space<vmem>>) target_semaphore(%run_scoped3A : memref<!tpu.dma_semaphore, #tpu.memory_space<semaphore_mem>>)
          %dma_wait3A_94 = arith.constant 0 : i32
          %dma_wait3A_95 = tpu.memref_slice %arg3[%add3A, %multiple_of3A, %dma_wait3A_94] : memref<32x120x128xi32, #tpu.memory_space<hbm>> -> memref<1x40x128xi32, #tpu.memory_space<hbm>>
          %dma_wait3A_96 = tpu.memref_squeeze %dma_wait3A_95 : memref<1x40x128xi32, #tpu.memory_space<hbm>> -> memref<40x128xi32, #tpu.memory_space<hbm>>
          %dma_wait3A_97 = arith.constant 0 : i32
          %dma_wait3A_98 = tpu.memref_slice %arg3[%add3A, %multiple_of3A, %dma_wait3A_97] : memref<32x120x128xi32, #tpu.memory_space<hbm>> -> memref<1x40x128xi32, #tpu.memory_space<hbm>>
          %dma_wait3A_99 = tpu.memref_squeeze %dma_wait3A_98 : memref<1x40x128xi32, #tpu.memory_space<hbm>> -> memref<40x128xi32, #tpu.memory_space<hbm>>
          tpu.wait_dma2 semaphore(%run_scoped3A : memref<!tpu.dma_semaphore, #tpu.memory_space<semaphore_mem>>) src(%dma_wait3A_99 : memref<40x128xi32, #tpu.memory_space<hbm>>) dst(%arg7 : memref<40x128xi32, #tpu.memory_space<vmem>>)
          tpu.yield
        }) : () -> ()
        "tpu.region"() ({
          %run_scoped3A = tpu.sem_alloc : memref<!tpu.dma_semaphore, #tpu.memory_space<semaphore_mem>>
          %dma_start3A_88 = arith.constant 0 : i32
          %dma_start3A_89 = tpu.memref_slice %arg4[%add3A, %multiple_of3A, %dma_start3A_88] : memref<32x120x128xi32, #tpu.memory_space<hbm>> -> memref<1x40x128xi32, #tpu.memory_space<hbm>>
          %dma_start3A_90 = tpu.memref_squeeze %dma_start3A_89 : memref<1x40x128xi32, #tpu.memory_space<hbm>> -> memref<40x128xi32, #tpu.memory_space<hbm>>
          %dma_start3A_91 = arith.constant 0 : i32
          %dma_start3A_92 = tpu.memref_slice %arg4[%add3A, %multiple_of3A, %dma_start3A_91] : memref<32x120x128xi32, #tpu.memory_space<hbm>> -> memref<1x40x128xi32, #tpu.memory_space<hbm>>
          %dma_start3A_93 = tpu.memref_squeeze %dma_start3A_92 : memref<1x40x128xi32, #tpu.memory_space<hbm>> -> memref<40x128xi32, #tpu.memory_space<hbm>>
          tpu.enqueue_dma source(%dma_start3A_93 : memref<40x128xi32, #tpu.memory_space<hbm>>) target(%arg8 : memref<40x128xi32, #tpu.memory_space<vmem>>) target_semaphore(%run_scoped3A : memref<!tpu.dma_semaphore, #tpu.memory_space<semaphore_mem>>)
          %dma_wait3A_94 = arith.constant 0 : i32
          %dma_wait3A_95 = tpu.memref_slice %arg4[%add3A, %multiple_of3A, %dma_wait3A_94] : memref<32x120x128xi32, #tpu.memory_space<hbm>> -> memref<1x40x128xi32, #tpu.memory_space<hbm>>
          %dma_wait3A_96 = tpu.memref_squeeze %dma_wait3A_95 : memref<1x40x128xi32, #tpu.memory_space<hbm>> -> memref<40x128xi32, #tpu.memory_space<hbm>>
          %dma_wait3A_97 = arith.constant 0 : i32
          %dma_wait3A_98 = tpu.memref_slice %arg4[%add3A, %multiple_of3A, %dma_wait3A_97] : memref<32x120x128xi32, #tpu.memory_space<hbm>> -> memref<1x40x128xi32, #tpu.memory_space<hbm>>
          %dma_wait3A_99 = tpu.memref_squeeze %dma_wait3A_98 : memref<1x40x128xi32, #tpu.memory_space<hbm>> -> memref<40x128xi32, #tpu.memory_space<hbm>>
          tpu.wait_dma2 semaphore(%run_scoped3A : memref<!tpu.dma_semaphore, #tpu.memory_space<semaphore_mem>>) src(%dma_wait3A_99 : memref<40x128xi32, #tpu.memory_space<hbm>>) dst(%arg8 : memref<40x128xi32, #tpu.memory_space<vmem>>)
          tpu.yield
        }) : () -> ()
        %add3A_73 = arith.constant 1 : i32
        %add3A_74 = arith.addi %while3A_40, %add3A_73 : i32
        %rem3A_75 = arith.constant 2 : i32
        %rem3A_76 = arith.remsi %add3A_74, %rem3A_75 : i32
        %dma_start3A_77 = arith.constant 0 : i32
        %dma_start3A_78 = arith.constant 0 : i32
        %dma_start3A_79 = arith.constant 0 : i32
        %dma_start3A_80 = tpu.memref_slice %arg9[%rem3A_76, %dma_start3A_78, %dma_start3A_79] : memref<2x128x128xf32, #tpu.memory_space<vmem>> -> memref<1x128x128xf32, #tpu.memory_space<vmem>>
        %dma_start3A_81 = tpu.memref_squeeze %dma_start3A_80 : memref<1x128x128xf32, #tpu.memory_space<vmem>> -> memref<128x128xf32, #tpu.memory_space<vmem>>
        %dma_start3A_82 = arith.constant 0 : i32
        %dma_start3A_83 = tpu.memref_slice %arg7[%dma_start3A_77, %dma_start3A_82] : memref<40x128xi32, #tpu.memory_space<vmem>> -> memref<1x128xi32, #tpu.memory_space<vmem>>
        %dma_start3A_84 = tpu.memref_squeeze %dma_start3A_83 : memref<1x128xi32, #tpu.memory_space<vmem>> -> memref<128xi32, #tpu.memory_space<vmem>>
        %dma_start3A_85 = arith.constant 0 : i32
        %dma_start3A_86 = arith.constant 0 : i32
        %dma_start3A_87 = tpu.memref_slice %arg2[%dma_start3A_85, %dma_start3A_86] : memref<10000x128xf32, #tpu.memory_space<hbm>> -> memref<10000x128xf32, #tpu.memory_space<hbm>>
        tpu.enqueue_indirect_dma source(%dma_start3A_87 : memref<10000x128xf32, #tpu.memory_space<hbm>>) target(%dma_start3A_81 : memref<128x128xf32, #tpu.memory_space<vmem>>) offsets(%dma_start3A_84 : memref<128xi32, #tpu.memory_space<vmem>>) semaphore(%arg11 : memref<!tpu.dma_semaphore, #tpu.memory_space<semaphore_mem>>)
      } else {
      }
    }
    %barrier3A_37 = arith.constant 0 : index
    tpu.barrier barrier_id(%barrier3A_37)
    %mul3A_38 = arith.constant 625 : i32
    %mul3A_39 = arith.muli %arg1, %mul3A_38 : i32
    "tpu.region"() ({
      %run_scoped3A = tpu.sem_alloc : memref<!tpu.dma_semaphore, #tpu.memory_space<semaphore_mem>>
      %dma_start3A_40 = arith.constant 0 : i32
      %dma_start3A_41 = arith.constant 0 : i32
      %dma_start3A_42 = tpu.memref_slice %arg6[%arg0, %arg1, %dma_start3A_40, %dma_start3A_41] : memref<2x16x625x128xf32, #tpu.memory_space<hbm>> -> memref<1x1x625x128xf32, #tpu.memory_space<hbm>>
      %dma_start3A_43 = tpu.memref_squeeze %dma_start3A_42 : memref<1x1x625x128xf32, #tpu.memory_space<hbm>> -> memref<625x128xf32, #tpu.memory_space<hbm>>
      %dma_start3A_44 = arith.constant 0 : i32
      %dma_start3A_45 = tpu.memref_slice %arg10[%mul3A_39, %dma_start3A_44] : memref<10008x128xf32, #tpu.memory_space<vmem_shared>> -> memref<625x128xf32, #tpu.memory_space<vmem_shared>>
      tpu.enqueue_dma source(%dma_start3A_45 : memref<625x128xf32, #tpu.memory_space<vmem_shared>>) target(%dma_start3A_43 : memref<625x128xf32, #tpu.memory_space<hbm>>) target_semaphore(%run_scoped3A : memref<!tpu.dma_semaphore, #tpu.memory_space<semaphore_mem>>)
      %dma_wait3A = arith.constant 0 : i32
      %dma_wait3A_46 = arith.constant 0 : i32
      %dma_wait3A_47 = tpu.memref_slice %arg6[%arg0, %arg1, %dma_wait3A, %dma_wait3A_46] : memref<2x16x625x128xf32, #tpu.memory_space<hbm>> -> memref<1x1x625x128xf32, #tpu.memory_space<hbm>>
      %dma_wait3A_48 = tpu.memref_squeeze %dma_wait3A_47 : memref<1x1x625x128xf32, #tpu.memory_space<hbm>> -> memref<625x128xf32, #tpu.memory_space<hbm>>
      %dma_wait3A_49 = arith.constant 0 : i32
      %dma_wait3A_50 = tpu.memref_slice %arg10[%mul3A_39, %dma_wait3A_49] : memref<10008x128xf32, #tpu.memory_space<vmem_shared>> -> memref<625x128xf32, #tpu.memory_space<vmem_shared>>
      tpu.wait_dma2 semaphore(%run_scoped3A : memref<!tpu.dma_semaphore, #tpu.memory_space<semaphore_mem>>) src(%dma_wait3A_50 : memref<625x128xf32, #tpu.memory_space<vmem_shared>>) dst(%dma_wait3A_48 : memref<625x128xf32, #tpu.memory_space<hbm>>)
      tpu.yield
    }) : () -> ()
    return
  }
}

#map = affine_map<(d0, d1) -> (0, 0)>
#map1 = affine_map<(d0, d1) -> (0, 0, 0)>
module attributes {stable_mosaic.version = 14 : i64} {
  func.func @_sc_pool(%arg0: i32, %arg1: i32, %arg2: memref<10000x128xf32, #tpu.memory_space<hbm>>, %arg3: memref<125x80xi32, #tpu.memory_space<hbm>>, %arg4: memref<625x128xf32, #tpu.memory_space<hbm>>, %arg5: memref<2x128x128xf32, #tpu.memory_space<hbm>>, %arg6: memref<125x80xi32, #tpu.memory_space<vmem>>, %arg7: memref<80x128xf32, #tpu.memory_space<vmem>>, %arg8: memref<128x128xf32, #tpu.memory_space<vmem_shared>>) attributes {dimension_semantics = [#tpu.dimension_semantics<core_parallel>, #tpu.dimension_semantics<subcore_parallel>], iteration_bounds = array<i64: 2, 16>, scalar_prefetch = 0 : i64, scratch_operands = 3 : i64, tpu.core_type = #tpu.core_type<sc_vector_subcore>, window_params = [{transform_indices = #map}, {transform_indices = #map}, {transform_indices = #map}, {transform_indices = #map1}]} {
    %mul3A = arith.constant 16 : i32
    %mul3A_0 = arith.muli %arg0, %mul3A : i32
    %add3A = arith.addi %mul3A_0, %arg1 : i32
    "tpu.region"() ({
      %run_scoped3A = tpu.sem_alloc : memref<!tpu.dma_semaphore, #tpu.memory_space<semaphore_mem>>
      tpu.enqueue_dma source(%arg3 : memref<125x80xi32, #tpu.memory_space<hbm>>) target(%arg6 : memref<125x80xi32, #tpu.memory_space<vmem>>) target_semaphore(%run_scoped3A : memref<!tpu.dma_semaphore, #tpu.memory_space<semaphore_mem>>)
      tpu.wait_dma2 semaphore(%run_scoped3A : memref<!tpu.dma_semaphore, #tpu.memory_space<semaphore_mem>>) src(%arg3 : memref<125x80xi32, #tpu.memory_space<hbm>>) dst(%arg6 : memref<125x80xi32, #tpu.memory_space<vmem>>)
      tpu.yield
    }) : () -> ()
    %eq3A = arith.constant 0 : i32
    %eq3A_1 = arith.cmpi eq, %arg1, %eq3A : i32
    %convert_element_type3A = arith.extui %eq3A_1 : i1 to i32
    %cond3A = arith.constant 0 : i32
    %cond3A_2 = arith.cmpi ne, %convert_element_type3A, %cond3A : i32
    scf.if %cond3A_2 {
      "tpu.region"() ({
        %run_scoped3A = tpu.sem_alloc : memref<!tpu.dma_semaphore, #tpu.memory_space<semaphore_mem>>
        %dma_start3A = arith.constant 0 : i32
        %dma_start3A_12 = arith.constant 0 : i32
        %dma_start3A_13 = tpu.memref_slice %arg4[%dma_start3A, %dma_start3A_12] : memref<625x128xf32, #tpu.memory_space<hbm>> -> memref<128x128xf32, #tpu.memory_space<hbm>>
        tpu.enqueue_dma source(%dma_start3A_13 : memref<128x128xf32, #tpu.memory_space<hbm>>) target(%arg8 : memref<128x128xf32, #tpu.memory_space<vmem_shared>>) target_semaphore(%run_scoped3A : memref<!tpu.dma_semaphore, #tpu.memory_space<semaphore_mem>>)
        %dma_wait3A = arith.constant 0 : i32
        %dma_wait3A_14 = arith.constant 0 : i32
        %dma_wait3A_15 = tpu.memref_slice %arg4[%dma_wait3A, %dma_wait3A_14] : memref<625x128xf32, #tpu.memory_space<hbm>> -> memref<128x128xf32, #tpu.memory_space<hbm>>
        tpu.wait_dma2 semaphore(%run_scoped3A : memref<!tpu.dma_semaphore, #tpu.memory_space<semaphore_mem>>) src(%dma_wait3A_15 : memref<128x128xf32, #tpu.memory_space<hbm>>) dst(%arg8 : memref<128x128xf32, #tpu.memory_space<vmem_shared>>)
        tpu.yield
      }) : () -> ()
    } else {
    }
    %barrier3A = arith.constant 0 : index
    tpu.barrier barrier_id(%barrier3A)
    %scan3A = arith.constant 0 : i32
    %scan3A_3 = arith.constant 4 : i32
    %scan3A_4 = arith.addi %scan3A, %scan3A_3 : i32
    %scan3A_5 = arith.constant 1 : i32
    scf.for %scan3A_12 = %scan3A to %scan3A_4 step %scan3A_5  : i32 {
      %mul3A_13 = arith.constant 32 : i32
      %mul3A_14 = arith.muli %scan3A_12, %mul3A_13 : i32
      %add3A_15 = arith.addi %add3A, %mul3A_14 : i32
      %lt3A = arith.constant 125 : i32
      %lt3A_16 = arith.cmpi slt, %add3A_15, %lt3A : i32
      %convert_element_type3A_17 = arith.extui %lt3A_16 : i1 to i32
      %cond3A_18 = arith.constant 0 : i32
      %cond3A_19 = arith.cmpi ne, %convert_element_type3A_17, %cond3A_18 : i32
      scf.if %cond3A_19 {
        %mul3A_20 = arith.constant 80 : i32
        %mul3A_21 = arith.muli %add3A_15, %mul3A_20 : i32
        "tpu.region"() ({
          %run_scoped3A = tpu.sem_alloc : memref<!tpu.dma_semaphore, #tpu.memory_space<semaphore_mem>>
          %dma_start3A = arith.constant 0 : i32
          %dma_start3A_22 = tpu.memref_slice %arg2[%mul3A_21, %dma_start3A] : memref<10000x128xf32, #tpu.memory_space<hbm>> -> memref<80x128xf32, #tpu.memory_space<hbm>>
          %dma_start3A_23 = arith.constant 0 : i32
          %dma_start3A_24 = tpu.memref_slice %arg2[%mul3A_21, %dma_start3A_23] : memref<10000x128xf32, #tpu.memory_space<hbm>> -> memref<80x128xf32, #tpu.memory_space<hbm>>
          tpu.enqueue_dma source(%dma_start3A_24 : memref<80x128xf32, #tpu.memory_space<hbm>>) target(%arg7 : memref<80x128xf32, #tpu.memory_space<vmem>>) target_semaphore(%run_scoped3A : memref<!tpu.dma_semaphore, #tpu.memory_space<semaphore_mem>>)
          %dma_wait3A = arith.constant 0 : i32
          %dma_wait3A_25 = tpu.memref_slice %arg2[%mul3A_21, %dma_wait3A] : memref<10000x128xf32, #tpu.memory_space<hbm>> -> memref<80x128xf32, #tpu.memory_space<hbm>>
          %dma_wait3A_26 = arith.constant 0 : i32
          %dma_wait3A_27 = tpu.memref_slice %arg2[%mul3A_21, %dma_wait3A_26] : memref<10000x128xf32, #tpu.memory_space<hbm>> -> memref<80x128xf32, #tpu.memory_space<hbm>>
          tpu.wait_dma2 semaphore(%run_scoped3A : memref<!tpu.dma_semaphore, #tpu.memory_space<semaphore_mem>>) src(%dma_wait3A_27 : memref<80x128xf32, #tpu.memory_space<hbm>>) dst(%arg7 : memref<80x128xf32, #tpu.memory_space<vmem>>)
          tpu.yield
        }) : () -> ()
        "tpu.region"() ({
          %run_scoped3A = tpu.sem_alloc : memref<!tpu.dma_semaphore, #tpu.memory_space<semaphore_mem>>
          %dma_start3A = arith.constant 0 : i32
          %dma_start3A_22 = tpu.memref_slice %arg6[%add3A_15, %dma_start3A] : memref<125x80xi32, #tpu.memory_space<vmem>> -> memref<1x80xi32, #tpu.memory_space<vmem>>
          %dma_start3A_23 = tpu.memref_squeeze %dma_start3A_22 : memref<1x80xi32, #tpu.memory_space<vmem>> -> memref<80xi32, #tpu.memory_space<vmem>>
          %dma_start3A_24 = arith.constant 0 : i32
          %dma_start3A_25 = arith.constant 0 : i32
          %dma_start3A_26 = tpu.memref_slice %arg8[%dma_start3A_24, %dma_start3A_25] : memref<128x128xf32, #tpu.memory_space<vmem_shared>> -> memref<128x128xf32, #tpu.memory_space<vmem_shared>>
          tpu.enqueue_indirect_dma source(%arg7 : memref<80x128xf32, #tpu.memory_space<vmem>>) target(%dma_start3A_26 : memref<128x128xf32, #tpu.memory_space<vmem_shared>>) offsets(%dma_start3A_23 : memref<80xi32, #tpu.memory_space<vmem>>) semaphore(%run_scoped3A : memref<!tpu.dma_semaphore, #tpu.memory_space<semaphore_mem>>) {add = true}
          %dma_wait3A = arith.constant 0 : i32
          %dma_wait3A_27 = tpu.memref_slice %arg6[%add3A_15, %dma_wait3A] : memref<125x80xi32, #tpu.memory_space<vmem>> -> memref<1x80xi32, #tpu.memory_space<vmem>>
          %dma_wait3A_28 = tpu.memref_squeeze %dma_wait3A_27 : memref<1x80xi32, #tpu.memory_space<vmem>> -> memref<80xi32, #tpu.memory_space<vmem>>
          %dma_wait3A_29 = arith.constant 0 : i32
          %dma_wait3A_30 = arith.constant 0 : i32
          %dma_wait3A_31 = tpu.memref_slice %arg8[%dma_wait3A_29, %dma_wait3A_30] : memref<128x128xf32, #tpu.memory_space<vmem_shared>> -> memref<128x128xf32, #tpu.memory_space<vmem_shared>>
          tpu.wait_indirect_dma semaphore(%run_scoped3A : memref<!tpu.dma_semaphore, #tpu.memory_space<semaphore_mem>>) src(%arg7 : memref<80x128xf32, #tpu.memory_space<vmem>>) dst(%dma_wait3A_31 : memref<128x128xf32, #tpu.memory_space<vmem_shared>>)
          tpu.yield
        }) : () -> ()
      } else {
      }
    }
    %scan3A_6 = arith.constant 4 : i32
    %barrier3A_7 = arith.constant 0 : index
    tpu.barrier barrier_id(%barrier3A_7)
    %mul3A_8 = arith.constant 8 : i32
    %mul3A_9 = arith.muli %arg1, %mul3A_8 : i32
    %mul3A_10 = arith.constant 8 : i32
    %mul3A_11 = arith.muli %arg1, %mul3A_10 : i32
    "tpu.region"() ({
      %run_scoped3A = tpu.sem_alloc : memref<!tpu.dma_semaphore, #tpu.memory_space<semaphore_mem>>
      %dma_start3A = arith.constant 0 : i32
      %dma_start3A_12 = tpu.memref_slice %arg5[%arg0, %mul3A_11, %dma_start3A] : memref<2x128x128xf32, #tpu.memory_space<hbm>> -> memref<1x8x128xf32, #tpu.memory_space<hbm>>
      %dma_start3A_13 = tpu.memref_squeeze %dma_start3A_12 : memref<1x8x128xf32, #tpu.memory_space<hbm>> -> memref<8x128xf32, #tpu.memory_space<hbm>>
      %dma_start3A_14 = arith.constant 0 : i32
      %dma_start3A_15 = tpu.memref_slice %arg8[%mul3A_9, %dma_start3A_14] : memref<128x128xf32, #tpu.memory_space<vmem_shared>> -> memref<8x128xf32, #tpu.memory_space<vmem_shared>>
      tpu.enqueue_dma source(%dma_start3A_15 : memref<8x128xf32, #tpu.memory_space<vmem_shared>>) target(%dma_start3A_13 : memref<8x128xf32, #tpu.memory_space<hbm>>) target_semaphore(%run_scoped3A : memref<!tpu.dma_semaphore, #tpu.memory_space<semaphore_mem>>)
      %dma_wait3A = arith.constant 0 : i32
      %dma_wait3A_16 = tpu.memref_slice %arg5[%arg0, %mul3A_11, %dma_wait3A] : memref<2x128x128xf32, #tpu.memory_space<hbm>> -> memref<1x8x128xf32, #tpu.memory_space<hbm>>
      %dma_wait3A_17 = tpu.memref_squeeze %dma_wait3A_16 : memref<1x8x128xf32, #tpu.memory_space<hbm>> -> memref<8x128xf32, #tpu.memory_space<hbm>>
      %dma_wait3A_18 = arith.constant 0 : i32
      %dma_wait3A_19 = tpu.memref_slice %arg8[%mul3A_9, %dma_wait3A_18] : memref<128x128xf32, #tpu.memory_space<vmem_shared>> -> memref<8x128xf32, #tpu.memory_space<vmem_shared>>
      tpu.wait_dma2 semaphore(%run_scoped3A : memref<!tpu.dma_semaphore, #tpu.memory_space<semaphore_mem>>) src(%dma_wait3A_19 : memref<8x128xf32, #tpu.memory_space<vmem_shared>>) dst(%dma_wait3A_17 : memref<8x128xf32, #tpu.memory_space<hbm>>)
      tpu.yield
    }) : () -> ()
    return
  }
}

module attributes {stable_mosaic.version = 14 : i64} {
  func.func @_tc_dinv_body(%arg0: i32, %arg1: memref<2000x128xf32, #tpu.memory_space<vmem>>, %arg2: memref<2000x128xf32, #tpu.memory_space<vmem>>, %arg3: memref<2000x1xf32, #tpu.memory_space<vmem>>) attributes {dimension_semantics = [#tpu.dimension_semantics<arbitrary>], iteration_bounds = array<i64: 5>, scalar_prefetch = 0 : i64, scratch_operands = 0 : i64, tpu.core_type = #tpu.core_type<tc>, window_params = [{transform_indices = @transform_0, window_bounds = array<i64: 2000, 128>}, {transform_indices = @transform_1, window_bounds = array<i64: 2000, 128>}, {transform_indices = @transform_2, window_bounds = array<i64: 2000, 1>}]} {
    %get3A = arith.constant 0 : index
    %get3A_0 = arith.constant 0 : index
    %get3A_1 = vector.load %arg1[%get3A, %get3A_0] : memref<2000x128xf32, #tpu.memory_space<vmem>>, vector<2000x1xf32>
    %get3A_2 = arith.constant 0 : index
    %get3A_3 = arith.constant 0 : index
    %get3A_4 = vector.load %arg2[%get3A_2, %get3A_3] : memref<2000x128xf32, #tpu.memory_space<vmem>>, vector<2000x1xf32>
    %add3A = arith.addf %get3A_1, %get3A_4 : vector<2000x1xf32>
    %add3A_5 = arith.constant 1.000000e+00 : f32
    %add3A_6 = vector.broadcast %add3A_5 : f32 to vector<2000x1xf32>
    %add3A_7 = arith.addf %add3A, %add3A_6 : vector<2000x1xf32>
    %max3A = arith.constant 1.000000e+00 : f32
    %max3A_8 = vector.broadcast %max3A : f32 to vector<2000x1xf32>
    %max3A_9 = arith.maximumf %add3A_7, %max3A_8 : vector<2000x1xf32>
    %rsqrt3A = math.rsqrt %max3A_9 : vector<2000x1xf32>
    %swap3A = arith.constant 0 : index
    %swap3A_10 = arith.constant 0 : index
    %swap3A_11 = vector.load %arg3[%swap3A, %swap3A_10] : memref<2000x1xf32, #tpu.memory_space<vmem>>, vector<2000x1xf32>
    tpu.vector_store %arg3[%swap3A, %swap3A_10], %rsqrt3A {strides = array<i32>} : memref<2000x1xf32, #tpu.memory_space<vmem>>, vector<2000x1xf32>,
    return
  }
  func.func @transform_0(%arg0: i32) -> (i32, i32) {
    %c0_i32 = arith.constant 0 : i32
    %c0_i32_0 = arith.constant 0 : i32
    return %arg0, %c0_i32 : i32, i32
  }
  func.func @transform_1(%arg0: i32) -> (i32, i32) {
    %c0_i32 = arith.constant 0 : i32
    %c0_i32_0 = arith.constant 0 : i32
    return %arg0, %c0_i32 : i32, i32
  }
  func.func @transform_2(%arg0: i32) -> (i32, i32) {
    %c0_i32 = arith.constant 0 : i32
    %c0_i32_0 = arith.constant 0 : i32
    return %arg0, %c0_i32 : i32, i32
  }
}

module attributes {stable_mosaic.version = 14 : i64} {
  func.func @_tc_prescale_body(%arg0: i32, %arg1: memref<2000x128xf32, #tpu.memory_space<vmem>>, %arg2: memref<128x128xf32, #tpu.memory_space<vmem>>, %arg3: memref<2000x1xf32, #tpu.memory_space<vmem>>, %arg4: memref<2000x128xf32, #tpu.memory_space<vmem>>) attributes {dimension_semantics = [#tpu.dimension_semantics<arbitrary>], iteration_bounds = array<i64: 5>, scalar_prefetch = 0 : i64, scratch_operands = 0 : i64, tpu.core_type = #tpu.core_type<tc>, window_params = [{transform_indices = @transform_0, window_bounds = array<i64: 2000, 128>}, {pipeline_mode = #tpu.pipeline_mode<synchronous>, transform_indices = @transform_1, window_bounds = array<i64: 128, 128>}, {transform_indices = @transform_2, window_bounds = array<i64: 2000, 1>}, {transform_indices = @transform_3, window_bounds = array<i64: 2000, 128>}]} {
    %get3A = arith.constant 0 : index
    %get3A_0 = arith.constant 0 : index
    %get3A_1 = vector.load %arg1[%get3A, %get3A_0] : memref<2000x128xf32, #tpu.memory_space<vmem>>, vector<2000x128xf32>
    %get3A_2 = arith.constant 0 : index
    %get3A_3 = arith.constant 0 : index
    %get3A_4 = vector.load %arg2[%get3A_2, %get3A_3] : memref<128x128xf32, #tpu.memory_space<vmem>>, vector<128x128xf32>
    %dot_general3A = arith.constant dense<0.000000e+00> : vector<2000x128xf32>
    %dot_general3A_5 = tpu.matmul %get3A_1, %get3A_4, %dot_general3A {dimension_numbers = #tpu.dot_dimension_numbers<[1], [0], [0], [1], [0, 0, 1, 1], [], []>, transpose_lhs_hint = false} : vector<2000x128xf32>, vector<128x128xf32>, vector<2000x128xf32> -> vector<2000x128xf32>
    %get3A_6 = arith.constant 0 : index
    %get3A_7 = arith.constant 0 : index
    %get3A_8 = vector.load %arg3[%get3A_6, %get3A_7] : memref<2000x1xf32, #tpu.memory_space<vmem>>, vector<2000x1xf32>
    %mul3A = vector.broadcast %get3A_8 : vector<2000x1xf32> to vector<2000x128xf32>
    %mul3A_9 = arith.mulf %dot_general3A_5, %mul3A : vector<2000x128xf32>
    %swap3A = arith.constant 0 : index
    %swap3A_10 = arith.constant 0 : index
    %swap3A_11 = vector.load %arg4[%swap3A, %swap3A_10] : memref<2000x128xf32, #tpu.memory_space<vmem>>, vector<2000x128xf32>
    tpu.vector_store %arg4[%swap3A, %swap3A_10], %mul3A_9 {strides = array<i32>} : memref<2000x128xf32, #tpu.memory_space<vmem>>, vector<2000x128xf32>,
    return
  }
  func.func @transform_0(%arg0: i32) -> (i32, i32) {
    %c0_i32 = arith.constant 0 : i32
    %c0_i32_0 = arith.constant 0 : i32
    return %arg0, %c0_i32 : i32, i32
  }
  func.func @transform_1(%arg0: i32) -> (i32, i32) {
    %c0_i32 = arith.constant 0 : i32
    %c0_i32_0 = arith.constant 0 : i32
    %c0_i32_1 = arith.constant 0 : i32
    return %c0_i32, %c0_i32_0 : i32, i32
  }
  func.func @transform_2(%arg0: i32) -> (i32, i32) {
    %c0_i32 = arith.constant 0 : i32
    %c0_i32_0 = arith.constant 0 : i32
    return %arg0, %c0_i32 : i32, i32
  }
  func.func @transform_3(%arg0: i32) -> (i32, i32) {
    %c0_i32 = arith.constant 0 : i32
    %c0_i32_0 = arith.constant 0 : i32
    return %arg0, %c0_i32 : i32, i32
  }
}

module attributes {stable_mosaic.version = 14 : i64} {
  func.func @_tc_post_body(%arg0: i32, %arg1: memref<2000x128xf32, #tpu.memory_space<vmem>>, %arg2: memref<2000x128xf32, #tpu.memory_space<vmem>>, %arg3: memref<2000x1xf32, #tpu.memory_space<vmem>>, %arg4: memref<1x128xf32, #tpu.memory_space<vmem>>, %arg5: memref<1x128xf32, #tpu.memory_space<vmem>>, %arg6: memref<1x128xf32, #tpu.memory_space<vmem>>, %arg7: memref<128x128xf32, #tpu.memory_space<vmem>>, %arg8: memref<2000x128xf32, #tpu.memory_space<vmem>>) attributes {dimension_semantics = [#tpu.dimension_semantics<arbitrary>], iteration_bounds = array<i64: 5>, scalar_prefetch = 0 : i64, scratch_operands = 0 : i64, tpu.core_type = #tpu.core_type<tc>, window_params = [{transform_indices = @transform_0, window_bounds = array<i64: 2000, 128>}, {transform_indices = @transform_1, window_bounds = array<i64: 2000, 128>}, {transform_indices = @transform_2, window_bounds = array<i64: 2000, 1>}, {pipeline_mode = #tpu.pipeline_mode<synchronous>, transform_indices = @transform_3, window_bounds = array<i64: 1, 128>}, {pipeline_mode = #tpu.pipeline_mode<synchronous>, transform_indices = @transform_4, window_bounds = array<i64: 1, 128>}, {pipeline_mode = #tpu.pipeline_mode<synchronous>, transform_indices = @transform_5, window_bounds = array<i64: 1, 128>}, {pipeline_mode = #tpu.pipeline_mode<synchronous>, transform_indices = @transform_6, window_bounds = array<i64: 128, 128>}, {transform_indices = @transform_7, window_bounds = array<i64: 2000, 128>}]} {
    %get3A = arith.constant 0 : index
    %get3A_0 = arith.constant 0 : index
    %get3A_1 = vector.load %arg3[%get3A, %get3A_0] : memref<2000x1xf32, #tpu.memory_space<vmem>>, vector<2000x1xf32>
    %get3A_2 = arith.constant 0 : index
    %get3A_3 = arith.constant 0 : index
    %get3A_4 = vector.load %arg1[%get3A_2, %get3A_3] : memref<2000x128xf32, #tpu.memory_space<vmem>>, vector<2000x128xf32>
    %get3A_5 = arith.constant 0 : index
    %get3A_6 = arith.constant 0 : index
    %get3A_7 = vector.load %arg2[%get3A_5, %get3A_6] : memref<2000x128xf32, #tpu.memory_space<vmem>>, vector<2000x128xf32>
    %add3A = arith.addf %get3A_4, %get3A_7 : vector<2000x128xf32>
    %mul3A = vector.broadcast %get3A_1 : vector<2000x1xf32> to vector<2000x128xf32>
    %mul3A_8 = arith.mulf %mul3A, %add3A : vector<2000x128xf32>
    %get3A_9 = arith.constant 0 : index
    %get3A_10 = arith.constant 0 : index
    %get3A_11 = vector.load %arg4[%get3A_9, %get3A_10] : memref<1x128xf32, #tpu.memory_space<vmem>>, vector<1x128xf32>
    %add3A_12 = vector.broadcast %get3A_11 : vector<1x128xf32> to vector<2000x128xf32>
    %add3A_13 = arith.addf %mul3A_8, %add3A_12 : vector<2000x128xf32>
    %get3A_14 = arith.constant 0 : index
    %get3A_15 = arith.constant 0 : index
    %get3A_16 = vector.load %arg5[%get3A_14, %get3A_15] : memref<1x128xf32, #tpu.memory_space<vmem>>, vector<1x128xf32>
    %rsqrt3A = arith.constant 1.000010e+00 : f32
    %rsqrt3A_17 = math.rsqrt %rsqrt3A : f32
    %mul3A_18 = vector.broadcast %rsqrt3A_17 : f32 to vector<1x128xf32>
    %mul3A_19 = arith.mulf %get3A_16, %mul3A_18 : vector<1x128xf32>
    %mul3A_20 = vector.broadcast %mul3A_19 : vector<1x128xf32> to vector<2000x128xf32>
    %mul3A_21 = arith.mulf %add3A_13, %mul3A_20 : vector<2000x128xf32>
    %get3A_22 = arith.constant 0 : index
    %get3A_23 = arith.constant 0 : index
    %get3A_24 = vector.load %arg6[%get3A_22, %get3A_23] : memref<1x128xf32, #tpu.memory_space<vmem>>, vector<1x128xf32>
    %add3A_25 = vector.broadcast %get3A_24 : vector<1x128xf32> to vector<2000x128xf32>
    %add3A_26 = arith.addf %mul3A_21, %add3A_25 : vector<2000x128xf32>
    %max3A = arith.constant 0.000000e+00 : f32
    %max3A_27 = vector.broadcast %max3A : f32 to vector<2000x128xf32>
    %max3A_28 = arith.maximumf %add3A_26, %max3A_27 : vector<2000x128xf32>
    %get3A_29 = arith.constant 0 : index
    %get3A_30 = arith.constant 0 : index
    %get3A_31 = vector.load %arg7[%get3A_29, %get3A_30] : memref<128x128xf32, #tpu.memory_space<vmem>>, vector<128x128xf32>
    %dot_general3A = arith.constant dense<0.000000e+00> : vector<2000x128xf32>
    %dot_general3A_32 = tpu.matmul %max3A_28, %get3A_31, %dot_general3A {dimension_numbers = #tpu.dot_dimension_numbers<[1], [0], [0], [1], [0, 0, 1, 1], [], []>, transpose_lhs_hint = false} : vector<2000x128xf32>, vector<128x128xf32>, vector<2000x128xf32> -> vector<2000x128xf32>
    %mul3A_33 = vector.broadcast %get3A_1 : vector<2000x1xf32> to vector<2000x128xf32>
    %mul3A_34 = arith.mulf %dot_general3A_32, %mul3A_33 : vector<2000x128xf32>
    %swap3A = arith.constant 0 : index
    %swap3A_35 = arith.constant 0 : index
    %swap3A_36 = vector.load %arg8[%swap3A, %swap3A_35] : memref<2000x128xf32, #tpu.memory_space<vmem>>, vector<2000x128xf32>
    tpu.vector_store %arg8[%swap3A, %swap3A_35], %mul3A_34 {strides = array<i32>} : memref<2000x128xf32, #tpu.memory_space<vmem>>, vector<2000x128xf32>,
    return
  }
  func.func @transform_0(%arg0: i32) -> (i32, i32) {
    %c0_i32 = arith.constant 0 : i32
    %c0_i32_0 = arith.constant 0 : i32
    return %arg0, %c0_i32 : i32, i32
  }
  func.func @transform_1(%arg0: i32) -> (i32, i32) {
    %c0_i32 = arith.constant 0 : i32
    %c0_i32_0 = arith.constant 0 : i32
    return %arg0, %c0_i32 : i32, i32
  }
  func.func @transform_2(%arg0: i32) -> (i32, i32) {
    %c0_i32 = arith.constant 0 : i32
    %c0_i32_0 = arith.constant 0 : i32
    return %arg0, %c0_i32 : i32, i32
  }
  func.func @transform_3(%arg0: i32) -> (i32, i32) {
    %c0_i32 = arith.constant 0 : i32
    %c0_i32_0 = arith.constant 0 : i32
    %c0_i32_1 = arith.constant 0 : i32
    return %c0_i32, %c0_i32_0 : i32, i32
  }
  func.func @transform_4(%arg0: i32) -> (i32, i32) {
    %c0_i32 = arith.constant 0 : i32
    %c0_i32_0 = arith.constant 0 : i32
    %c0_i32_1 = arith.constant 0 : i32
    return %c0_i32, %c0_i32_0 : i32, i32
  }
  func.func @transform_5(%arg0: i32) -> (i32, i32) {
    %c0_i32 = arith.constant 0 : i32
    %c0_i32_0 = arith.constant 0 : i32
    %c0_i32_1 = arith.constant 0 : i32
    return %c0_i32, %c0_i32_0 : i32, i32
  }
  func.func @transform_6(%arg0: i32) -> (i32, i32) {
    %c0_i32 = arith.constant 0 : i32
    %c0_i32_0 = arith.constant 0 : i32
    %c0_i32_1 = arith.constant 0 : i32
    return %c0_i32, %c0_i32_0 : i32, i32
  }
  func.func @transform_7(%arg0: i32) -> (i32, i32) {
    %c0_i32 = arith.constant 0 : i32
    %c0_i32_0 = arith.constant 0 : i32
    return %arg0, %c0_i32 : i32, i32
  }
}

module attributes {stable_mosaic.version = 14 : i64} {
  func.func @_tc_post_body(%arg0: i32, %arg1: memref<2000x128xf32, #tpu.memory_space<vmem>>, %arg2: memref<2000x128xf32, #tpu.memory_space<vmem>>, %arg3: memref<2000x1xf32, #tpu.memory_space<vmem>>, %arg4: memref<1x128xf32, #tpu.memory_space<vmem>>, %arg5: memref<1x128xf32, #tpu.memory_space<vmem>>, %arg6: memref<1x128xf32, #tpu.memory_space<vmem>>, %arg7: memref<128x128xf32, #tpu.memory_space<vmem>>, %arg8: memref<2000x128xf32, #tpu.memory_space<vmem>>) attributes {dimension_semantics = [#tpu.dimension_semantics<arbitrary>], iteration_bounds = array<i64: 5>, scalar_prefetch = 0 : i64, scratch_operands = 0 : i64, tpu.core_type = #tpu.core_type<tc>, window_params = [{transform_indices = @transform_0, window_bounds = array<i64: 2000, 128>}, {transform_indices = @transform_1, window_bounds = array<i64: 2000, 128>}, {transform_indices = @transform_2, window_bounds = array<i64: 2000, 1>}, {pipeline_mode = #tpu.pipeline_mode<synchronous>, transform_indices = @transform_3, window_bounds = array<i64: 1, 128>}, {pipeline_mode = #tpu.pipeline_mode<synchronous>, transform_indices = @transform_4, window_bounds = array<i64: 1, 128>}, {pipeline_mode = #tpu.pipeline_mode<synchronous>, transform_indices = @transform_5, window_bounds = array<i64: 1, 128>}, {pipeline_mode = #tpu.pipeline_mode<synchronous>, transform_indices = @transform_6, window_bounds = array<i64: 128, 128>}, {transform_indices = @transform_7, window_bounds = array<i64: 2000, 128>}]} {
    %get3A = arith.constant 0 : index
    %get3A_0 = arith.constant 0 : index
    %get3A_1 = vector.load %arg3[%get3A, %get3A_0] : memref<2000x1xf32, #tpu.memory_space<vmem>>, vector<2000x1xf32>
    %get3A_2 = arith.constant 0 : index
    %get3A_3 = arith.constant 0 : index
    %get3A_4 = vector.load %arg1[%get3A_2, %get3A_3] : memref<2000x128xf32, #tpu.memory_space<vmem>>, vector<2000x128xf32>
    %get3A_5 = arith.constant 0 : index
    %get3A_6 = arith.constant 0 : index
    %get3A_7 = vector.load %arg2[%get3A_5, %get3A_6] : memref<2000x128xf32, #tpu.memory_space<vmem>>, vector<2000x128xf32>
    %add3A = arith.addf %get3A_4, %get3A_7 : vector<2000x128xf32>
    %mul3A = vector.broadcast %get3A_1 : vector<2000x1xf32> to vector<2000x128xf32>
    %mul3A_8 = arith.mulf %mul3A, %add3A : vector<2000x128xf32>
    %get3A_9 = arith.constant 0 : index
    %get3A_10 = arith.constant 0 : index
    %get3A_11 = vector.load %arg4[%get3A_9, %get3A_10] : memref<1x128xf32, #tpu.memory_space<vmem>>, vector<1x128xf32>
    %add3A_12 = vector.broadcast %get3A_11 : vector<1x128xf32> to vector<2000x128xf32>
    %add3A_13 = arith.addf %mul3A_8, %add3A_12 : vector<2000x128xf32>
    %get3A_14 = arith.constant 0 : index
    %get3A_15 = arith.constant 0 : index
    %get3A_16 = vector.load %arg5[%get3A_14, %get3A_15] : memref<1x128xf32, #tpu.memory_space<vmem>>, vector<1x128xf32>
    %rsqrt3A = arith.constant 1.000010e+00 : f32
    %rsqrt3A_17 = math.rsqrt %rsqrt3A : f32
    %mul3A_18 = vector.broadcast %rsqrt3A_17 : f32 to vector<1x128xf32>
    %mul3A_19 = arith.mulf %get3A_16, %mul3A_18 : vector<1x128xf32>
    %mul3A_20 = vector.broadcast %mul3A_19 : vector<1x128xf32> to vector<2000x128xf32>
    %mul3A_21 = arith.mulf %add3A_13, %mul3A_20 : vector<2000x128xf32>
    %get3A_22 = arith.constant 0 : index
    %get3A_23 = arith.constant 0 : index
    %get3A_24 = vector.load %arg6[%get3A_22, %get3A_23] : memref<1x128xf32, #tpu.memory_space<vmem>>, vector<1x128xf32>
    %add3A_25 = vector.broadcast %get3A_24 : vector<1x128xf32> to vector<2000x128xf32>
    %add3A_26 = arith.addf %mul3A_21, %add3A_25 : vector<2000x128xf32>
    %max3A = arith.constant 0.000000e+00 : f32
    %max3A_27 = vector.broadcast %max3A : f32 to vector<2000x128xf32>
    %max3A_28 = arith.maximumf %add3A_26, %max3A_27 : vector<2000x128xf32>
    %swap3A = arith.constant 0 : index
    %swap3A_29 = arith.constant 0 : index
    %swap3A_30 = vector.load %arg8[%swap3A, %swap3A_29] : memref<2000x128xf32, #tpu.memory_space<vmem>>, vector<2000x128xf32>
    tpu.vector_store %arg8[%swap3A, %swap3A_29], %max3A_28 {strides = array<i32>} : memref<2000x128xf32, #tpu.memory_space<vmem>>, vector<2000x128xf32>,
    return
  }
  func.func @transform_0(%arg0: i32) -> (i32, i32) {
    %c0_i32 = arith.constant 0 : i32
    %c0_i32_0 = arith.constant 0 : i32
    return %arg0, %c0_i32 : i32, i32
  }
  func.func @transform_1(%arg0: i32) -> (i32, i32) {
    %c0_i32 = arith.constant 0 : i32
    %c0_i32_0 = arith.constant 0 : i32
    return %arg0, %c0_i32 : i32, i32
  }
  func.func @transform_2(%arg0: i32) -> (i32, i32) {
    %c0_i32 = arith.constant 0 : i32
    %c0_i32_0 = arith.constant 0 : i32
    return %arg0, %c0_i32 : i32, i32
  }
  func.func @transform_3(%arg0: i32) -> (i32, i32) {
    %c0_i32 = arith.constant 0 : i32
    %c0_i32_0 = arith.constant 0 : i32
    %c0_i32_1 = arith.constant 0 : i32
    return %c0_i32, %c0_i32_0 : i32, i32
  }
  func.func @transform_4(%arg0: i32) -> (i32, i32) {
    %c0_i32 = arith.constant 0 : i32
    %c0_i32_0 = arith.constant 0 : i32
    %c0_i32_1 = arith.constant 0 : i32
    return %c0_i32, %c0_i32_0 : i32, i32
  }
  func.func @transform_5(%arg0: i32) -> (i32, i32) {
    %c0_i32 = arith.constant 0 : i32
    %c0_i32_0 = arith.constant 0 : i32
    %c0_i32_1 = arith.constant 0 : i32
    return %c0_i32, %c0_i32_0 : i32, i32
  }
  func.func @transform_6(%arg0: i32) -> (i32, i32) {
    %c0_i32 = arith.constant 0 : i32
    %c0_i32_0 = arith.constant 0 : i32
    %c0_i32_1 = arith.constant 0 : i32
    return %c0_i32, %c0_i32_0 : i32, i32
  }
  func.func @transform_7(%arg0: i32) -> (i32, i32) {
    %c0_i32 = arith.constant 0 : i32
    %c0_i32_0 = arith.constant 0 : i32
    return %arg0, %c0_i32 : i32, i32
  }
}

module attributes {stable_mosaic.version = 14 : i64} {
  func.func @_tc_head_body(%arg0: memref<128x128xf32, #tpu.memory_space<vmem>>, %arg1: memref<128x128xf32, #tpu.memory_space<vmem>>, %arg2: memref<128x128xf32, #tpu.memory_space<vmem>>, %arg3: memref<128x128xf32, #tpu.memory_space<vmem>>, %arg4: memref<128x128xf32, #tpu.memory_space<vmem>>, %arg5: memref<1x128xf32, #tpu.memory_space<vmem>>, %arg6: memref<128x64xf32, #tpu.memory_space<vmem>>, %arg7: memref<1x64xf32, #tpu.memory_space<vmem>>, %arg8: memref<128x64xf32, #tpu.memory_space<vmem>>) attributes {dimension_semantics = [], scalar_prefetch = 0 : i64, scratch_operands = 0 : i64, tpu.core_type = #tpu.core_type<tc>} {
    %get3A = arith.constant 0 : index
    %get3A_0 = arith.constant 0 : index
    %get3A_1 = vector.load %arg2[%get3A, %get3A_0] : memref<128x128xf32, #tpu.memory_space<vmem>>, vector<128x1xf32>
    %get3A_2 = arith.constant 0 : index
    %get3A_3 = arith.constant 0 : index
    %get3A_4 = vector.load %arg3[%get3A_2, %get3A_3] : memref<128x128xf32, #tpu.memory_space<vmem>>, vector<128x1xf32>
    %add3A = arith.addf %get3A_1, %get3A_4 : vector<128x1xf32>
    %get3A_5 = arith.constant 0 : index
    %get3A_6 = arith.constant 0 : index
    %get3A_7 = vector.load %arg0[%get3A_5, %get3A_6] : memref<128x128xf32, #tpu.memory_space<vmem>>, vector<128x128xf32>
    %get3A_8 = arith.constant 0 : index
    %get3A_9 = arith.constant 0 : index
    %get3A_10 = vector.load %arg1[%get3A_8, %get3A_9] : memref<128x128xf32, #tpu.memory_space<vmem>>, vector<128x128xf32>
    %add3A_11 = arith.addf %get3A_7, %get3A_10 : vector<128x128xf32>
    %max3A = arith.constant 1.000000e+00 : f32
    %max3A_12 = vector.broadcast %max3A : f32 to vector<128x1xf32>
    %max3A_13 = arith.maximumf %add3A, %max3A_12 : vector<128x1xf32>
    %div3A = vector.broadcast %max3A_13 : vector<128x1xf32> to vector<128x128xf32>
    %div3A_14 = arith.divf %add3A_11, %div3A : vector<128x128xf32>
    %get3A_15 = arith.constant 0 : index
    %get3A_16 = arith.constant 0 : index
    %get3A_17 = vector.load %arg4[%get3A_15, %get3A_16] : memref<128x128xf32, #tpu.memory_space<vmem>>, vector<128x128xf32>
    %dot_general3A = arith.constant dense<0.000000e+00> : vector<128x128xf32>
    %dot_general3A_18 = tpu.matmul %div3A_14, %get3A_17, %dot_general3A {dimension_numbers = #tpu.dot_dimension_numbers<[1], [0], [0], [1], [0, 0, 1, 1], [], []>, transpose_lhs_hint = false} : vector<128x128xf32>, vector<128x128xf32>, vector<128x128xf32> -> vector<128x128xf32>
    %get3A_19 = arith.constant 0 : index
    %get3A_20 = arith.constant 0 : index
    %get3A_21 = vector.load %arg5[%get3A_19, %get3A_20] : memref<1x128xf32, #tpu.memory_space<vmem>>, vector<1x128xf32>
    %add3A_22 = vector.broadcast %get3A_21 : vector<1x128xf32> to vector<128x128xf32>
    %add3A_23 = arith.addf %dot_general3A_18, %add3A_22 : vector<128x128xf32>
    %max3A_24 = arith.constant 0.000000e+00 : f32
    %max3A_25 = vector.broadcast %max3A_24 : f32 to vector<128x128xf32>
    %max3A_26 = arith.maximumf %add3A_23, %max3A_25 : vector<128x128xf32>
    %get3A_27 = arith.constant 0 : index
    %get3A_28 = arith.constant 0 : index
    %get3A_29 = vector.load %arg6[%get3A_27, %get3A_28] : memref<128x64xf32, #tpu.memory_space<vmem>>, vector<128x64xf32>
    %dot_general3A_30 = arith.constant dense<0.000000e+00> : vector<128x64xf32>
    %dot_general3A_31 = tpu.matmul %max3A_26, %get3A_29, %dot_general3A_30 {dimension_numbers = #tpu.dot_dimension_numbers<[1], [0], [0], [1], [0, 0, 1, 1], [], []>, transpose_lhs_hint = false} : vector<128x128xf32>, vector<128x64xf32>, vector<128x64xf32> -> vector<128x64xf32>
    %get3A_32 = arith.constant 0 : index
    %get3A_33 = arith.constant 0 : index
    %get3A_34 = vector.load %arg7[%get3A_32, %get3A_33] : memref<1x64xf32, #tpu.memory_space<vmem>>, vector<1x64xf32>
    %add3A_35 = vector.broadcast %get3A_34 : vector<1x64xf32> to vector<128x64xf32>
    %add3A_36 = arith.addf %dot_general3A_31, %add3A_35 : vector<128x64xf32>
    %swap3A = arith.constant 0 : index
    %swap3A_37 = arith.constant 0 : index
    %swap3A_38 = vector.load %arg8[%swap3A, %swap3A_37] : memref<128x64xf32, #tpu.memory_space<vmem>>, vector<128x64xf32>
    tpu.vector_store %arg8[%swap3A, %swap3A_37], %add3A_36 {strides = array<i32>} : memref<128x64xf32, #tpu.memory_space<vmem>>, vector<128x64xf32>,
    return
  }
}

</mosaic_0001>

<sc_bundles>
// kernel: kernel.13.cloned.1.call-start
scs
__scs_entry_jumppad:
0x0: {  	(pc) =	sbr.rel $0x88, $3  }
0x1: {  	(tag) =	ssettag $0x0;
	lr =	simm.s32 $0x1  }
0x2: {  	[smem:$0x3F8E] =	sst lr;
	_ =	strace $0xD0000000  }
0x3: {  	_ = 	snop  }
0x4: {  	_ = 	snop  }
0x5: {  	_ = 	snop  }
0x6: {  	_ = 	snop  }
0x7: {  	_ = 	snop  }
__scs_overlays_trampoline_lowered:
0x8: {  	[smem:$0x3F9D] =	sst s0  }
0x9: {  	[smem:$0x3F9E] =	sst s1  }
0xa: {  	[smem:$0x3F9F] =	sst s2  }
0xb: {  	[smem:$0x3FA0] =	sst s3  }
0xc: {  	[smem:$0x3FA1] =	sst s4  }
0xd: {  	[smem:$0x3FA2] =	sst s5  }
0xe: {  	[smem:$0x3FA3] =	sst s6  }
0xf: {  	[smem:$0x3FA4] =	sst s7  }
0x10: {  	[smem:$0x3FA5] =	sst s8  }
0x11: {  	[smem:$0x3FA6] =	sst s9;
	s0 =	simm.s32 @!p0 $0x0  }
0x12: {  	s1 =	sld [smem:$0x3F8C];
	s0 =	simm.s32 @p0 $0x1  }
0x13: {  	[smem:$0x3FA7] =	sst s0;
	s0 =	simm.s32 @!p1 $0x0  }
0x14: {  	s2 =	sld [smem:$0x3F8B];
	s0 =	simm.s32 @p1 $0x1  }
0x15: {  	[smem:$0x3FA8] =	sst s0;
	s0 =	simm.s32 @!p2 $0x0  }
0x16: {  	s3 =	sld [smem:$0x3FDB];
	s0 =	simm.s32 @p2 $0x1  }
0x17: {  	s4 =	simm.s32 $0x1BF5;
	[smem:$0x3FAA] =	sst s0  }
0x18: {  	s0 =	sld [smem:$0x3F8D];
	_ =	swait.ge [sflag:s4], $0x0  }
0x19: {  	s7 =	sld [smem:$0x3F8E]  }
0x1a: {  	s8 =	sadd.s32 $0xFFFFE003, lr  }
0x1b: {  	s9 =	sadd.s32 $0xFFFFFEF7, lr;
	s5 =	simm.s32 $0xFFFFFFFF;
	p2 =	slt.u32 s8, $0xFFFFF086  }
0x1c: {  	p1 =	slt.u32 s9, $0xF7A;
	s5 =	simm.s32 @!p2 $0x0  }
0x1d: {  	s5 =	simm.s32 @p1 $0x1;
	p0 =	seq.s32 s7, s2  }
0x1e: {  	s7 =	smul.u32 @!p0 $0xF7A, s2;
	p2 =	seq.s32 @!p0 s5, $0x0  }
0x1f: {  	s9 =	smul.u32 $0xF7A, s1;
	s8 =	simm.s32 @!p0 $0x1BF5;
	p2 =	por !p2, p0  }
0x20: {  	[sflag:s8] =	ssyncset.s32 @!p0 $0xFFFFF086;
	s6 =	sadd.s32 @!p0 s3, s7;
	s7 =	simm.s32 @!p0 $0x108  }
0x21: {  	s3 =	sadd.s32 s3, s9;
	s6 =	sadd.s32 @!p0 $0x88, s6;
	s7 =	simm.s32 @p2 $0x1082  }
0x22: {  	[simem:s7], [sflag:s8] =	dma.local @!p0 [hbm:s6], $0xF7A  }
0x23: {  	s9 =	sor.u32 $0xD0000000, s2;
	s6 =	simm.s32 $0x108;
	_ =	swait.ge @!p0 [sflag:s8], $0x0  }
0x24: {  	s3 =	sadd.s32 $0x88, s3;
	s6 =	simm.s32 @!p1 $0x1082;
	[sflag:s4] =	ssyncset.s32 $0xFFFFF086  }
0x25: {  	[simem:s6], [sflag:s4] =	dma.local [hbm:s3], $0xF7A  }
0x26: {  	[smem:$0x3F8E] =	sst s1;
	(tag) =	ssettag s2;
	_ =	strace s9  }
0x27: {  	s1 =	sld [smem:$0x3F9E]  }
0x28: {  	s2 =	sld [smem:$0x3F9F]  }
0x29: {  	s4 =	sld [smem:$0x3FA1]  }
0x2a: {  	p0 =	seq.s32 s5, $0x0;
	s5 =	sld [smem:$0x3FA2]  }
0x2b: {  	s6 =	sld [smem:$0x3FA3]  }
0x2c: {  	s7 =	sld [smem:$0x3FA4]  }
0x2d: {  	s3 =	simm.s32 $0x108;
	s8 =	sld [smem:$0x3FA5]  }
0x2e: {  	s3 =	simm.s32 @!p0 $0x1082;
	s9 =	sld [smem:$0x3FA6]  }
0x2f: {  	lr =	sadd.s32 s0, s3;
	s0 =	sld [smem:$0x3F9D]  }
0x30: {  	s3 =	sld [smem:$0x3FA0]  }
0x31: {  	[smem:$0x3FA9] =	sst s10  }
0x32: {  	s10 =	sld [smem:$0x3FA7];
	_ =	sdelay $0x3  }
0x33: {  	p0 =	seq.s32 s10, $0x1;
	s10 =	sld [smem:$0x3FA9];
	_ =	sdelay $0x3  }
0x34: {  	[smem:$0x3FA9] =	sst s10  }
0x35: {  	s10 =	sld [smem:$0x3FA8];
	_ =	sdelay $0x3  }
0x36: {  	p1 =	seq.s32 s10, $0x1;
	s10 =	sld [smem:$0x3FA9];
	_ =	sdelay $0x3  }
0x37: {  	[smem:$0x3FA9] =	sst s10  }
0x38: {  	s10 =	sld [smem:$0x3FAA]  }
0x39: {  	_ = 	snop;
	(pc) =	sbr.ind lr, $3  }
0x3a: {  	_ = 	snop  }
0x3b: {  	_ = 	snop  }
0x3c: {  	p2 =	seq.s32 s10, $0x1;
	s10 =	sld [smem:$0x3FA9]  }
0x3d: {  	_ =	shalt  }
0x3e: {  	_ =	shalt  }
0x3f: {  	_ =	shalt  }
0x40: {  	_ =	shalt  }
0x41: {  	_ =	shalt  }
0x42: {  	_ =	shalt  }
0x43: {  	_ =	shalt  }
0x44: {  	_ =	shalt  }
0x45: {  	_ =	shalt  }
0x46: {  	_ =	shalt  }
0x47: {  	_ =	shalt  }
0x48: {  	_ =	shalt  }
0x49: {  	_ =	shalt  }
0x4a: {  	_ =	shalt  }
0x4b: {  	_ =	shalt  }
0x4c: {  	_ =	shalt  }
0x4d: {  	_ =	shalt  }
0x4e: {  	_ =	shalt  }
0x4f: {  	_ =	shalt  }
0x50: {  	_ =	shalt  }
0x51: {  	_ =	shalt  }
0x52: {  	_ =	shalt  }
0x53: {  	_ =	shalt  }
0x54: {  	_ =	shalt  }
0x55: {  	_ =	shalt  }
0x56: {  	_ =	shalt  }
0x57: {  	_ =	shalt  }
0x58: {  	_ =	shalt  }
0x59: {  	_ =	shalt  }
0x5a: {  	_ =	shalt  }
0x5b: {  	_ =	shalt  }
0x5c: {  	_ =	shalt  }
0x5d: {  	_ =	shalt  }
0x5e: {  	_ =	shalt  }
0x5f: {  	_ =	shalt  }
0x60: {  	_ =	shalt  }
0x61: {  	_ =	shalt  }
0x62: {  	_ =	shalt  }
0x63: {  	_ =	shalt  }
0x64: {  	_ =	shalt  }
0x65: {  	_ =	shalt  }
0x66: {  	_ =	shalt  }
0x67: {  	_ =	shalt  }
0x68: {  	_ =	shalt  }
0x69: {  	_ =	shalt  }
0x6a: {  	_ =	shalt  }
0x6b: {  	_ =	shalt  }
0x6c: {  	_ =	shalt  }
0x6d: {  	_ =	shalt  }
0x6e: {  	_ =	shalt  }
0x6f: {  	_ =	shalt  }
0x70: {  	_ =	shalt  }
0x71: {  	_ =	shalt  }
0x72: {  	_ =	shalt  }
0x73: {  	_ =	shalt  }
0x74: {  	_ =	shalt  }
0x75: {  	_ =	shalt  }
0x76: {  	_ =	shalt  }
0x77: {  	_ =	shalt  }
0x78: {  	_ =	shalt  }
0x79: {  	_ =	shalt  }
0x7a: {  	_ =	shalt  }
0x7b: {  	_ =	shalt  }
0x7c: {  	_ =	shalt  }
0x7d: {  	_ =	shalt  }
0x7e: {  	_ =	shalt  }
0x7f: {  	_ =	shalt  }
0x80: {  	_ =	shalt  }
0x81: {  	_ =	shalt  }
0x82: {  	_ =	shalt  }
0x83: {  	_ =	shalt  }
0x84: {  	_ =	shalt  }
0x85: {  	_ =	shalt  }
0x86: {  	_ =	shalt  }
0x87: {  	_ =	shalt  }
.Lfunc_end0:
.L_simem_size_0:
called_computation_lowered:
.L_overlay_start_0:
0x88: {  	s2 =	sld [smem:$0x3FD9]  }
0x89: {  	s3 =	sld [smem:$0x3FFE];
	_ =	sdelay $0x1  }
0x8a: {  	s1 =	srdreg.scid  }
0x8b: {  	s0 =	sand.u32 $0x1, s1  }
0x8c: {  	s16 =	sshll.u32 s0, $0xA;
	s2 =	sadd.s32 s3, s2  }
0x8d: {  	s2 =	sadd.s32 s2, s16  }
0x8e: {  	[smem:$0x3FB5] =	sst s2  }
0x8f: {  	_ = 	snop  }
0x90: {  	(tm) =	ssettm $0x1  }
0x91: {  	s17 =	sld [smem:$0x3FFB];
	_ =	sdelay $0x3  }
0x92: {  	_ =	strace s17  }
0x93: {  	s2 =	sld [smem:$0x3FFC];
	_ =	sdelay $0x3  }
0x94: {  	_ =	strace s2  }
0x95: {  	s2 =	sld [smem:$0x3FFD];
	_ =	sdelay $0x3  }
0x96: {  	_ =	strace s2  }
0x97: {  	_ =	strace $0x8FFFFFFF  }
0x98: {  	s18 =	sld [smem:$0x3FDB];
	_ =	sdelay $0x1  }
0x99: {  	s19 =	simm.s32 $_scs_section_size  }
0x9a: {  	s4 =	simm.s32 $_size__tile_overlayer_lowered;
	s5 =	simm.s32 $_tile_overlayer_lowered  }
0x9b: {  	s22 =	simm.s32 $0x1BFF;
	s21 =	sshll.u32 s5, $0x1;
	s2 =	sadd.s32 s19, s18  }
0x9c: {  	s6 =	simm.s32 $0x0;
	s20 =	sshll.u32 s4, $0x1;
	s4 =	sadd.s32 s21, s2  }
0x9d: {  	[timem:s6], [sflag:s22] =	dma.local [hbm:s4], s20  }
0x9e: {  	_ =	swait.ge [sflag:s22], s20  }
0x9f: {  	s3 =	ssub.s32 $0x0, s20;
	[sflag:s22] =	ssyncset.done $0x0  }
0xa0: {  	[sflag:s22] =	ssyncadd.s32 s3;
	_ =	sdelay $0x1  }
0xa1: {  	s23 =	simm.s32 $0x1B8B  }
0xa2: {  	_ =	swait.ge [sflag:s23], $0x1  }
0xa3: {  	[sflag:s23] =	ssyncset.done $0x0  }
0xa4: {  	s25 =	simm.s32 $0x1B8E;
	s24 =	sld [smem:$0x3FFE];
	[sflag:s23] =	ssyncadd.s32 $0xFFFFFFFF  }
0xa5: {  	s26 =	simm.s32 $execute0_lowered;
	[smem:$0x3FD2] =	sst s25  }
0xa6: {  	s4 =	sshll.u32 s26, $0x1;
	_ =	strace $0x80000046;
	[dreg:$0x1] =	wrdreg $0xFFFFFFFF  }
0xa7: {  	s28 =	simm.s32 $_size_execute0_lowered;
	s2 =	sadd.s32 s2, s4;
	[dreg:$0x0] =	wrdreg $0x0  }
0xa8: {  	s4 =	sshll.u32 s28, $0x1;
	[dreg:$0x2] =	wrdreg s2  }
0xa9: {  	[dreg:$0x3] =	wrdreg s4  }
0xaa: {  	[dreg:$0x4] =	wrdreg $0xC0  }
0xab: {  	_ =	task [dreg:s6], $0x5FFFF  }
0xac: {  	[dreg:$0x1] =	wrdreg $0xFFFFFFFF  }
0xad: {  	[dreg:$0x0] =	wrdreg $0x60  }
0xae: {  	[dreg:$0x2] =	wrdreg s24  }
0xaf: {  	[dreg:$0x3] =	wrdreg $0xA8000  }
0xb0: {  	[dreg:$0x4] =	wrdreg $0x9  }
0xb1: {  	_ =	task.clear_ibuf [dreg:s6], $0x5FFFF;
	_ =	strace $0x90000046  }
0xb2: {  	s29 =	simm.s32 $0x9;
	_ =	strace $0x80000048  }
0xb3: {  	_ =	swait.ge [sflag:s29], $0x1  }
0xb4: {  	[sflag:s29] =	ssyncadd.s32 $0xFFFFFFFF  }
0xb5: {  	_ =	strace $0x90000048  }
0xb6: {  	_ =	sfence  }
0xb7: {  	s30 =	sld [smem:$0x0];
	_ =	sdelay $0x2  }
0xb8: {  	s31 =	sshll.u32 s1, $0xD;
	s1 =	sshrl.u32 s1, $0x2  }
0xb9: {  	s3 =	sand.u32 $0x4000, s31;
	s1 =	sadd.s32 s1, s30  }
0xba: {  	s0 =	sor.u32 s3, s0;
	s1 =	sshll.u32 s1, $0x11  }
0xbb: {  	s0 =	sor.u32 s1, s0  }
0xbc: {  	s0 =	sadd.s32 $0x8F2B, s0  }
0xbd: {  	[sflag:s0] =	ssyncadd.remote.s32 $0x1  }
0xbe: {  	_ =	sfence.sel $0xFFFF  }
0xbf: {  	[dreg:$0x0] =	wrdreg $0xFFFFFFFF;
	(pc) =	sbr.abs _section_cstart, $3  }
0xc0: {  	[dreg:$0x1] =	wrdreg $0xFFFFFFFF  }
0xc1: {  	_ =	task.clear_ibuf [dreg:s6], $0x2FFFF;
	_ =	strace $0x9FFFFFFF  }
0xc2: {  	(tm) =	ssettm $0x7FFFFFFF  }
0xc3: {  	_ =	shalt  }
tec
execute0_lowered:
.L_overlay_start_1:
0x0: {  	(tag) =	ssettag $0x1  }
0x1: {  	s0 =	srdreg.scid  }
0x2: {  	s15 =	stileid.u32;
	s6 =	rddreg [dreg:$0x0];
	s2 =	simm.s32 $0x0  }
0x3: {  	s14 =	simm.s32 $0x2;
	s16 =	simm.s32 $0x6800;
	s20 =	simm.s32 $0x80  }
0x4: {  	s23 =	simm.s32 $0x200;
	s28 =	simm.s32 $0x380;
	s29 =	simm.s32 $0x1  }
0x5: {  	s30 =	simm.s32 $0x50;
	s31 =	simm.s32 $0x0;
	s5 =	smul.u32 $0x13C00, s15  }
0x6: {  	s0 =	sand.u32 $0x1, s0;
	[smem:$0x7FF] =	sst s2;
	s10 =	smul.u32 $0x4E200, s15  }
0x7: {  	p0 =	sne.s32 s15, $0x0;
	s1 =	sshll.u32 s0, $0x4;
	s4 =	smul.u32 $0x13C000, s0  }
0x8: {  	s9 =	sshll.u32 s0, $0xB;
	s0 =	ssub.s32 $0x2, s0;
	s11 =	sor.u32 s15, s1  }
0x9: {  	s1 =	rddreg [dreg:$0x1];
	_ =	strace $0x80000047;
	s9 =	sadd.s32 s9, s6  }
0xa: {  	s24 =	sshrl.u32 s0, $0x1;
	s25 =	sshrl.u32 s10, $0x2;
	s15 =	sshll.u32 s15, $0x6  }
0xb: {  	s3 =	smul.u32 $0x500, s11;
	s8 =	sadd.s32 s5, s4;
	s4 =	sadd.s32 $0x12A00, s6  }
0xc: {  	s5 =	sadd.s32 $0x10200, s6;
	s0 =	ssub.s32 s0, s24;
	s18 =	sadd.s32 s25, s1  }
0xd: {  	s19 =	sadd.s32 $0x138800, s1;
	s25 =	sadd.s32 $0x138C00, s1;
	s12 =	sshll.u32 s11, $0x7  }
0xe: {  	s26 =	sor.u32 $0x60, s11;
	s17 =	sor.u32 $0x1C02, s15;
	s24 =	simm.s32 $0x280  }
0xf: {  	s8 =	sshrl.u32 s8, $0x3;
	s10 =	sadd.s32 $0x2800, s12;
	s11 =	sadd.s32 $0x3800, s12  }
0x10: {  	s12 =	sadd.s32 $0x4800, s12;
	s13 =	sshll.u32 s26, $0x7;
	s18 =	sshrl.u32 s18, $0x3  }
0x11: {  	s19 =	sshrl.u32 @!p0 s19, $0x3;
	p1 =	sgt.u32 s26, $0x7C;
	s25 =	sshrl.u32 @!p0 s25, $0x3  }
0x12: {  	s26 =	simm.s32 $0x300;
	s7 =	sadd.s32 s3, s6;
	s3 =	sadd.s32 $0xFA00, s6  }
0x13: {  	s8 =	sadd.s32 s8, s6;
	s13 =	sadd.s32 $0x2800, s13;
	s6 =	sadd.s32 $0x5200, s7  }
0x14: {  	s7 =	sadd.s32 $0x13200, s8;
	s8 =	sadd.s32 $0x62200, s9;
	s9 =	smax.u32 s0, $0x1  }
.LBB2_1:
0x15: {  	[tilespmem:s2], [sflag:$0x2] =	stream.linear.gather [hbm4b:s6+s2], $0x2780, $0x38;
	[tilespmem:$0x1E4C0] =	vst v63  }
0x16: {  	_ =	swait.ge [sflag:s14], $0x2780  }
0x17: {  	[sflag:s14] =	ssyncset.done $0x0  }
0x18: {  	s0 =	simm.s32 $0x2800;
	[sflag:s14] =	ssyncadd.s32 $0xFFFFD880  }
0x19: {  	[tilespmem:s0], [sflag:$0x2] =	stream.linear.gather [hbm4b:s3+s2], $0x3E80, $0x38;
	[tilespmem:$0x1E4C0] =	vst v63  }
0x1a: {  	_ =	swait.ge [sflag:s14], $0x3E80  }
0x1b: {  	[sflag:s14] =	ssyncset.done $0x0  }
0x1c: {  	[sflag:s14] =	ssyncadd.s32 $0xFFFFC180  }
0x1d: {  	[tilespmem:s16], [sflag:$0x2] =	stream.linear.gather [hbm4b:s4+s2], $0x4000, $0x38;
	[tilespmem:$0x1E4C0] =	vst v63  }
0x1e: {  	_ =	swait.ge [sflag:s14], $0x4000  }
0x1f: {  	[sflag:s14] =	ssyncset.done $0x0  }
0x20: {  	[sflag:s14] =	ssyncadd.s32 $0xFFFFC000  }
0x21: {  	[spmem:s18], [sflag:s17] =	dma.local [hbm:s5], $0x2710  }
0x22: {  	_ =	swait.ge [sflag:s14], $0x2710  }
0x23: {  	[sflag:s14] =	ssyncset.done $0x0  }
0x24: {  	s0 =	simm.s32 @!p0 $0x2;
	[sflag:s14] =	ssyncadd.s32 $0xFFFFD8F0  }
0x25: {  	[spmem:s19], [sflag:s17] =	dma.local @!p0 [hbm:s5], $0x880  }
0x26: {  	_ =	swait.ge @!p0 [sflag:s0], $0x880  }
0x27: {  	[sflag:s0] =	ssyncset.done @!p0 $0x0  }
0x28: {  	[sflag:s0] =	ssyncadd.s32 @!p0 $0xFFFFF780  }
0x29: {  	[bflag:$0x0] =	sbarrier.arrive $0xFFFF  }
0x2a: {  	[spmem:s1] =	stream.indirect.scatter.add.f32 [tilespmem:s16], [sflag:$0x1], $0x80, s2, s20, $0xb8;
	[tilespmem:$0x1E4C0] =	vst v63  }
0x2b: {  	_ = 	snop  }
0x2c: {  	[spmem:s1] =	stream.indirect.scatter.add.f32 [tilespmem:s16], [sflag:$0x1], $0x80, s20, s20, $0xb8;
	[tilespmem:$0x1E4C0] =	vst v63  }
0x2d: {  	s21 =	simm.s32 $0x100  }
0x2e: {  	[spmem:s1] =	stream.indirect.scatter.add.f32 [tilespmem:s16], [sflag:$0x1], $0x80, s21, s20, $0xb8;
	[tilespmem:$0x1E4C0] =	vst v63  }
0x2f: {  	s22 =	simm.s32 $0x180  }
0x30: {  	[spmem:s1] =	stream.indirect.scatter.add.f32 [tilespmem:s16], [sflag:$0x1], $0x80, s22, s20, $0xb8;
	[tilespmem:$0x1E4C0] =	vst v63  }
0x31: {  	_ = 	snop  }
0x32: {  	[spmem:s1] =	stream.indirect.scatter.add.f32 [tilespmem:s16], [sflag:$0x1], $0x80, s23, s20, $0xb8;
	[tilespmem:$0x1E4C0] =	vst v63  }
0x33: {  	_ = 	snop  }
0x34: {  	[spmem:s1] =	stream.indirect.scatter.add.f32 [tilespmem:s16], [sflag:$0x1], $0x80, s24, s20, $0xb8;
	[tilespmem:$0x1E4C0] =	vst v63  }
0x35: {  	_ = 	snop  }
0x36: {  	[spmem:s1] =	stream.indirect.scatter.add.f32 [tilespmem:s16], [sflag:$0x1], $0x80, s26, s20, $0xb8;
	[tilespmem:$0x1E4C0] =	vst v63  }
0x37: {  	p2 =	por $0x0, $0x0  }
0x38: {  	[spmem:s1] =	stream.indirect.scatter.add.f32 [tilespmem:s16], [sflag:$0x1], $0x80, s28, s20, $0xb8;
	[tilespmem:$0x1E4C0] =	vst v63  }
0x39: {  	s15 =	simm.s32 @!p2 $0x80;
	s0 =	simm.s32 $0x400;
	s21 =	simm.s32 @!p2 $0x6800  }
0x3a: {  	[spmem:s1] =	stream.indirect.scatter.add.f32 @!p2 [tilespmem:s21], [sflag:$0x1], $0x80, s0, s15, $0xb8;
	[tilespmem:$0x1E4C0] =	vst v63  }
0x3b: {  	_ =	swait.ge [sflag:s29], $0x4000  }
0x3c: {  	s15 =	simm.s32 $0x1;
	[sflag:s29] =	ssyncset.done $0x0  }
.LBB2_2:
0x3d: {  	s21 =	smov.u32 s15;
	s15 =	sadd.s32 $0x1, s15  }
0x3e: {  	[sflag:s29] =	ssyncadd.s32 $0xFFFFC000;
	s0 =	sadd.s32 $0x80, s0;
	p3 =	sne.s32 s15, $0x4F  }
.Ltmp0:
0x3f: {  	p2 =	sgt.u32 s21, $0x46;
	(pc) =	sbr.rel @p3 .LBB2_2-.Ltmp0, $4  }
0x40: {  	s21 =	simm.s32 @!p2 $0x80;
	s22 =	simm.s32 @!p2 $0x6800  }
0x41: {  	[spmem:s1] =	stream.indirect.scatter.add.f32 @!p2 [tilespmem:s22], [sflag:$0x1], $0x80, s0, s21, $0xb8;
	[tilespmem:$0x1E4C0] =	vst v63  }
0x42: {  	_ =	swait.ge [sflag:s29], $0x4000  }
0x43: {  	[sflag:s29] =	ssyncset.done $0x0  }
0x44: {  	[sflag:s29] =	ssyncadd.s32 $0xFFFFC000  }
0x45: {  	[spmem:s1] =	stream.indirect.scatter.add.f32 [tilespmem:s16], [sflag:$0x2], $0x80, s10, s30, $0xb8;
	[tilespmem:$0x1E4C0] =	vst v63  }
0x46: {  	_ =	swait.ge [sflag:s14], $0x2800  }
0x47: {  	[sflag:s14] =	ssyncset.done $0x0  }
0x48: {  	[sflag:s14] =	ssyncadd.s32 $0xFFFFD800  }
0x49: {  	[spmem:s1] =	stream.indirect.scatter.add.f32 [tilespmem:s16], [sflag:$0x2], $0x80, s11, s30, $0xb8;
	[tilespmem:$0x1E4C0] =	vst v63  }
0x4a: {  	_ =	swait.ge [sflag:s14], $0x2800  }
0x4b: {  	[sflag:s14] =	ssyncset.done $0x0  }
0x4c: {  	[sflag:s14] =	ssyncadd.s32 $0xFFFFD800  }
0x4d: {  	[spmem:s1] =	stream.indirect.scatter.add.f32 [tilespmem:s16], [sflag:$0x2], $0x80, s12, s30, $0xb8;
	[tilespmem:$0x1E4C0] =	vst v63  }
0x4e: {  	_ =	swait.ge [sflag:s14], $0x2800  }
0x4f: {  	[sflag:s14] =	ssyncset.done $0x0  }
0x50: {  	s0 =	simm.s32 @!p1 $0x50;
	s15 =	simm.s32 @!p1 $0x6800;
	[sflag:s14] =	ssyncadd.s32 $0xFFFFD800  }
0x51: {  	[spmem:s1] =	stream.indirect.scatter.add.f32 @!p1 [tilespmem:s15], [sflag:$0x2], $0x80, s13, s0, $0xb8;
	[tilespmem:$0x1E4C0] =	vst v63  }
0x52: {  	s0 =	simm.s32 @!p1 $0x2  }
0x53: {  	_ =	swait.ge @!p1 [sflag:s0], $0x2800  }
0x54: {  	[sflag:s0] =	ssyncset.done @!p1 $0x0  }
0x55: {  	[sflag:s0] =	ssyncadd.s32 @!p1 $0xFFFFD800  }
0x56: {  	[bflag:$0x0] =	sbarrier.arrive $0xFFFF  }
0x57: {  	[hbm:s7], [sflag:s17] =	dma.local [spmem:s18], $0x2710  }
0x58: {  	s31 =	sadd.s32 $0x1, s31;
	_ =	swait.ge [sflag:s14], $0x2710  }
0x59: {  	p2 =	sne.s32 s31, s9;
	[sflag:s14] =	ssyncset.done $0x0  }
.Ltmp1:
0x5a: {  	s0 =	simm.s32 @!p0 $0x2;
	[sflag:s14] =	ssyncadd.s32 $0xFFFFD8F0;
	(pc) =	sbr.rel @p2 .LBB2_1-.Ltmp1, $4  }
0x5b: {  	[hbm:s8], [sflag:s17] =	dma.local @!p0 [spmem:s25], $0x800  }
0x5c: {  	_ =	swait.ge @!p0 [sflag:s0], $0x800  }
0x5d: {  	[sflag:s0] =	ssyncset.done @!p0 $0x0  }
0x5e: {  	[sflag:s0] =	ssyncadd.s32 @!p0 $0xFFFFF800  }
0x5f: {  	_ =	sfence.sel $0x180000  }
0x60: {  	[bflag:$0x0] =	sbarrier.arrive $0xFFFF  }
0x61: {  	_ =	strace $0x90000047  }
0x62: {  	[bflag:$0x2] =	sbarrier.arrive $0xFFFF  }
0x63: {  	s0 =	rddreg [dreg:$0x2]  }
0x64: {  	s0 =	sadd.s32 @!p0 $0x100000, s0  }
0x65: {  	[sflag:s0] =	ssyncadd.tile.s32 @!p0 $0x1;
	_ =	shalt  }
.Lfunc_end2:
_tile_overlayer_lowered:
.L_overlay_start_2:
0x66: {  	(tag) =	ssettag $0x2  }
0x67: {  	s0 =	rddreg [dreg:$0x0];
	s2 =	stileid.u32  }
0x68: {  	s1 =	rddreg [dreg:$0x1];
	p0 =	sne.s32 s2, $0x0  }
0x69: {  	s3 =	rddreg [dreg:$0x2];
	[bflag:$0x3] =	sbarrier.arrive $0xFFFF;
	s2 =	simm.s32 @!p0 $0x1C02  }
0x6a: {  	[timem:s3], [sflag:s2] =	dma.local @!p0 [hbm:s0], s1  }
0x6b: {  	s0 =	simm.s32 @!p0 $0x2  }
0x6c: {  	_ =	swait.ge @!p0 [sflag:s0], s1  }
0x6d: {  	s1 =	ssub.s32 @!p0 $0x0, s1;
	[sflag:s0] =	ssyncset.done @!p0 $0x0  }
0x6e: {  	[sflag:s0] =	ssyncadd.s32 @!p0 s1  }
0x6f: {  	[bflag:$0x3] =	sbarrier.arrive $0xFFFF  }
0x70: {  	_ =	shalt  }

// kernel: kernel.16.cloned.1.call-start
scs
__scs_entry_jumppad:
0x0: {  	(pc) =	sbr.rel $0x88, $3  }
0x1: {  	(tag) =	ssettag $0x0;
	lr =	simm.s32 $0x1  }
0x2: {  	[smem:$0x3F8E] =	sst lr;
	_ =	strace $0xD0000000  }
0x3: {  	_ = 	snop  }
0x4: {  	_ = 	snop  }
0x5: {  	_ = 	snop  }
0x6: {  	_ = 	snop  }
0x7: {  	_ = 	snop  }
__scs_overlays_trampoline_lowered:
0x8: {  	[smem:$0x3F9D] =	sst s0  }
0x9: {  	[smem:$0x3F9E] =	sst s1  }
0xa: {  	[smem:$0x3F9F] =	sst s2  }
0xb: {  	[smem:$0x3FA0] =	sst s3  }
0xc: {  	[smem:$0x3FA1] =	sst s4  }
0xd: {  	[smem:$0x3FA2] =	sst s5  }
0xe: {  	[smem:$0x3FA3] =	sst s6  }
0xf: {  	[smem:$0x3FA4] =	sst s7  }
0x10: {  	[smem:$0x3FA5] =	sst s8  }
0x11: {  	[smem:$0x3FA6] =	sst s9;
	s0 =	simm.s32 @!p0 $0x0  }
0x12: {  	s1 =	sld [smem:$0x3F8C];
	s0 =	simm.s32 @p0 $0x1  }
0x13: {  	[smem:$0x3FA7] =	sst s0;
	s0 =	simm.s32 @!p1 $0x0  }
0x14: {  	s2 =	sld [smem:$0x3F8B];
	s0 =	simm.s32 @p1 $0x1  }
0x15: {  	[smem:$0x3FA8] =	sst s0;
	s0 =	simm.s32 @!p2 $0x0  }
0x16: {  	s3 =	sld [smem:$0x3FDB];
	s0 =	simm.s32 @p2 $0x1  }
0x17: {  	s4 =	simm.s32 $0x1BF5;
	[smem:$0x3FAA] =	sst s0  }
0x18: {  	s0 =	sld [smem:$0x3F8D];
	_ =	swait.ge [sflag:s4], $0x0  }
0x19: {  	s7 =	sld [smem:$0x3F8E]  }
0x1a: {  	s8 =	sadd.s32 $0xFFFFE003, lr  }
0x1b: {  	s9 =	sadd.s32 $0xFFFFFEF7, lr;
	s5 =	simm.s32 $0xFFFFFFFF;
	p2 =	slt.u32 s8, $0xFFFFF086  }
0x1c: {  	p1 =	slt.u32 s9, $0xF7A;
	s5 =	simm.s32 @!p2 $0x0  }
0x1d: {  	s5 =	simm.s32 @p1 $0x1;
	p0 =	seq.s32 s7, s2  }
0x1e: {  	s7 =	smul.u32 @!p0 $0xF7A, s2;
	p2 =	seq.s32 @!p0 s5, $0x0  }
0x1f: {  	s9 =	smul.u32 $0xF7A, s1;
	s8 =	simm.s32 @!p0 $0x1BF5;
	p2 =	por !p2, p0  }
0x20: {  	[sflag:s8] =	ssyncset.s32 @!p0 $0xFFFFF086;
	s6 =	sadd.s32 @!p0 s3, s7;
	s7 =	simm.s32 @!p0 $0x108  }
0x21: {  	s3 =	sadd.s32 s3, s9;
	s6 =	sadd.s32 @!p0 $0x88, s6;
	s7 =	simm.s32 @p2 $0x1082  }
0x22: {  	[simem:s7], [sflag:s8] =	dma.local @!p0 [hbm:s6], $0xF7A  }
0x23: {  	s9 =	sor.u32 $0xD0000000, s2;
	s6 =	simm.s32 $0x108;
	_ =	swait.ge @!p0 [sflag:s8], $0x0  }
0x24: {  	s3 =	sadd.s32 $0x88, s3;
	s6 =	simm.s32 @!p1 $0x1082;
	[sflag:s4] =	ssyncset.s32 $0xFFFFF086  }
0x25: {  	[simem:s6], [sflag:s4] =	dma.local [hbm:s3], $0xF7A  }
0x26: {  	[smem:$0x3F8E] =	sst s1;
	(tag) =	ssettag s2;
	_ =	strace s9  }
0x27: {  	s1 =	sld [smem:$0x3F9E]  }
0x28: {  	s2 =	sld [smem:$0x3F9F]  }
0x29: {  	s4 =	sld [smem:$0x3FA1]  }
0x2a: {  	p0 =	seq.s32 s5, $0x0;
	s5 =	sld [smem:$0x3FA2]  }
0x2b: {  	s6 =	sld [smem:$0x3FA3]  }
0x2c: {  	s7 =	sld [smem:$0x3FA4]  }
0x2d: {  	s3 =	simm.s32 $0x108;
	s8 =	sld [smem:$0x3FA5]  }
0x2e: {  	s3 =	simm.s32 @!p0 $0x1082;
	s9 =	sld [smem:$0x3FA6]  }
0x2f: {  	lr =	sadd.s32 s0, s3;
	s0 =	sld [smem:$0x3F9D]  }
0x30: {  	s3 =	sld [smem:$0x3FA0]  }
0x31: {  	[smem:$0x3FA9] =	sst s10  }
0x32: {  	s10 =	sld [smem:$0x3FA7];
	_ =	sdelay $0x3  }
0x33: {  	p0 =	seq.s32 s10, $0x1;
	s10 =	sld [smem:$0x3FA9];
	_ =	sdelay $0x3  }
0x34: {  	[smem:$0x3FA9] =	sst s10  }
0x35: {  	s10 =	sld [smem:$0x3FA8];
	_ =	sdelay $0x3  }
0x36: {  	p1 =	seq.s32 s10, $0x1;
	s10 =	sld [smem:$0x3FA9];
	_ =	sdelay $0x3  }
0x37: {  	[smem:$0x3FA9] =	sst s10  }
0x38: {  	s10 =	sld [smem:$0x3FAA]  }
0x39: {  	_ = 	snop;
	(pc) =	sbr.ind lr, $3  }
0x3a: {  	_ = 	snop  }
0x3b: {  	_ = 	snop  }
0x3c: {  	p2 =	seq.s32 s10, $0x1;
	s10 =	sld [smem:$0x3FA9]  }
0x3d: {  	_ =	shalt  }
0x3e: {  	_ =	shalt  }
0x3f: {  	_ =	shalt  }
0x40: {  	_ =	shalt  }
0x41: {  	_ =	shalt  }
0x42: {  	_ =	shalt  }
0x43: {  	_ =	shalt  }
0x44: {  	_ =	shalt  }
0x45: {  	_ =	shalt  }
0x46: {  	_ =	shalt  }
0x47: {  	_ =	shalt  }
0x48: {  	_ =	shalt  }
0x49: {  	_ =	shalt  }
0x4a: {  	_ =	shalt  }
0x4b: {  	_ =	shalt  }
0x4c: {  	_ =	shalt  }
0x4d: {  	_ =	shalt  }
0x4e: {  	_ =	shalt  }
0x4f: {  	_ =	shalt  }
0x50: {  	_ =	shalt  }
0x51: {  	_ =	shalt  }
0x52: {  	_ =	shalt  }
0x53: {  	_ =	shalt  }
0x54: {  	_ =	shalt  }
0x55: {  	_ =	shalt  }
0x56: {  	_ =	shalt  }
0x57: {  	_ =	shalt  }
0x58: {  	_ =	shalt  }
0x59: {  	_ =	shalt  }
0x5a: {  	_ =	shalt  }
0x5b: {  	_ =	shalt  }
0x5c: {  	_ =	shalt  }
0x5d: {  	_ =	shalt  }
0x5e: {  	_ =	shalt  }
0x5f: {  	_ =	shalt  }
0x60: {  	_ =	shalt  }
0x61: {  	_ =	shalt  }
0x62: {  	_ =	shalt  }
0x63: {  	_ =	shalt  }
0x64: {  	_ =	shalt  }
0x65: {  	_ =	shalt  }
0x66: {  	_ =	shalt  }
0x67: {  	_ =	shalt  }
0x68: {  	_ =	shalt  }
0x69: {  	_ =	shalt  }
0x6a: {  	_ =	shalt  }
0x6b: {  	_ =	shalt  }
0x6c: {  	_ =	shalt  }
0x6d: {  	_ =	shalt  }
0x6e: {  	_ =	shalt  }
0x6f: {  	_ =	shalt  }
0x70: {  	_ =	shalt  }
0x71: {  	_ =	shalt  }
0x72: {  	_ =	shalt  }
0x73: {  	_ =	shalt  }
0x74: {  	_ =	shalt  }
0x75: {  	_ =	shalt  }
0x76: {  	_ =	shalt  }
0x77: {  	_ =	shalt  }
0x78: {  	_ =	shalt  }
0x79: {  	_ =	shalt  }
0x7a: {  	_ =	shalt  }
0x7b: {  	_ =	shalt  }
0x7c: {  	_ =	shalt  }
0x7d: {  	_ =	shalt  }
0x7e: {  	_ =	shalt  }
0x7f: {  	_ =	shalt  }
0x80: {  	_ =	shalt  }
0x81: {  	_ =	shalt  }
0x82: {  	_ =	shalt  }
0x83: {  	_ =	shalt  }
0x84: {  	_ =	shalt  }
0x85: {  	_ =	shalt  }
0x86: {  	_ =	shalt  }
0x87: {  	_ =	shalt  }
.Lfunc_end0:
.L_simem_size_0:
called_computation.1_lowered:
.L_overlay_start_0:
0x88: {  	s2 =	sld [smem:$0x3FD9]  }
0x89: {  	s3 =	sld [smem:$0x3FFE];
	_ =	sdelay $0x1  }
0x8a: {  	s1 =	srdreg.scid  }
0x8b: {  	s0 =	sand.u32 $0x1, s1  }
0x8c: {  	s16 =	sshll.u32 s0, $0xA;
	s2 =	sadd.s32 s3, s2  }
0x8d: {  	s2 =	sadd.s32 s2, s16  }
0x8e: {  	[smem:$0x3FB5] =	sst s2  }
0x8f: {  	_ = 	snop  }
0x90: {  	(tm) =	ssettm $0x1  }
0x91: {  	s17 =	sld [smem:$0x3FFB];
	_ =	sdelay $0x3  }
0x92: {  	_ =	strace s17  }
0x93: {  	s2 =	sld [smem:$0x3FFC];
	_ =	sdelay $0x3  }
0x94: {  	_ =	strace s2  }
0x95: {  	s2 =	sld [smem:$0x3FFD];
	_ =	sdelay $0x3  }
0x96: {  	_ =	strace s2  }
0x97: {  	_ =	strace $0x8FFFFFFF  }
0x98: {  	s18 =	sld [smem:$0x3FDB];
	_ =	sdelay $0x1  }
0x99: {  	s19 =	simm.s32 $_scs_section_size  }
0x9a: {  	s4 =	simm.s32 $_size__tile_overlayer_lowered;
	s5 =	simm.s32 $_tile_overlayer_lowered  }
0x9b: {  	s22 =	simm.s32 $0x1BFF;
	s21 =	sshll.u32 s5, $0x1;
	s2 =	sadd.s32 s19, s18  }
0x9c: {  	s6 =	simm.s32 $0x0;
	s20 =	sshll.u32 s4, $0x1;
	s4 =	sadd.s32 s21, s2  }
0x9d: {  	[timem:s6], [sflag:s22] =	dma.local [hbm:s4], s20  }
0x9e: {  	_ =	swait.ge [sflag:s22], s20  }
0x9f: {  	s3 =	ssub.s32 $0x0, s20;
	[sflag:s22] =	ssyncset.done $0x0  }
0xa0: {  	[sflag:s22] =	ssyncadd.s32 s3;
	_ =	sdelay $0x1  }
0xa1: {  	s23 =	simm.s32 $0x1B8B  }
0xa2: {  	_ =	swait.ge [sflag:s23], $0x1  }
0xa3: {  	[sflag:s23] =	ssyncset.done $0x0  }
0xa4: {  	s25 =	simm.s32 $0x1B8E;
	s24 =	sld [smem:$0x3FFE];
	[sflag:s23] =	ssyncadd.s32 $0xFFFFFFFF  }
0xa5: {  	s26 =	simm.s32 $execute0_lowered;
	[smem:$0x3FD2] =	sst s25  }
0xa6: {  	s4 =	sshll.u32 s26, $0x1;
	_ =	strace $0x80000049;
	[dreg:$0x1] =	wrdreg $0xFFFFFFFF  }
0xa7: {  	s28 =	simm.s32 $_size_execute0_lowered;
	s2 =	sadd.s32 s2, s4;
	[dreg:$0x0] =	wrdreg $0x0  }
0xa8: {  	s4 =	sshll.u32 s28, $0x1;
	[dreg:$0x2] =	wrdreg s2  }
0xa9: {  	[dreg:$0x3] =	wrdreg s4  }
0xaa: {  	[dreg:$0x4] =	wrdreg $0xC0  }
0xab: {  	_ =	task [dreg:s6], $0x5FFFF  }
0xac: {  	[dreg:$0x1] =	wrdreg $0xFFFFFFFF  }
0xad: {  	[dreg:$0x0] =	wrdreg $0x60  }
0xae: {  	[dreg:$0x2] =	wrdreg s24  }
0xaf: {  	[dreg:$0x3] =	wrdreg $0xA8000  }
0xb0: {  	[dreg:$0x4] =	wrdreg $0x9  }
0xb1: {  	_ =	task.clear_ibuf [dreg:s6], $0x5FFFF;
	_ =	strace $0x90000049  }
0xb2: {  	s29 =	simm.s32 $0x9;
	_ =	strace $0x8000004B  }
0xb3: {  	_ =	swait.ge [sflag:s29], $0x1  }
0xb4: {  	[sflag:s29] =	ssyncadd.s32 $0xFFFFFFFF  }
0xb5: {  	_ =	strace $0x9000004B  }
0xb6: {  	_ =	sfence  }
0xb7: {  	s30 =	sld [smem:$0x0];
	_ =	sdelay $0x2  }
0xb8: {  	s31 =	sshll.u32 s1, $0xD;
	s1 =	sshrl.u32 s1, $0x2  }
0xb9: {  	s3 =	sand.u32 $0x4000, s31;
	s1 =	sadd.s32 s1, s30  }
0xba: {  	s0 =	sor.u32 s3, s0;
	s1 =	sshll.u32 s1, $0x11  }
0xbb: {  	s0 =	sor.u32 s1, s0  }
0xbc: {  	s0 =	sadd.s32 $0x8F2B, s0  }
0xbd: {  	[sflag:s0] =	ssyncadd.remote.s32 $0x1  }
0xbe: {  	_ =	sfence.sel $0xFFFF  }
0xbf: {  	[dreg:$0x0] =	wrdreg $0xFFFFFFFF;
	(pc) =	sbr.abs _section_cstart, $3  }
0xc0: {  	[dreg:$0x1] =	wrdreg $0xFFFFFFFF  }
0xc1: {  	_ =	task.clear_ibuf [dreg:s6], $0x2FFFF;
	_ =	strace $0x9FFFFFFF  }
0xc2: {  	(tm) =	ssettm $0x7FFFFFFF  }
0xc3: {  	_ =	shalt  }
tec
execute0_lowered:
.L_overlay_start_1:
0x0: {  	(tag) =	ssettag $0x1  }
0x1: {  	s0 =	rddreg [dreg:$0x0]  }
0x2: {  	s1 =	rddreg [dreg:$0x1]  }
0x3: {  	s2 =	simm.s32 $0x0;
	s3 =	srdreg.scid;
	s23 =	simm.s32 $0x1  }
0x4: {  	[smem:$0x7FF] =	sst s2;
	s12 =	sand.u32 $0x1, s3;
	s3 =	stileid.u32  }
0x5: {  	s4 =	sadd.s32 $0x12A00, s0;
	s5 =	sadd.s32 $0x72200, s0;
	s6 =	sadd.s32 $0x63200, s0  }
0x6: {  	s7 =	sadd.s32 $0x10200, s0;
	s21 =	sadd.s32 $0x138800, s1;
	s8 =	smul.u32 $0x13C000, s12  }
0x7: {  	_ =	strace $0x8000004A;
	s9 =	smul.u32 $0x13C00, s3;
	s10 =	sshll.u32 s12, $0x4  }
0x8: {  	s11 =	ssub.s32 $0x2, s12;
	p0 =	seq.s32 s12, $0x0;
	s14 =	smul.u32 $0x4E200, s3  }
0x9: {  	s16 =	sor.u32 s3, s12;
	p2 =	sne.s32 s3, $0x0;
	s24 =	sor.u32 s3, s10  }
0xa: {  	s26 =	sshrl.u32 s11, $0x1;
	p1 =	sne.s32 s16, $0x0;
	s21 =	sshrl.u32 @!p2 s21, $0x3  }
0xb: {  	s8 =	sadd.s32 s9, s8;
	s9 =	simm.s32 $0x32;
	s15 =	ssub.s32 s11, s26  }
0xc: {  	s30 =	sshrl.u32 s14, $0x2;
	s18 =	sshrl.u32 @!p1 s1, $0x3;
	s25 =	sshrl.u32 s8, $0x3  }
0xd: {  	s8 =	smul.u32 $0x3C00, s24;
	s9 =	simm.s32 @!p0 $0x6C;
	s12 =	sadd.s32 s30, s1  }
0xe: {  	s14 =	smax.u32 s15, $0x1;
	s15 =	simm.s32 $0x2;
	s24 =	simm.s32 $0x80  }
0xf: {  	s0 =	sadd.s32 s25, s0;
	s31 =	sshll.u32 s9, $0x10;
	s13 =	sshrl.u32 s8, $0x3  }
0x10: {  	s20 =	sshrl.u32 @!p0 s12, $0x3;
	[dreg:$0x3] =	wrdreg s31;
	s28 =	sadd.s32 s5, s13  }
0x11: {  	s29 =	sadd.s32 s6, s13;
	s13 =	sadd.s32 $0x81200, s0;
	s0 =	sshll.u32 @!p1 s3, $0x6  }
0x12: {  	[dreg:$0x4] =	wrdreg s28;
	s17 =	sor.u32 @!p1 $0x1C02, s0;
	s0 =	sshll.u32 @!p0 s3, $0x6  }
0x13: {  	s25 =	simm.s32 $0x0;
	[dreg:$0x5] =	wrdreg s29;
	s19 =	sor.u32 @!p0 $0x1C02, s0  }
.LBB2_1:
0x14: {  	s0 =	rddreg [dreg:$0x4]  }
0x15: {  	[tilespmem:s2], [sflag:$0x2] =	stream.linear.gather [hbm4b:s0+s2], $0x1400, $0x38;
	[tilespmem:$0x1E0C0] =	vst v63  }
0x16: {  	_ =	swait.ge [sflag:s15], $0x1400  }
0x17: {  	[sflag:s15] =	ssyncset.done $0x0  }
0x18: {  	s3 =	simm.s32 $0x1400;
	s22 =	rddreg [dreg:$0x5];
	[sflag:s15] =	ssyncadd.s32 $0xFFFFEC00  }
0x19: {  	[tilespmem:s3], [sflag:$0x2] =	stream.linear.gather [hbm4b:s22+s2], $0x1400, $0x38;
	[tilespmem:$0x1E0C0] =	vst v63  }
0x1a: {  	_ =	swait.ge [sflag:s15], $0x1400  }
0x1b: {  	[sflag:s15] =	ssyncset.done $0x0  }
0x1c: {  	s0 =	simm.s32 @!p1 $0x2;
	[sflag:s15] =	ssyncadd.s32 $0xFFFFEC00  }
0x1d: {  	[spmem:s18], [sflag:s17] =	dma.local @!p1 [hbm:s4], $0x27100  }
0x1e: {  	_ =	swait.ge @!p1 [sflag:s0], $0x27100  }
0x1f: {  	[sflag:s0] =	ssyncset.done @!p1 $0x0  }
0x20: {  	[sflag:s0] =	ssyncadd.s32 @!p1 $0xFFFD8F00;
	s0 =	simm.s32 @!p0 $0x2  }
0x21: {  	[spmem:s20], [sflag:s19] =	dma.local @!p0 [hbm:s7], $0x2710  }
0x22: {  	_ =	swait.ge @!p0 [sflag:s0], $0x2710  }
0x23: {  	[sflag:s0] =	ssyncset.done @!p0 $0x0  }
0x24: {  	[sflag:s0] =	ssyncadd.s32 @!p0 $0xFFFFD8F0;
	s0 =	simm.s32 @!p2 $0x1C02  }
0x25: {  	[spmem:s21], [sflag:s0] =	dma.local @!p2 [hbm:s7], $0x80  }
0x26: {  	s0 =	simm.s32 @!p2 $0x2  }
0x27: {  	_ =	swait.ge @!p2 [sflag:s0], $0x80  }
0x28: {  	[sflag:s0] =	ssyncset.done @!p2 $0x0  }
0x29: {  	s26 =	simm.s32 $0x2800;
	s28 =	simm.s32 $0x1;
	[sflag:s0] =	ssyncadd.s32 @!p2 $0xFFFFFF80  }
0x2a: {  	s29 =	simm.s32 $0x80;
	s30 =	simm.s32 $0x0;
	[bflag:$0x0] =	sbarrier.arrive $0xFFFF  }
0x2b: {  	[tilespmem:s26], [sflag:$0x1] =	stream.indirect.gather [hbm4b:s4+s24], $0x80, s2, s24, $0xb8;
	[tilespmem:$0x1E0C0] =	vst v63  }
0x2c: {  	s31 =	simm.s32 $0x80;
	s0 =	simm.s32 $0x0;
	s26 =	simm.s32 $0x1400  }
.LBB2_2:
0x2d: {  	s3 =	smulhi.u32 $0xCCCCCCCD, s0;
	_ =	sdelay $0x1  }
0x2e: {  	s3 =	sshrl.u32 s3, $0x5  }
0x2f: {  	s22 =	smul.u32 $0x280000, s3;
	_ =	sdelay $0x1  }
0x30: {  	s16 =	smulhi.u32 $0xCCCCCCCD, s28;
	s22 =	sadd.s32 $0x270000, s22  }
0x31: {  	p4 =	slt.u32 s28, s9;
	p3 =	seq.s32 s22, s30  }
0x32: {  	s10 =	simm.s32 $0x1;
	s16 =	sshrl.u32 s16, $0x5;
	p3 =	por !p3, !p4  }
0x33: {  	s16 =	smul.u32 $0xFFFFB000, s16;
	s22 =	simm.s32 $0x1;
	p3 =	por !p3, !p3  }
0x34: {  	s10 =	simm.s32 @!p4 $0x0;
	s22 =	simm.s32 @!p3 $0x0  }
0x35: {  	_ =	swait.ge [sflag:s23], $0x4000;
	s16 =	sshra.s32 s16, $0x2;
	p4 =	seq.s32 s10, s22  }
0x36: {  	s3 =	smul.u32 $0xFFFFB000, s3;
	s10 =	sadd.s32 s16, s29;
	s16 =	sxor.u32 @!p4 $0xFFFFFFFF, s30  }
0x37: {  	s11 =	sand.u32 $0x10000, s30;
	[sflag:s23] =	ssyncset.done $0x0;
	s16 =	sand.u32 @!p4 $0x10000, s16  }
0x38: {  	[sflag:s23] =	ssyncadd.s32 $0xFFFFC000;
	s3 =	sshra.s32 s3, $0x2;
	s16 =	sshrl.u32 @!p4 s16, $0x2  }
0x39: {  	s22 =	sshrl.u32 s11, $0x2;
	s11 =	simm.s32 @!p4 $0x80;
	s16 =	sor.u32 @!p4 $0x2800, s16  }
0x3a: {  	[tilespmem:s16], [sflag:$0x1] =	stream.indirect.gather @!p4 [hbm4b:s4+s11], $0x80, s10, s11, $0xb8;
	[tilespmem:$0x1E0C0] =	vst v63  }
0x3b: {  	s3 =	sadd.s32 s3, s26;
	s16 =	sor.u32 $0x2800, s22  }
0x3c: {  	[spmem:s1] =	stream.indirect.scatter.add.f32 [tilespmem:s16], [sflag:$0x2], $0x80, s3, s24, $0xb8;
	[tilespmem:$0x1E0C0] =	vst v63  }
0x3d: {  	s3 =	sand.u32 @p3 $0x7FFFFC00, s31  }
0x3e: {  	_ =	swait.ge [sflag:s15], $0x4000;
	s3 =	sadd.s32 @p3 s8, s3  }
0x3f: {  	[sflag:s15] =	ssyncset.done $0x0;
	s3 =	sshrl.u32 @p3 s3, $0x3  }
0x40: {  	s11 =	simm.s32 @p3 $0x0;
	[sflag:s15] =	ssyncadd.s32 $0xFFFFC000;
	s10 =	sadd.s32 @p3 s5, s3  }
0x41: {  	[tilespmem:s11], [sflag:$0x2] =	stream.linear.gather @p3 [hbm4b:s10+s11], $0x1400, $0x38;
	[tilespmem:$0x1E0C0] =	vst v63  }
0x42: {  	s10 =	simm.s32 @p3 $0x2  }
0x43: {  	_ =	swait.ge @p3 [sflag:s10], $0x1400  }
0x44: {  	[sflag:s10] =	ssyncset.done @p3 $0x0  }
0x45: {  	s16 =	simm.s32 @p3 $0x1400;
	s3 =	sadd.s32 @p3 s6, s3;
	[sflag:s10] =	ssyncadd.s32 @p3 $0xFFFFEC00  }
0x46: {  	[tilespmem:s16], [sflag:$0x2] =	stream.linear.gather @p3 [hbm4b:s3+s11], $0x1400, $0x38;
	[tilespmem:$0x1E0C0] =	vst v63  }
0x47: {  	s3 =	sxor.u32 @p3 $0xFFFFFFFF, s30  }
0x48: {  	s30 =	sadd.s32 $0x10000, s30;
	_ =	swait.ge @p3 [sflag:s10], $0x1400;
	s3 =	sand.u32 @p3 $0x10000, s3  }
0x49: {  	[sflag:s10] =	ssyncset.done @p3 $0x0;
	s3 =	sshrl.u32 @p3 s3, $0x2;
	s22 =	rddreg [dreg:$0x3]  }
0x4a: {  	[sflag:s10] =	ssyncadd.s32 @p3 $0xFFFFEC00;
	s3 =	sor.u32 @p3 $0x2800, s3;
	s10 =	simm.s32 @p3 $0x80  }
0x4b: {  	[tilespmem:s3], [sflag:$0x1] =	stream.indirect.gather @p3 [hbm4b:s4+s10], $0x80, s11, s10, $0xb8;
	[tilespmem:$0x1E0C0] =	vst v63  }
0x4c: {  	p3 =	sne.s32 s22, s30  }
.Ltmp0:
0x4d: {  	_ = 	snop;
	(pc) =	sbr.rel @p3 .LBB2_2-.Ltmp0, $3  }
0x4e: {  	_ =	sdelay $0x1  }
0x4f: {  	s28 =	sadd.s32 $0x1, s28;
	s0 =	sadd.s32 $0x1, s0  }
0x50: {  	s26 =	sadd.s32 $0x80, s26;
	s29 =	sadd.s32 $0x80, s29;
	s31 =	sadd.s32 $0x80, s31  }
0x51: {  	s0 =	stileid.u32;
	s25 =	sadd.s32 $0x1, s25  }
0x52: {  	[bflag:$0x0] =	sbarrier.arrive $0xFFFF;
	s0 =	sshll.u32 s0, $0x6;
	p3 =	sne.s32 s25, s14  }
.Ltmp1:
0x53: {  	s3 =	sshrl.u32 s12, $0x3;
	s0 =	sor.u32 $0x1C02, s0;
	(pc) =	sbr.rel @p3 .LBB2_1-.Ltmp1, $4  }
0x54: {  	[hbm:s13], [sflag:s0] =	dma.local [spmem:s3], $0x2710  }
0x55: {  	_ =	swait.ge [sflag:s15], $0x2710  }
0x56: {  	[sflag:s15] =	ssyncset.done $0x0  }
0x57: {  	[sflag:s15] =	ssyncadd.s32 $0xFFFFD8F0  }
0x58: {  	_ =	sfence.sel $0x180000  }
0x59: {  	[bflag:$0x0] =	sbarrier.arrive $0xFFFF  }
0x5a: {  	_ =	strace $0x9000004A  }
0x5b: {  	[bflag:$0x2] =	sbarrier.arrive $0xFFFF  }
0x5c: {  	s0 =	rddreg [dreg:$0x2]  }
0x5d: {  	s0 =	sadd.s32 @!p2 $0x100000, s0  }
0x5e: {  	[sflag:s0] =	ssyncadd.tile.s32 @!p2 $0x1;
	_ =	shalt  }
.Lfunc_end2:
_tile_overlayer_lowered:
.L_overlay_start_2:
0x5f: {  	(tag) =	ssettag $0x2  }
0x60: {  	s0 =	rddreg [dreg:$0x0];
	s2 =	stileid.u32  }
0x61: {  	s1 =	rddreg [dreg:$0x1];
	p0 =	sne.s32 s2, $0x0  }
0x62: {  	s3 =	rddreg [dreg:$0x2];
	[bflag:$0x3] =	sbarrier.arrive $0xFFFF;
	s2 =	simm.s32 @!p0 $0x1C02  }
0x63: {  	[timem:s3], [sflag:s2] =	dma.local @!p0 [hbm:s0], s1  }
0x64: {  	s0 =	simm.s32 @!p0 $0x2  }
0x65: {  	_ =	swait.ge @!p0 [sflag:s0], s1  }
0x66: {  	s1 =	ssub.s32 @!p0 $0x0, s1;
	[sflag:s0] =	ssyncset.done @!p0 $0x0  }
0x67: {  	[sflag:s0] =	ssyncadd.s32 @!p0 s1  }
0x68: {  	[bflag:$0x3] =	sbarrier.arrive $0xFFFF  }
0x69: {  	_ =	shalt  }

// kernel: kernel.19.cloned.1.call-start
scs
__scs_entry_jumppad:
0x0: {  	(pc) =	sbr.rel $0x88, $3  }
0x1: {  	(tag) =	ssettag $0x0;
	lr =	simm.s32 $0x1  }
0x2: {  	[smem:$0x3F8E] =	sst lr;
	_ =	strace $0xD0000000  }
0x3: {  	_ = 	snop  }
0x4: {  	_ = 	snop  }
0x5: {  	_ = 	snop  }
0x6: {  	_ = 	snop  }
0x7: {  	_ = 	snop  }
__scs_overlays_trampoline_lowered:
0x8: {  	[smem:$0x3F9D] =	sst s0  }
0x9: {  	[smem:$0x3F9E] =	sst s1  }
0xa: {  	[smem:$0x3F9F] =	sst s2  }
0xb: {  	[smem:$0x3FA0] =	sst s3  }
0xc: {  	[smem:$0x3FA1] =	sst s4  }
0xd: {  	[smem:$0x3FA2] =	sst s5  }
0xe: {  	[smem:$0x3FA3] =	sst s6  }
0xf: {  	[smem:$0x3FA4] =	sst s7  }
0x10: {  	[smem:$0x3FA5] =	sst s8  }
0x11: {  	[smem:$0x3FA6] =	sst s9;
	s0 =	simm.s32 @!p0 $0x0  }
0x12: {  	s1 =	sld [smem:$0x3F8C];
	s0 =	simm.s32 @p0 $0x1  }
0x13: {  	[smem:$0x3FA7] =	sst s0;
	s0 =	simm.s32 @!p1 $0x0  }
0x14: {  	s2 =	sld [smem:$0x3F8B];
	s0 =	simm.s32 @p1 $0x1  }
0x15: {  	[smem:$0x3FA8] =	sst s0;
	s0 =	simm.s32 @!p2 $0x0  }
0x16: {  	s3 =	sld [smem:$0x3FDB];
	s0 =	simm.s32 @p2 $0x1  }
0x17: {  	s4 =	simm.s32 $0x1BF5;
	[smem:$0x3FAA] =	sst s0  }
0x18: {  	s0 =	sld [smem:$0x3F8D];
	_ =	swait.ge [sflag:s4], $0x0  }
0x19: {  	s7 =	sld [smem:$0x3F8E]  }
0x1a: {  	s8 =	sadd.s32 $0xFFFFE003, lr  }
0x1b: {  	s9 =	sadd.s32 $0xFFFFFEF7, lr;
	s5 =	simm.s32 $0xFFFFFFFF;
	p2 =	slt.u32 s8, $0xFFFFF086  }
0x1c: {  	p1 =	slt.u32 s9, $0xF7A;
	s5 =	simm.s32 @!p2 $0x0  }
0x1d: {  	s5 =	simm.s32 @p1 $0x1;
	p0 =	seq.s32 s7, s2  }
0x1e: {  	s7 =	smul.u32 @!p0 $0xF7A, s2;
	p2 =	seq.s32 @!p0 s5, $0x0  }
0x1f: {  	s9 =	smul.u32 $0xF7A, s1;
	s8 =	simm.s32 @!p0 $0x1BF5;
	p2 =	por !p2, p0  }
0x20: {  	[sflag:s8] =	ssyncset.s32 @!p0 $0xFFFFF086;
	s6 =	sadd.s32 @!p0 s3, s7;
	s7 =	simm.s32 @!p0 $0x108  }
0x21: {  	s3 =	sadd.s32 s3, s9;
	s6 =	sadd.s32 @!p0 $0x88, s6;
	s7 =	simm.s32 @p2 $0x1082  }
0x22: {  	[simem:s7], [sflag:s8] =	dma.local @!p0 [hbm:s6], $0xF7A  }
0x23: {  	s9 =	sor.u32 $0xD0000000, s2;
	s6 =	simm.s32 $0x108;
	_ =	swait.ge @!p0 [sflag:s8], $0x0  }
0x24: {  	s3 =	sadd.s32 $0x88, s3;
	s6 =	simm.s32 @!p1 $0x1082;
	[sflag:s4] =	ssyncset.s32 $0xFFFFF086  }
0x25: {  	[simem:s6], [sflag:s4] =	dma.local [hbm:s3], $0xF7A  }
0x26: {  	[smem:$0x3F8E] =	sst s1;
	(tag) =	ssettag s2;
	_ =	strace s9  }
0x27: {  	s1 =	sld [smem:$0x3F9E]  }
0x28: {  	s2 =	sld [smem:$0x3F9F]  }
0x29: {  	s4 =	sld [smem:$0x3FA1]  }
0x2a: {  	p0 =	seq.s32 s5, $0x0;
	s5 =	sld [smem:$0x3FA2]  }
0x2b: {  	s6 =	sld [smem:$0x3FA3]  }
0x2c: {  	s7 =	sld [smem:$0x3FA4]  }
0x2d: {  	s3 =	simm.s32 $0x108;
	s8 =	sld [smem:$0x3FA5]  }
0x2e: {  	s3 =	simm.s32 @!p0 $0x1082;
	s9 =	sld [smem:$0x3FA6]  }
0x2f: {  	lr =	sadd.s32 s0, s3;
	s0 =	sld [smem:$0x3F9D]  }
0x30: {  	s3 =	sld [smem:$0x3FA0]  }
0x31: {  	[smem:$0x3FA9] =	sst s10  }
0x32: {  	s10 =	sld [smem:$0x3FA7];
	_ =	sdelay $0x3  }
0x33: {  	p0 =	seq.s32 s10, $0x1;
	s10 =	sld [smem:$0x3FA9];
	_ =	sdelay $0x3  }
0x34: {  	[smem:$0x3FA9] =	sst s10  }
0x35: {  	s10 =	sld [smem:$0x3FA8];
	_ =	sdelay $0x3  }
0x36: {  	p1 =	seq.s32 s10, $0x1;
	s10 =	sld [smem:$0x3FA9];
	_ =	sdelay $0x3  }
0x37: {  	[smem:$0x3FA9] =	sst s10  }
0x38: {  	s10 =	sld [smem:$0x3FAA]  }
0x39: {  	_ = 	snop;
	(pc) =	sbr.ind lr, $3  }
0x3a: {  	_ = 	snop  }
0x3b: {  	_ = 	snop  }
0x3c: {  	p2 =	seq.s32 s10, $0x1;
	s10 =	sld [smem:$0x3FA9]  }
0x3d: {  	_ =	shalt  }
0x3e: {  	_ =	shalt  }
0x3f: {  	_ =	shalt  }
0x40: {  	_ =	shalt  }
0x41: {  	_ =	shalt  }
0x42: {  	_ =	shalt  }
0x43: {  	_ =	shalt  }
0x44: {  	_ =	shalt  }
0x45: {  	_ =	shalt  }
0x46: {  	_ =	shalt  }
0x47: {  	_ =	shalt  }
0x48: {  	_ =	shalt  }
0x49: {  	_ =	shalt  }
0x4a: {  	_ =	shalt  }
0x4b: {  	_ =	shalt  }
0x4c: {  	_ =	shalt  }
0x4d: {  	_ =	shalt  }
0x4e: {  	_ =	shalt  }
0x4f: {  	_ =	shalt  }
0x50: {  	_ =	shalt  }
0x51: {  	_ =	shalt  }
0x52: {  	_ =	shalt  }
0x53: {  	_ =	shalt  }
0x54: {  	_ =	shalt  }
0x55: {  	_ =	shalt  }
0x56: {  	_ =	shalt  }
0x57: {  	_ =	shalt  }
0x58: {  	_ =	shalt  }
0x59: {  	_ =	shalt  }
0x5a: {  	_ =	shalt  }
0x5b: {  	_ =	shalt  }
0x5c: {  	_ =	shalt  }
0x5d: {  	_ =	shalt  }
0x5e: {  	_ =	shalt  }
0x5f: {  	_ =	shalt  }
0x60: {  	_ =	shalt  }
0x61: {  	_ =	shalt  }
0x62: {  	_ =	shalt  }
0x63: {  	_ =	shalt  }
0x64: {  	_ =	shalt  }
0x65: {  	_ =	shalt  }
0x66: {  	_ =	shalt  }
0x67: {  	_ =	shalt  }
0x68: {  	_ =	shalt  }
0x69: {  	_ =	shalt  }
0x6a: {  	_ =	shalt  }
0x6b: {  	_ =	shalt  }
0x6c: {  	_ =	shalt  }
0x6d: {  	_ =	shalt  }
0x6e: {  	_ =	shalt  }
0x6f: {  	_ =	shalt  }
0x70: {  	_ =	shalt  }
0x71: {  	_ =	shalt  }
0x72: {  	_ =	shalt  }
0x73: {  	_ =	shalt  }
0x74: {  	_ =	shalt  }
0x75: {  	_ =	shalt  }
0x76: {  	_ =	shalt  }
0x77: {  	_ =	shalt  }
0x78: {  	_ =	shalt  }
0x79: {  	_ =	shalt  }
0x7a: {  	_ =	shalt  }
0x7b: {  	_ =	shalt  }
0x7c: {  	_ =	shalt  }
0x7d: {  	_ =	shalt  }
0x7e: {  	_ =	shalt  }
0x7f: {  	_ =	shalt  }
0x80: {  	_ =	shalt  }
0x81: {  	_ =	shalt  }
0x82: {  	_ =	shalt  }
0x83: {  	_ =	shalt  }
0x84: {  	_ =	shalt  }
0x85: {  	_ =	shalt  }
0x86: {  	_ =	shalt  }
0x87: {  	_ =	shalt  }
.Lfunc_end0:
.L_simem_size_0:
called_computation.2_lowered:
.L_overlay_start_0:
0x88: {  	s2 =	sld [smem:$0x3FD9]  }
0x89: {  	s3 =	sld [smem:$0x3FFE];
	_ =	sdelay $0x1  }
0x8a: {  	s1 =	srdreg.scid  }
0x8b: {  	s0 =	sand.u32 $0x1, s1  }
0x8c: {  	s16 =	sshll.u32 s0, $0xA;
	s2 =	sadd.s32 s3, s2  }
0x8d: {  	s2 =	sadd.s32 s2, s16  }
0x8e: {  	[smem:$0x3FB5] =	sst s2  }
0x8f: {  	_ = 	snop  }
0x90: {  	(tm) =	ssettm $0x1  }
0x91: {  	s17 =	sld [smem:$0x3FFB];
	_ =	sdelay $0x3  }
0x92: {  	_ =	strace s17  }
0x93: {  	s2 =	sld [smem:$0x3FFC];
	_ =	sdelay $0x3  }
0x94: {  	_ =	strace s2  }
0x95: {  	s2 =	sld [smem:$0x3FFD];
	_ =	sdelay $0x3  }
0x96: {  	_ =	strace s2  }
0x97: {  	_ =	strace $0x8FFFFFFF  }
0x98: {  	s18 =	sld [smem:$0x3FDB];
	_ =	sdelay $0x1  }
0x99: {  	s19 =	simm.s32 $_scs_section_size  }
0x9a: {  	s4 =	simm.s32 $_size__tile_overlayer_lowered;
	s5 =	simm.s32 $_tile_overlayer_lowered  }
0x9b: {  	s22 =	simm.s32 $0x1BFF;
	s21 =	sshll.u32 s5, $0x1;
	s2 =	sadd.s32 s19, s18  }
0x9c: {  	s6 =	simm.s32 $0x0;
	s20 =	sshll.u32 s4, $0x1;
	s4 =	sadd.s32 s21, s2  }
0x9d: {  	[timem:s6], [sflag:s22] =	dma.local [hbm:s4], s20  }
0x9e: {  	_ =	swait.ge [sflag:s22], s20  }
0x9f: {  	s3 =	ssub.s32 $0x0, s20;
	[sflag:s22] =	ssyncset.done $0x0  }
0xa0: {  	[sflag:s22] =	ssyncadd.s32 s3;
	_ =	sdelay $0x1  }
0xa1: {  	s23 =	simm.s32 $0x1B8B  }
0xa2: {  	_ =	swait.ge [sflag:s23], $0x1  }
0xa3: {  	[sflag:s23] =	ssyncset.done $0x0  }
0xa4: {  	s25 =	simm.s32 $0x1B8E;
	s24 =	sld [smem:$0x3FFE];
	[sflag:s23] =	ssyncadd.s32 $0xFFFFFFFF  }
0xa5: {  	s26 =	simm.s32 $execute0_lowered;
	[smem:$0x3FD2] =	sst s25  }
0xa6: {  	s4 =	sshll.u32 s26, $0x1;
	_ =	strace $0x8000004C;
	[dreg:$0x1] =	wrdreg $0xFFFFFFFF  }
0xa7: {  	s28 =	simm.s32 $_size_execute0_lowered;
	s2 =	sadd.s32 s2, s4;
	[dreg:$0x0] =	wrdreg $0x0  }
0xa8: {  	s4 =	sshll.u32 s28, $0x1;
	[dreg:$0x2] =	wrdreg s2  }
0xa9: {  	[dreg:$0x3] =	wrdreg s4  }
0xaa: {  	[dreg:$0x4] =	wrdreg $0xC0  }
0xab: {  	_ =	task [dreg:s6], $0x5FFFF  }
0xac: {  	[dreg:$0x1] =	wrdreg $0xFFFFFFFF  }
0xad: {  	[dreg:$0x0] =	wrdreg $0x60  }
0xae: {  	[dreg:$0x2] =	wrdreg s24  }
0xaf: {  	[dreg:$0x3] =	wrdreg $0xA8000  }
0xb0: {  	[dreg:$0x4] =	wrdreg $0x9  }
0xb1: {  	_ =	task.clear_ibuf [dreg:s6], $0x5FFFF;
	_ =	strace $0x9000004C  }
0xb2: {  	s29 =	simm.s32 $0x9;
	_ =	strace $0x8000004E  }
0xb3: {  	_ =	swait.ge [sflag:s29], $0x1  }
0xb4: {  	[sflag:s29] =	ssyncadd.s32 $0xFFFFFFFF  }
0xb5: {  	_ =	strace $0x9000004E  }
0xb6: {  	_ =	sfence  }
0xb7: {  	s30 =	sld [smem:$0x0];
	_ =	sdelay $0x2  }
0xb8: {  	s31 =	sshll.u32 s1, $0xD;
	s1 =	sshrl.u32 s1, $0x2  }
0xb9: {  	s3 =	sand.u32 $0x4000, s31;
	s1 =	sadd.s32 s1, s30  }
0xba: {  	s0 =	sor.u32 s3, s0;
	s1 =	sshll.u32 s1, $0x11  }
0xbb: {  	s0 =	sor.u32 s1, s0  }
0xbc: {  	s0 =	sadd.s32 $0x8F2B, s0  }
0xbd: {  	[sflag:s0] =	ssyncadd.remote.s32 $0x1  }
0xbe: {  	_ =	sfence.sel $0xFFFF  }
0xbf: {  	[dreg:$0x0] =	wrdreg $0xFFFFFFFF;
	(pc) =	sbr.abs _section_cstart, $3  }
0xc0: {  	[dreg:$0x1] =	wrdreg $0xFFFFFFFF  }
0xc1: {  	_ =	task.clear_ibuf [dreg:s6], $0x2FFFF;
	_ =	strace $0x9FFFFFFF  }
0xc2: {  	(tm) =	ssettm $0x7FFFFFFF  }
0xc3: {  	_ =	shalt  }
tec
execute0_lowered:
.L_overlay_start_1:
0x0: {  	(tag) =	ssettag $0x1  }
0x1: {  	s0 =	rddreg [dreg:$0x0]  }
0x2: {  	s1 =	rddreg [dreg:$0x1]  }
0x3: {  	s2 =	simm.s32 $0x0;
	s3 =	srdreg.scid;
	s23 =	simm.s32 $0x1  }
0x4: {  	[smem:$0x7FF] =	sst s2;
	s12 =	sand.u32 $0x1, s3;
	s3 =	stileid.u32  }
0x5: {  	s4 =	sadd.s32 $0x12A00, s0;
	s5 =	sadd.s32 $0x72200, s0;
	s6 =	sadd.s32 $0x63200, s0  }
0x6: {  	s7 =	sadd.s32 $0x10200, s0;
	s21 =	sadd.s32 $0x138800, s1;
	s8 =	smul.u32 $0x13C000, s12  }
0x7: {  	_ =	strace $0x8000004D;
	s9 =	smul.u32 $0x13C00, s3;
	s10 =	sshll.u32 s12, $0x4  }
0x8: {  	s11 =	ssub.s32 $0x2, s12;
	p0 =	seq.s32 s12, $0x0;
	s14 =	smul.u32 $0x4E200, s3  }
0x9: {  	s16 =	sor.u32 s3, s12;
	p2 =	sne.s32 s3, $0x0;
	s24 =	sor.u32 s3, s10  }
0xa: {  	s26 =	sshrl.u32 s11, $0x1;
	p1 =	sne.s32 s16, $0x0;
	s21 =	sshrl.u32 @!p2 s21, $0x3  }
0xb: {  	s8 =	sadd.s32 s9, s8;
	s9 =	simm.s32 $0x32;
	s15 =	ssub.s32 s11, s26  }
0xc: {  	s30 =	sshrl.u32 s14, $0x2;
	s18 =	sshrl.u32 @!p1 s1, $0x3;
	s25 =	sshrl.u32 s8, $0x3  }
0xd: {  	s8 =	smul.u32 $0x3C00, s24;
	s9 =	simm.s32 @!p0 $0x6C;
	s12 =	sadd.s32 s30, s1  }
0xe: {  	s14 =	smax.u32 s15, $0x1;
	s15 =	simm.s32 $0x2;
	s24 =	simm.s32 $0x80  }
0xf: {  	s0 =	sadd.s32 s25, s0;
	s31 =	sshll.u32 s9, $0x10;
	s13 =	sshrl.u32 s8, $0x3  }
0x10: {  	s20 =	sshrl.u32 @!p0 s12, $0x3;
	[dreg:$0x3] =	wrdreg s31;
	s28 =	sadd.s32 s5, s13  }
0x11: {  	s29 =	sadd.s32 s6, s13;
	s13 =	sadd.s32 $0x81200, s0;
	s0 =	sshll.u32 @!p1 s3, $0x6  }
0x12: {  	[dreg:$0x4] =	wrdreg s28;
	s17 =	sor.u32 @!p1 $0x1C02, s0;
	s0 =	sshll.u32 @!p0 s3, $0x6  }
0x13: {  	s25 =	simm.s32 $0x0;
	[dreg:$0x5] =	wrdreg s29;
	s19 =	sor.u32 @!p0 $0x1C02, s0  }
.LBB2_1:
0x14: {  	s0 =	rddreg [dreg:$0x4]  }
0x15: {  	[tilespmem:s2], [sflag:$0x2] =	stream.linear.gather [hbm4b:s0+s2], $0x1400, $0x38;
	[tilespmem:$0x1E0C0] =	vst v63  }
0x16: {  	_ =	swait.ge [sflag:s15], $0x1400  }
0x17: {  	[sflag:s15] =	ssyncset.done $0x0  }
0x18: {  	s3 =	simm.s32 $0x1400;
	s22 =	rddreg [dreg:$0x5];
	[sflag:s15] =	ssyncadd.s32 $0xFFFFEC00  }
0x19: {  	[tilespmem:s3], [sflag:$0x2] =	stream.linear.gather [hbm4b:s22+s2], $0x1400, $0x38;
	[tilespmem:$0x1E0C0] =	vst v63  }
0x1a: {  	_ =	swait.ge [sflag:s15], $0x1400  }
0x1b: {  	[sflag:s15] =	ssyncset.done $0x0  }
0x1c: {  	s0 =	simm.s32 @!p1 $0x2;
	[sflag:s15] =	ssyncadd.s32 $0xFFFFEC00  }
0x1d: {  	[spmem:s18], [sflag:s17] =	dma.local @!p1 [hbm:s4], $0x27100  }
0x1e: {  	_ =	swait.ge @!p1 [sflag:s0], $0x27100  }
0x1f: {  	[sflag:s0] =	ssyncset.done @!p1 $0x0  }
0x20: {  	[sflag:s0] =	ssyncadd.s32 @!p1 $0xFFFD8F00;
	s0 =	simm.s32 @!p0 $0x2  }
0x21: {  	[spmem:s20], [sflag:s19] =	dma.local @!p0 [hbm:s7], $0x2710  }
0x22: {  	_ =	swait.ge @!p0 [sflag:s0], $0x2710  }
0x23: {  	[sflag:s0] =	ssyncset.done @!p0 $0x0  }
0x24: {  	[sflag:s0] =	ssyncadd.s32 @!p0 $0xFFFFD8F0;
	s0 =	simm.s32 @!p2 $0x1C02  }
0x25: {  	[spmem:s21], [sflag:s0] =	dma.local @!p2 [hbm:s7], $0x80  }
0x26: {  	s0 =	simm.s32 @!p2 $0x2  }
0x27: {  	_ =	swait.ge @!p2 [sflag:s0], $0x80  }
0x28: {  	[sflag:s0] =	ssyncset.done @!p2 $0x0  }
0x29: {  	s26 =	simm.s32 $0x2800;
	s28 =	simm.s32 $0x1;
	[sflag:s0] =	ssyncadd.s32 @!p2 $0xFFFFFF80  }
0x2a: {  	s29 =	simm.s32 $0x80;
	s30 =	simm.s32 $0x0;
	[bflag:$0x0] =	sbarrier.arrive $0xFFFF  }
0x2b: {  	[tilespmem:s26], [sflag:$0x1] =	stream.indirect.gather [hbm4b:s4+s24], $0x80, s2, s24, $0xb8;
	[tilespmem:$0x1E0C0] =	vst v63  }
0x2c: {  	s31 =	simm.s32 $0x80;
	s0 =	simm.s32 $0x0;
	s26 =	simm.s32 $0x1400  }
.LBB2_2:
0x2d: {  	s3 =	smulhi.u32 $0xCCCCCCCD, s0;
	_ =	sdelay $0x1  }
0x2e: {  	s3 =	sshrl.u32 s3, $0x5  }
0x2f: {  	s22 =	smul.u32 $0x280000, s3;
	_ =	sdelay $0x1  }
0x30: {  	s16 =	smulhi.u32 $0xCCCCCCCD, s28;
	s22 =	sadd.s32 $0x270000, s22  }
0x31: {  	p4 =	slt.u32 s28, s9;
	p3 =	seq.s32 s22, s30  }
0x32: {  	s10 =	simm.s32 $0x1;
	s16 =	sshrl.u32 s16, $0x5;
	p3 =	por !p3, !p4  }
0x33: {  	s16 =	smul.u32 $0xFFFFB000, s16;
	s22 =	simm.s32 $0x1;
	p3 =	por !p3, !p3  }
0x34: {  	s10 =	simm.s32 @!p4 $0x0;
	s22 =	simm.s32 @!p3 $0x0  }
0x35: {  	_ =	swait.ge [sflag:s23], $0x4000;
	s16 =	sshra.s32 s16, $0x2;
	p4 =	seq.s32 s10, s22  }
0x36: {  	s3 =	smul.u32 $0xFFFFB000, s3;
	s10 =	sadd.s32 s16, s29;
	s16 =	sxor.u32 @!p4 $0xFFFFFFFF, s30  }
0x37: {  	s11 =	sand.u32 $0x10000, s30;
	[sflag:s23] =	ssyncset.done $0x0;
	s16 =	sand.u32 @!p4 $0x10000, s16  }
0x38: {  	[sflag:s23] =	ssyncadd.s32 $0xFFFFC000;
	s3 =	sshra.s32 s3, $0x2;
	s16 =	sshrl.u32 @!p4 s16, $0x2  }
0x39: {  	s22 =	sshrl.u32 s11, $0x2;
	s11 =	simm.s32 @!p4 $0x80;
	s16 =	sor.u32 @!p4 $0x2800, s16  }
0x3a: {  	[tilespmem:s16], [sflag:$0x1] =	stream.indirect.gather @!p4 [hbm4b:s4+s11], $0x80, s10, s11, $0xb8;
	[tilespmem:$0x1E0C0] =	vst v63  }
0x3b: {  	s3 =	sadd.s32 s3, s26;
	s16 =	sor.u32 $0x2800, s22  }
0x3c: {  	[spmem:s1] =	stream.indirect.scatter.add.f32 [tilespmem:s16], [sflag:$0x2], $0x80, s3, s24, $0xb8;
	[tilespmem:$0x1E0C0] =	vst v63  }
0x3d: {  	s3 =	sand.u32 @p3 $0x7FFFFC00, s31  }
0x3e: {  	_ =	swait.ge [sflag:s15], $0x4000;
	s3 =	sadd.s32 @p3 s8, s3  }
0x3f: {  	[sflag:s15] =	ssyncset.done $0x0;
	s3 =	sshrl.u32 @p3 s3, $0x3  }
0x40: {  	s11 =	simm.s32 @p3 $0x0;
	[sflag:s15] =	ssyncadd.s32 $0xFFFFC000;
	s10 =	sadd.s32 @p3 s5, s3  }
0x41: {  	[tilespmem:s11], [sflag:$0x2] =	stream.linear.gather @p3 [hbm4b:s10+s11], $0x1400, $0x38;
	[tilespmem:$0x1E0C0] =	vst v63  }
0x42: {  	s10 =	simm.s32 @p3 $0x2  }
0x43: {  	_ =	swait.ge @p3 [sflag:s10], $0x1400  }
0x44: {  	[sflag:s10] =	ssyncset.done @p3 $0x0  }
0x45: {  	s16 =	simm.s32 @p3 $0x1400;
	s3 =	sadd.s32 @p3 s6, s3;
	[sflag:s10] =	ssyncadd.s32 @p3 $0xFFFFEC00  }
0x46: {  	[tilespmem:s16], [sflag:$0x2] =	stream.linear.gather @p3 [hbm4b:s3+s11], $0x1400, $0x38;
	[tilespmem:$0x1E0C0] =	vst v63  }
0x47: {  	s3 =	sxor.u32 @p3 $0xFFFFFFFF, s30  }
0x48: {  	s30 =	sadd.s32 $0x10000, s30;
	_ =	swait.ge @p3 [sflag:s10], $0x1400;
	s3 =	sand.u32 @p3 $0x10000, s3  }
0x49: {  	[sflag:s10] =	ssyncset.done @p3 $0x0;
	s3 =	sshrl.u32 @p3 s3, $0x2;
	s22 =	rddreg [dreg:$0x3]  }
0x4a: {  	[sflag:s10] =	ssyncadd.s32 @p3 $0xFFFFEC00;
	s3 =	sor.u32 @p3 $0x2800, s3;
	s10 =	simm.s32 @p3 $0x80  }
0x4b: {  	[tilespmem:s3], [sflag:$0x1] =	stream.indirect.gather @p3 [hbm4b:s4+s10], $0x80, s11, s10, $0xb8;
	[tilespmem:$0x1E0C0] =	vst v63  }
0x4c: {  	p3 =	sne.s32 s22, s30  }
.Ltmp0:
0x4d: {  	_ = 	snop;
	(pc) =	sbr.rel @p3 .LBB2_2-.Ltmp0, $3  }
0x4e: {  	_ =	sdelay $0x1  }
0x4f: {  	s28 =	sadd.s32 $0x1, s28;
	s0 =	sadd.s32 $0x1, s0  }
0x50: {  	s26 =	sadd.s32 $0x80, s26;
	s29 =	sadd.s32 $0x80, s29;
	s31 =	sadd.s32 $0x80, s31  }
0x51: {  	s0 =	stileid.u32;
	s25 =	sadd.s32 $0x1, s25  }
0x52: {  	[bflag:$0x0] =	sbarrier.arrive $0xFFFF;
	s0 =	sshll.u32 s0, $0x6;
	p3 =	sne.s32 s25, s14  }
.Ltmp1:
0x53: {  	s3 =	sshrl.u32 s12, $0x3;
	s0 =	sor.u32 $0x1C02, s0;
	(pc) =	sbr.rel @p3 .LBB2_1-.Ltmp1, $4  }
0x54: {  	[hbm:s13], [sflag:s0] =	dma.local [spmem:s3], $0x2710  }
0x55: {  	_ =	swait.ge [sflag:s15], $0x2710  }
0x56: {  	[sflag:s15] =	ssyncset.done $0x0  }
0x57: {  	[sflag:s15] =	ssyncadd.s32 $0xFFFFD8F0  }
0x58: {  	_ =	sfence.sel $0x180000  }
0x59: {  	[bflag:$0x0] =	sbarrier.arrive $0xFFFF  }
0x5a: {  	_ =	strace $0x9000004D  }
0x5b: {  	[bflag:$0x2] =	sbarrier.arrive $0xFFFF  }
0x5c: {  	s0 =	rddreg [dreg:$0x2]  }
0x5d: {  	s0 =	sadd.s32 @!p2 $0x100000, s0  }
0x5e: {  	[sflag:s0] =	ssyncadd.tile.s32 @!p2 $0x1;
	_ =	shalt  }
.Lfunc_end2:
_tile_overlayer_lowered:
.L_overlay_start_2:
0x5f: {  	(tag) =	ssettag $0x2  }
0x60: {  	s0 =	rddreg [dreg:$0x0];
	s2 =	stileid.u32  }
0x61: {  	s1 =	rddreg [dreg:$0x1];
	p0 =	sne.s32 s2, $0x0  }
0x62: {  	s3 =	rddreg [dreg:$0x2];
	[bflag:$0x3] =	sbarrier.arrive $0xFFFF;
	s2 =	simm.s32 @!p0 $0x1C02  }
0x63: {  	[timem:s3], [sflag:s2] =	dma.local @!p0 [hbm:s0], s1  }
0x64: {  	s0 =	simm.s32 @!p0 $0x2  }
0x65: {  	_ =	swait.ge @!p0 [sflag:s0], s1  }
0x66: {  	s1 =	ssub.s32 @!p0 $0x0, s1;
	[sflag:s0] =	ssyncset.done @!p0 $0x0  }
0x67: {  	[sflag:s0] =	ssyncadd.s32 @!p0 s1  }
0x68: {  	[bflag:$0x3] =	sbarrier.arrive $0xFFFF  }
0x69: {  	_ =	shalt  }

// kernel: kernel.22.cloned.1.call-start
scs
__scs_entry_jumppad:
0x0: {  	(pc) =	sbr.rel $0x88, $3  }
0x1: {  	(tag) =	ssettag $0x0;
	lr =	simm.s32 $0x1  }
0x2: {  	[smem:$0x3F8E] =	sst lr;
	_ =	strace $0xD0000000  }
0x3: {  	_ = 	snop  }
0x4: {  	_ = 	snop  }
0x5: {  	_ = 	snop  }
0x6: {  	_ = 	snop  }
0x7: {  	_ = 	snop  }
__scs_overlays_trampoline_lowered:
0x8: {  	[smem:$0x3F9D] =	sst s0  }
0x9: {  	[smem:$0x3F9E] =	sst s1  }
0xa: {  	[smem:$0x3F9F] =	sst s2  }
0xb: {  	[smem:$0x3FA0] =	sst s3  }
0xc: {  	[smem:$0x3FA1] =	sst s4  }
0xd: {  	[smem:$0x3FA2] =	sst s5  }
0xe: {  	[smem:$0x3FA3] =	sst s6  }
0xf: {  	[smem:$0x3FA4] =	sst s7  }
0x10: {  	[smem:$0x3FA5] =	sst s8  }
0x11: {  	[smem:$0x3FA6] =	sst s9;
	s0 =	simm.s32 @!p0 $0x0  }
0x12: {  	s1 =	sld [smem:$0x3F8C];
	s0 =	simm.s32 @p0 $0x1  }
0x13: {  	[smem:$0x3FA7] =	sst s0;
	s0 =	simm.s32 @!p1 $0x0  }
0x14: {  	s2 =	sld [smem:$0x3F8B];
	s0 =	simm.s32 @p1 $0x1  }
0x15: {  	[smem:$0x3FA8] =	sst s0;
	s0 =	simm.s32 @!p2 $0x0  }
0x16: {  	s3 =	sld [smem:$0x3FDB];
	s0 =	simm.s32 @p2 $0x1  }
0x17: {  	s4 =	simm.s32 $0x1BF5;
	[smem:$0x3FAA] =	sst s0  }
0x18: {  	s0 =	sld [smem:$0x3F8D];
	_ =	swait.ge [sflag:s4], $0x0  }
0x19: {  	s7 =	sld [smem:$0x3F8E]  }
0x1a: {  	s8 =	sadd.s32 $0xFFFFE003, lr  }
0x1b: {  	s9 =	sadd.s32 $0xFFFFFEF7, lr;
	s5 =	simm.s32 $0xFFFFFFFF;
	p2 =	slt.u32 s8, $0xFFFFF086  }
0x1c: {  	p1 =	slt.u32 s9, $0xF7A;
	s5 =	simm.s32 @!p2 $0x0  }
0x1d: {  	s5 =	simm.s32 @p1 $0x1;
	p0 =	seq.s32 s7, s2  }
0x1e: {  	s7 =	smul.u32 @!p0 $0xF7A, s2;
	p2 =	seq.s32 @!p0 s5, $0x0  }
0x1f: {  	s9 =	smul.u32 $0xF7A, s1;
	s8 =	simm.s32 @!p0 $0x1BF5;
	p2 =	por !p2, p0  }
0x20: {  	[sflag:s8] =	ssyncset.s32 @!p0 $0xFFFFF086;
	s6 =	sadd.s32 @!p0 s3, s7;
	s7 =	simm.s32 @!p0 $0x108  }
0x21: {  	s3 =	sadd.s32 s3, s9;
	s6 =	sadd.s32 @!p0 $0x88, s6;
	s7 =	simm.s32 @p2 $0x1082  }
0x22: {  	[simem:s7], [sflag:s8] =	dma.local @!p0 [hbm:s6], $0xF7A  }
0x23: {  	s9 =	sor.u32 $0xD0000000, s2;
	s6 =	simm.s32 $0x108;
	_ =	swait.ge @!p0 [sflag:s8], $0x0  }
0x24: {  	s3 =	sadd.s32 $0x88, s3;
	s6 =	simm.s32 @!p1 $0x1082;
	[sflag:s4] =	ssyncset.s32 $0xFFFFF086  }
0x25: {  	[simem:s6], [sflag:s4] =	dma.local [hbm:s3], $0xF7A  }
0x26: {  	[smem:$0x3F8E] =	sst s1;
	(tag) =	ssettag s2;
	_ =	strace s9  }
0x27: {  	s1 =	sld [smem:$0x3F9E]  }
0x28: {  	s2 =	sld [smem:$0x3F9F]  }
0x29: {  	s4 =	sld [smem:$0x3FA1]  }
0x2a: {  	p0 =	seq.s32 s5, $0x0;
	s5 =	sld [smem:$0x3FA2]  }
0x2b: {  	s6 =	sld [smem:$0x3FA3]  }
0x2c: {  	s7 =	sld [smem:$0x3FA4]  }
0x2d: {  	s3 =	simm.s32 $0x108;
	s8 =	sld [smem:$0x3FA5]  }
0x2e: {  	s3 =	simm.s32 @!p0 $0x1082;
	s9 =	sld [smem:$0x3FA6]  }
0x2f: {  	lr =	sadd.s32 s0, s3;
	s0 =	sld [smem:$0x3F9D]  }
0x30: {  	s3 =	sld [smem:$0x3FA0]  }
0x31: {  	[smem:$0x3FA9] =	sst s10  }
0x32: {  	s10 =	sld [smem:$0x3FA7];
	_ =	sdelay $0x3  }
0x33: {  	p0 =	seq.s32 s10, $0x1;
	s10 =	sld [smem:$0x3FA9];
	_ =	sdelay $0x3  }
0x34: {  	[smem:$0x3FA9] =	sst s10  }
0x35: {  	s10 =	sld [smem:$0x3FA8];
	_ =	sdelay $0x3  }
0x36: {  	p1 =	seq.s32 s10, $0x1;
	s10 =	sld [smem:$0x3FA9];
	_ =	sdelay $0x3  }
0x37: {  	[smem:$0x3FA9] =	sst s10  }
0x38: {  	s10 =	sld [smem:$0x3FAA]  }
0x39: {  	_ = 	snop;
	(pc) =	sbr.ind lr, $3  }
0x3a: {  	_ = 	snop  }
0x3b: {  	_ = 	snop  }
0x3c: {  	p2 =	seq.s32 s10, $0x1;
	s10 =	sld [smem:$0x3FA9]  }
0x3d: {  	_ =	shalt  }
0x3e: {  	_ =	shalt  }
0x3f: {  	_ =	shalt  }
0x40: {  	_ =	shalt  }
0x41: {  	_ =	shalt  }
0x42: {  	_ =	shalt  }
0x43: {  	_ =	shalt  }
0x44: {  	_ =	shalt  }
0x45: {  	_ =	shalt  }
0x46: {  	_ =	shalt  }
0x47: {  	_ =	shalt  }
0x48: {  	_ =	shalt  }
0x49: {  	_ =	shalt  }
0x4a: {  	_ =	shalt  }
0x4b: {  	_ =	shalt  }
0x4c: {  	_ =	shalt  }
0x4d: {  	_ =	shalt  }
0x4e: {  	_ =	shalt  }
0x4f: {  	_ =	shalt  }
0x50: {  	_ =	shalt  }
0x51: {  	_ =	shalt  }
0x52: {  	_ =	shalt  }
0x53: {  	_ =	shalt  }
0x54: {  	_ =	shalt  }
0x55: {  	_ =	shalt  }
0x56: {  	_ =	shalt  }
0x57: {  	_ =	shalt  }
0x58: {  	_ =	shalt  }
0x59: {  	_ =	shalt  }
0x5a: {  	_ =	shalt  }
0x5b: {  	_ =	shalt  }
0x5c: {  	_ =	shalt  }
0x5d: {  	_ =	shalt  }
0x5e: {  	_ =	shalt  }
0x5f: {  	_ =	shalt  }
0x60: {  	_ =	shalt  }
0x61: {  	_ =	shalt  }
0x62: {  	_ =	shalt  }
0x63: {  	_ =	shalt  }
0x64: {  	_ =	shalt  }
0x65: {  	_ =	shalt  }
0x66: {  	_ =	shalt  }
0x67: {  	_ =	shalt  }
0x68: {  	_ =	shalt  }
0x69: {  	_ =	shalt  }
0x6a: {  	_ =	shalt  }
0x6b: {  	_ =	shalt  }
0x6c: {  	_ =	shalt  }
0x6d: {  	_ =	shalt  }
0x6e: {  	_ =	shalt  }
0x6f: {  	_ =	shalt  }
0x70: {  	_ =	shalt  }
0x71: {  	_ =	shalt  }
0x72: {  	_ =	shalt  }
0x73: {  	_ =	shalt  }
0x74: {  	_ =	shalt  }
0x75: {  	_ =	shalt  }
0x76: {  	_ =	shalt  }
0x77: {  	_ =	shalt  }
0x78: {  	_ =	shalt  }
0x79: {  	_ =	shalt  }
0x7a: {  	_ =	shalt  }
0x7b: {  	_ =	shalt  }
0x7c: {  	_ =	shalt  }
0x7d: {  	_ =	shalt  }
0x7e: {  	_ =	shalt  }
0x7f: {  	_ =	shalt  }
0x80: {  	_ =	shalt  }
0x81: {  	_ =	shalt  }
0x82: {  	_ =	shalt  }
0x83: {  	_ =	shalt  }
0x84: {  	_ =	shalt  }
0x85: {  	_ =	shalt  }
0x86: {  	_ =	shalt  }
0x87: {  	_ =	shalt  }
.Lfunc_end0:
.L_simem_size_0:
called_computation.3_lowered:
.L_overlay_start_0:
0x88: {  	s2 =	sld [smem:$0x3FD9]  }
0x89: {  	s3 =	sld [smem:$0x3FFE];
	_ =	sdelay $0x1  }
0x8a: {  	s1 =	srdreg.scid  }
0x8b: {  	s0 =	sand.u32 $0x1, s1  }
0x8c: {  	s16 =	sshll.u32 s0, $0xA;
	s2 =	sadd.s32 s3, s2  }
0x8d: {  	s2 =	sadd.s32 s2, s16  }
0x8e: {  	[smem:$0x3FB5] =	sst s2  }
0x8f: {  	_ = 	snop  }
0x90: {  	(tm) =	ssettm $0x1  }
0x91: {  	s17 =	sld [smem:$0x3FFB];
	_ =	sdelay $0x3  }
0x92: {  	_ =	strace s17  }
0x93: {  	s2 =	sld [smem:$0x3FFC];
	_ =	sdelay $0x3  }
0x94: {  	_ =	strace s2  }
0x95: {  	s2 =	sld [smem:$0x3FFD];
	_ =	sdelay $0x3  }
0x96: {  	_ =	strace s2  }
0x97: {  	_ =	strace $0x8FFFFFFF  }
0x98: {  	s18 =	sld [smem:$0x3FDB];
	_ =	sdelay $0x1  }
0x99: {  	s19 =	simm.s32 $_scs_section_size  }
0x9a: {  	s4 =	simm.s32 $_size__tile_overlayer_lowered;
	s5 =	simm.s32 $_tile_overlayer_lowered  }
0x9b: {  	s22 =	simm.s32 $0x1BFF;
	s21 =	sshll.u32 s5, $0x1;
	s2 =	sadd.s32 s19, s18  }
0x9c: {  	s6 =	simm.s32 $0x0;
	s20 =	sshll.u32 s4, $0x1;
	s4 =	sadd.s32 s21, s2  }
0x9d: {  	[timem:s6], [sflag:s22] =	dma.local [hbm:s4], s20  }
0x9e: {  	_ =	swait.ge [sflag:s22], s20  }
0x9f: {  	s3 =	ssub.s32 $0x0, s20;
	[sflag:s22] =	ssyncset.done $0x0  }
0xa0: {  	[sflag:s22] =	ssyncadd.s32 s3;
	_ =	sdelay $0x1  }
0xa1: {  	s23 =	simm.s32 $0x1B8B  }
0xa2: {  	_ =	swait.ge [sflag:s23], $0x1  }
0xa3: {  	[sflag:s23] =	ssyncset.done $0x0  }
0xa4: {  	s25 =	simm.s32 $0x1B8E;
	s24 =	sld [smem:$0x3FFE];
	[sflag:s23] =	ssyncadd.s32 $0xFFFFFFFF  }
0xa5: {  	s26 =	simm.s32 $execute0_lowered;
	[smem:$0x3FD2] =	sst s25  }
0xa6: {  	s4 =	sshll.u32 s26, $0x1;
	_ =	strace $0x8000004F;
	[dreg:$0x1] =	wrdreg $0xFFFFFFFF  }
0xa7: {  	s28 =	simm.s32 $_size_execute0_lowered;
	s2 =	sadd.s32 s2, s4;
	[dreg:$0x0] =	wrdreg $0x0  }
0xa8: {  	s4 =	sshll.u32 s28, $0x1;
	[dreg:$0x2] =	wrdreg s2  }
0xa9: {  	[dreg:$0x3] =	wrdreg s4  }
0xaa: {  	[dreg:$0x4] =	wrdreg $0xC0  }
0xab: {  	_ =	task [dreg:s6], $0x5FFFF  }
0xac: {  	[dreg:$0x1] =	wrdreg $0xFFFFFFFF  }
0xad: {  	[dreg:$0x0] =	wrdreg $0x60  }
0xae: {  	[dreg:$0x2] =	wrdreg s24  }
0xaf: {  	[dreg:$0x3] =	wrdreg $0xA8000  }
0xb0: {  	[dreg:$0x4] =	wrdreg $0x9  }
0xb1: {  	_ =	task.clear_ibuf [dreg:s6], $0x5FFFF;
	_ =	strace $0x9000004F  }
0xb2: {  	s29 =	simm.s32 $0x9;
	_ =	strace $0x80000051  }
0xb3: {  	_ =	swait.ge [sflag:s29], $0x1  }
0xb4: {  	[sflag:s29] =	ssyncadd.s32 $0xFFFFFFFF  }
0xb5: {  	_ =	strace $0x90000051  }
0xb6: {  	_ =	sfence  }
0xb7: {  	s30 =	sld [smem:$0x0];
	_ =	sdelay $0x2  }
0xb8: {  	s31 =	sshll.u32 s1, $0xD;
	s1 =	sshrl.u32 s1, $0x2  }
0xb9: {  	s3 =	sand.u32 $0x4000, s31;
	s1 =	sadd.s32 s1, s30  }
0xba: {  	s0 =	sor.u32 s3, s0;
	s1 =	sshll.u32 s1, $0x11  }
0xbb: {  	s0 =	sor.u32 s1, s0  }
0xbc: {  	s0 =	sadd.s32 $0x8F2B, s0  }
0xbd: {  	[sflag:s0] =	ssyncadd.remote.s32 $0x1  }
0xbe: {  	_ =	sfence.sel $0xFFFF  }
0xbf: {  	[dreg:$0x0] =	wrdreg $0xFFFFFFFF;
	(pc) =	sbr.abs _section_cstart, $3  }
0xc0: {  	[dreg:$0x1] =	wrdreg $0xFFFFFFFF  }
0xc1: {  	_ =	task.clear_ibuf [dreg:s6], $0x2FFFF;
	_ =	strace $0x9FFFFFFF  }
0xc2: {  	(tm) =	ssettm $0x7FFFFFFF  }
0xc3: {  	_ =	shalt  }
tec
execute0_lowered:
.L_overlay_start_1:
0x0: {  	(tag) =	ssettag $0x1  }
0x1: {  	s0 =	rddreg [dreg:$0x0]  }
0x2: {  	s1 =	rddreg [dreg:$0x1]  }
0x3: {  	s2 =	simm.s32 $0x0;
	s3 =	srdreg.scid;
	s23 =	simm.s32 $0x1  }
0x4: {  	[smem:$0x7FF] =	sst s2;
	s12 =	sand.u32 $0x1, s3;
	s3 =	stileid.u32  }
0x5: {  	s4 =	sadd.s32 $0x12A00, s0;
	s5 =	sadd.s32 $0x72200, s0;
	s6 =	sadd.s32 $0x63200, s0  }
0x6: {  	s7 =	sadd.s32 $0x10200, s0;
	s21 =	sadd.s32 $0x138800, s1;
	s8 =	smul.u32 $0x13C000, s12  }
0x7: {  	_ =	strace $0x80000050;
	s9 =	smul.u32 $0x13C00, s3;
	s10 =	sshll.u32 s12, $0x4  }
0x8: {  	s11 =	ssub.s32 $0x2, s12;
	p0 =	seq.s32 s12, $0x0;
	s14 =	smul.u32 $0x4E200, s3  }
0x9: {  	s16 =	sor.u32 s3, s12;
	p2 =	sne.s32 s3, $0x0;
	s24 =	sor.u32 s3, s10  }
0xa: {  	s26 =	sshrl.u32 s11, $0x1;
	p1 =	sne.s32 s16, $0x0;
	s21 =	sshrl.u32 @!p2 s21, $0x3  }
0xb: {  	s8 =	sadd.s32 s9, s8;
	s9 =	simm.s32 $0x32;
	s15 =	ssub.s32 s11, s26  }
0xc: {  	s30 =	sshrl.u32 s14, $0x2;
	s18 =	sshrl.u32 @!p1 s1, $0x3;
	s25 =	sshrl.u32 s8, $0x3  }
0xd: {  	s8 =	smul.u32 $0x3C00, s24;
	s9 =	simm.s32 @!p0 $0x6C;
	s12 =	sadd.s32 s30, s1  }
0xe: {  	s14 =	smax.u32 s15, $0x1;
	s15 =	simm.s32 $0x2;
	s24 =	simm.s32 $0x80  }
0xf: {  	s0 =	sadd.s32 s25, s0;
	s31 =	sshll.u32 s9, $0x10;
	s13 =	sshrl.u32 s8, $0x3  }
0x10: {  	s20 =	sshrl.u32 @!p0 s12, $0x3;
	[dreg:$0x3] =	wrdreg s31;
	s28 =	sadd.s32 s5, s13  }
0x11: {  	s29 =	sadd.s32 s6, s13;
	s13 =	sadd.s32 $0x81200, s0;
	s0 =	sshll.u32 @!p1 s3, $0x6  }
0x12: {  	[dreg:$0x4] =	wrdreg s28;
	s17 =	sor.u32 @!p1 $0x1C02, s0;
	s0 =	sshll.u32 @!p0 s3, $0x6  }
0x13: {  	s25 =	simm.s32 $0x0;
	[dreg:$0x5] =	wrdreg s29;
	s19 =	sor.u32 @!p0 $0x1C02, s0  }
.LBB2_1:
0x14: {  	s0 =	rddreg [dreg:$0x4]  }
0x15: {  	[tilespmem:s2], [sflag:$0x2] =	stream.linear.gather [hbm4b:s0+s2], $0x1400, $0x38;
	[tilespmem:$0x1E0C0] =	vst v63  }
0x16: {  	_ =	swait.ge [sflag:s15], $0x1400  }
0x17: {  	[sflag:s15] =	ssyncset.done $0x0  }
0x18: {  	s3 =	simm.s32 $0x1400;
	s22 =	rddreg [dreg:$0x5];
	[sflag:s15] =	ssyncadd.s32 $0xFFFFEC00  }
0x19: {  	[tilespmem:s3], [sflag:$0x2] =	stream.linear.gather [hbm4b:s22+s2], $0x1400, $0x38;
	[tilespmem:$0x1E0C0] =	vst v63  }
0x1a: {  	_ =	swait.ge [sflag:s15], $0x1400  }
0x1b: {  	[sflag:s15] =	ssyncset.done $0x0  }
0x1c: {  	s0 =	simm.s32 @!p1 $0x2;
	[sflag:s15] =	ssyncadd.s32 $0xFFFFEC00  }
0x1d: {  	[spmem:s18], [sflag:s17] =	dma.local @!p1 [hbm:s4], $0x27100  }
0x1e: {  	_ =	swait.ge @!p1 [sflag:s0], $0x27100  }
0x1f: {  	[sflag:s0] =	ssyncset.done @!p1 $0x0  }
0x20: {  	[sflag:s0] =	ssyncadd.s32 @!p1 $0xFFFD8F00;
	s0 =	simm.s32 @!p0 $0x2  }
0x21: {  	[spmem:s20], [sflag:s19] =	dma.local @!p0 [hbm:s7], $0x2710  }
0x22: {  	_ =	swait.ge @!p0 [sflag:s0], $0x2710  }
0x23: {  	[sflag:s0] =	ssyncset.done @!p0 $0x0  }
0x24: {  	[sflag:s0] =	ssyncadd.s32 @!p0 $0xFFFFD8F0;
	s0 =	simm.s32 @!p2 $0x1C02  }
0x25: {  	[spmem:s21], [sflag:s0] =	dma.local @!p2 [hbm:s7], $0x80  }
0x26: {  	s0 =	simm.s32 @!p2 $0x2  }
0x27: {  	_ =	swait.ge @!p2 [sflag:s0], $0x80  }
0x28: {  	[sflag:s0] =	ssyncset.done @!p2 $0x0  }
0x29: {  	s26 =	simm.s32 $0x2800;
	s28 =	simm.s32 $0x1;
	[sflag:s0] =	ssyncadd.s32 @!p2 $0xFFFFFF80  }
0x2a: {  	s29 =	simm.s32 $0x80;
	s30 =	simm.s32 $0x0;
	[bflag:$0x0] =	sbarrier.arrive $0xFFFF  }
0x2b: {  	[tilespmem:s26], [sflag:$0x1] =	stream.indirect.gather [hbm4b:s4+s24], $0x80, s2, s24, $0xb8;
	[tilespmem:$0x1E0C0] =	vst v63  }
0x2c: {  	s31 =	simm.s32 $0x80;
	s0 =	simm.s32 $0x0;
	s26 =	simm.s32 $0x1400  }
.LBB2_2:
0x2d: {  	s3 =	smulhi.u32 $0xCCCCCCCD, s0;
	_ =	sdelay $0x1  }
0x2e: {  	s3 =	sshrl.u32 s3, $0x5  }
0x2f: {  	s22 =	smul.u32 $0x280000, s3;
	_ =	sdelay $0x1  }
0x30: {  	s16 =	smulhi.u32 $0xCCCCCCCD, s28;
	s22 =	sadd.s32 $0x270000, s22  }
0x31: {  	p4 =	slt.u32 s28, s9;
	p3 =	seq.s32 s22, s30  }
0x32: {  	s10 =	simm.s32 $0x1;
	s16 =	sshrl.u32 s16, $0x5;
	p3 =	por !p3, !p4  }
0x33: {  	s16 =	smul.u32 $0xFFFFB000, s16;
	s22 =	simm.s32 $0x1;
	p3 =	por !p3, !p3  }
0x34: {  	s10 =	simm.s32 @!p4 $0x0;
	s22 =	simm.s32 @!p3 $0x0  }
0x35: {  	_ =	swait.ge [sflag:s23], $0x4000;
	s16 =	sshra.s32 s16, $0x2;
	p4 =	seq.s32 s10, s22  }
0x36: {  	s3 =	smul.u32 $0xFFFFB000, s3;
	s10 =	sadd.s32 s16, s29;
	s16 =	sxor.u32 @!p4 $0xFFFFFFFF, s30  }
0x37: {  	s11 =	sand.u32 $0x10000, s30;
	[sflag:s23] =	ssyncset.done $0x0;
	s16 =	sand.u32 @!p4 $0x10000, s16  }
0x38: {  	[sflag:s23] =	ssyncadd.s32 $0xFFFFC000;
	s3 =	sshra.s32 s3, $0x2;
	s16 =	sshrl.u32 @!p4 s16, $0x2  }
0x39: {  	s22 =	sshrl.u32 s11, $0x2;
	s11 =	simm.s32 @!p4 $0x80;
	s16 =	sor.u32 @!p4 $0x2800, s16  }
0x3a: {  	[tilespmem:s16], [sflag:$0x1] =	stream.indirect.gather @!p4 [hbm4b:s4+s11], $0x80, s10, s11, $0xb8;
	[tilespmem:$0x1E0C0] =	vst v63  }
0x3b: {  	s3 =	sadd.s32 s3, s26;
	s16 =	sor.u32 $0x2800, s22  }
0x3c: {  	[spmem:s1] =	stream.indirect.scatter.add.f32 [tilespmem:s16], [sflag:$0x2], $0x80, s3, s24, $0xb8;
	[tilespmem:$0x1E0C0] =	vst v63  }
0x3d: {  	s3 =	sand.u32 @p3 $0x7FFFFC00, s31  }
0x3e: {  	_ =	swait.ge [sflag:s15], $0x4000;
	s3 =	sadd.s32 @p3 s8, s3  }
0x3f: {  	[sflag:s15] =	ssyncset.done $0x0;
	s3 =	sshrl.u32 @p3 s3, $0x3  }
0x40: {  	s11 =	simm.s32 @p3 $0x0;
	[sflag:s15] =	ssyncadd.s32 $0xFFFFC000;
	s10 =	sadd.s32 @p3 s5, s3  }
0x41: {  	[tilespmem:s11], [sflag:$0x2] =	stream.linear.gather @p3 [hbm4b:s10+s11], $0x1400, $0x38;
	[tilespmem:$0x1E0C0] =	vst v63  }
0x42: {  	s10 =	simm.s32 @p3 $0x2  }
0x43: {  	_ =	swait.ge @p3 [sflag:s10], $0x1400  }
0x44: {  	[sflag:s10] =	ssyncset.done @p3 $0x0  }
0x45: {  	s16 =	simm.s32 @p3 $0x1400;
	s3 =	sadd.s32 @p3 s6, s3;
	[sflag:s10] =	ssyncadd.s32 @p3 $0xFFFFEC00  }
0x46: {  	[tilespmem:s16], [sflag:$0x2] =	stream.linear.gather @p3 [hbm4b:s3+s11], $0x1400, $0x38;
	[tilespmem:$0x1E0C0] =	vst v63  }
0x47: {  	s3 =	sxor.u32 @p3 $0xFFFFFFFF, s30  }
0x48: {  	s30 =	sadd.s32 $0x10000, s30;
	_ =	swait.ge @p3 [sflag:s10], $0x1400;
	s3 =	sand.u32 @p3 $0x10000, s3  }
0x49: {  	[sflag:s10] =	ssyncset.done @p3 $0x0;
	s3 =	sshrl.u32 @p3 s3, $0x2;
	s22 =	rddreg [dreg:$0x3]  }
0x4a: {  	[sflag:s10] =	ssyncadd.s32 @p3 $0xFFFFEC00;
	s3 =	sor.u32 @p3 $0x2800, s3;
	s10 =	simm.s32 @p3 $0x80  }
0x4b: {  	[tilespmem:s3], [sflag:$0x1] =	stream.indirect.gather @p3 [hbm4b:s4+s10], $0x80, s11, s10, $0xb8;
	[tilespmem:$0x1E0C0] =	vst v63  }
0x4c: {  	p3 =	sne.s32 s22, s30  }
.Ltmp0:
0x4d: {  	_ = 	snop;
	(pc) =	sbr.rel @p3 .LBB2_2-.Ltmp0, $3  }
0x4e: {  	_ =	sdelay $0x1  }
0x4f: {  	s28 =	sadd.s32 $0x1, s28;
	s0 =	sadd.s32 $0x1, s0  }
0x50: {  	s26 =	sadd.s32 $0x80, s26;
	s29 =	sadd.s32 $0x80, s29;
	s31 =	sadd.s32 $0x80, s31  }
0x51: {  	s0 =	stileid.u32;
	s25 =	sadd.s32 $0x1, s25  }
0x52: {  	[bflag:$0x0] =	sbarrier.arrive $0xFFFF;
	s0 =	sshll.u32 s0, $0x6;
	p3 =	sne.s32 s25, s14  }
.Ltmp1:
0x53: {  	s3 =	sshrl.u32 s12, $0x3;
	s0 =	sor.u32 $0x1C02, s0;
	(pc) =	sbr.rel @p3 .LBB2_1-.Ltmp1, $4  }
0x54: {  	[hbm:s13], [sflag:s0] =	dma.local [spmem:s3], $0x2710  }
0x55: {  	_ =	swait.ge [sflag:s15], $0x2710  }
0x56: {  	[sflag:s15] =	ssyncset.done $0x0  }
0x57: {  	[sflag:s15] =	ssyncadd.s32 $0xFFFFD8F0  }
0x58: {  	_ =	sfence.sel $0x180000  }
0x59: {  	[bflag:$0x0] =	sbarrier.arrive $0xFFFF  }
0x5a: {  	_ =	strace $0x90000050  }
0x5b: {  	[bflag:$0x2] =	sbarrier.arrive $0xFFFF  }
0x5c: {  	s0 =	rddreg [dreg:$0x2]  }
0x5d: {  	s0 =	sadd.s32 @!p2 $0x100000, s0  }
0x5e: {  	[sflag:s0] =	ssyncadd.tile.s32 @!p2 $0x1;
	_ =	shalt  }
.Lfunc_end2:
_tile_overlayer_lowered:
.L_overlay_start_2:
0x5f: {  	(tag) =	ssettag $0x2  }
0x60: {  	s0 =	rddreg [dreg:$0x0];
	s2 =	stileid.u32  }
0x61: {  	s1 =	rddreg [dreg:$0x1];
	p0 =	sne.s32 s2, $0x0  }
0x62: {  	s3 =	rddreg [dreg:$0x2];
	[bflag:$0x3] =	sbarrier.arrive $0xFFFF;
	s2 =	simm.s32 @!p0 $0x1C02  }
0x63: {  	[timem:s3], [sflag:s2] =	dma.local @!p0 [hbm:s0], s1  }
0x64: {  	s0 =	simm.s32 @!p0 $0x2  }
0x65: {  	_ =	swait.ge @!p0 [sflag:s0], s1  }
0x66: {  	s1 =	ssub.s32 @!p0 $0x0, s1;
	[sflag:s0] =	ssyncset.done @!p0 $0x0  }
0x67: {  	[sflag:s0] =	ssyncadd.s32 @!p0 s1  }
0x68: {  	[bflag:$0x3] =	sbarrier.arrive $0xFFFF  }
0x69: {  	_ =	shalt  }

// kernel: kernel.25.cloned.1.call-start
scs
__scs_entry_jumppad:
0x0: {  	(pc) =	sbr.rel $0x88, $3  }
0x1: {  	(tag) =	ssettag $0x0;
	lr =	simm.s32 $0x1  }
0x2: {  	[smem:$0x3F8E] =	sst lr;
	_ =	strace $0xD0000000  }
0x3: {  	_ = 	snop  }
0x4: {  	_ = 	snop  }
0x5: {  	_ = 	snop  }
0x6: {  	_ = 	snop  }
0x7: {  	_ = 	snop  }
__scs_overlays_trampoline_lowered:
0x8: {  	[smem:$0x3F9D] =	sst s0  }
0x9: {  	[smem:$0x3F9E] =	sst s1  }
0xa: {  	[smem:$0x3F9F] =	sst s2  }
0xb: {  	[smem:$0x3FA0] =	sst s3  }
0xc: {  	[smem:$0x3FA1] =	sst s4  }
0xd: {  	[smem:$0x3FA2] =	sst s5  }
0xe: {  	[smem:$0x3FA3] =	sst s6  }
0xf: {  	[smem:$0x3FA4] =	sst s7  }
0x10: {  	[smem:$0x3FA5] =	sst s8  }
0x11: {  	[smem:$0x3FA6] =	sst s9;
	s0 =	simm.s32 @!p0 $0x0  }
0x12: {  	s1 =	sld [smem:$0x3F8C];
	s0 =	simm.s32 @p0 $0x1  }
0x13: {  	[smem:$0x3FA7] =	sst s0;
	s0 =	simm.s32 @!p1 $0x0  }
0x14: {  	s2 =	sld [smem:$0x3F8B];
	s0 =	simm.s32 @p1 $0x1  }
0x15: {  	[smem:$0x3FA8] =	sst s0;
	s0 =	simm.s32 @!p2 $0x0  }
0x16: {  	s3 =	sld [smem:$0x3FDB];
	s0 =	simm.s32 @p2 $0x1  }
0x17: {  	s4 =	simm.s32 $0x1BF5;
	[smem:$0x3FAA] =	sst s0  }
0x18: {  	s0 =	sld [smem:$0x3F8D];
	_ =	swait.ge [sflag:s4], $0x0  }
0x19: {  	s7 =	sld [smem:$0x3F8E]  }
0x1a: {  	s8 =	sadd.s32 $0xFFFFE003, lr  }
0x1b: {  	s9 =	sadd.s32 $0xFFFFFEF7, lr;
	s5 =	simm.s32 $0xFFFFFFFF;
	p2 =	slt.u32 s8, $0xFFFFF086  }
0x1c: {  	p1 =	slt.u32 s9, $0xF7A;
	s5 =	simm.s32 @!p2 $0x0  }
0x1d: {  	s5 =	simm.s32 @p1 $0x1;
	p0 =	seq.s32 s7, s2  }
0x1e: {  	s7 =	smul.u32 @!p0 $0xF7A, s2;
	p2 =	seq.s32 @!p0 s5, $0x0  }
0x1f: {  	s9 =	smul.u32 $0xF7A, s1;
	s8 =	simm.s32 @!p0 $0x1BF5;
	p2 =	por !p2, p0  }
0x20: {  	[sflag:s8] =	ssyncset.s32 @!p0 $0xFFFFF086;
	s6 =	sadd.s32 @!p0 s3, s7;
	s7 =	simm.s32 @!p0 $0x108  }
0x21: {  	s3 =	sadd.s32 s3, s9;
	s6 =	sadd.s32 @!p0 $0x88, s6;
	s7 =	simm.s32 @p2 $0x1082  }
0x22: {  	[simem:s7], [sflag:s8] =	dma.local @!p0 [hbm:s6], $0xF7A  }
0x23: {  	s9 =	sor.u32 $0xD0000000, s2;
	s6 =	simm.s32 $0x108;
	_ =	swait.ge @!p0 [sflag:s8], $0x0  }
0x24: {  	s3 =	sadd.s32 $0x88, s3;
	s6 =	simm.s32 @!p1 $0x1082;
	[sflag:s4] =	ssyncset.s32 $0xFFFFF086  }
0x25: {  	[simem:s6], [sflag:s4] =	dma.local [hbm:s3], $0xF7A  }
0x26: {  	[smem:$0x3F8E] =	sst s1;
	(tag) =	ssettag s2;
	_ =	strace s9  }
0x27: {  	s1 =	sld [smem:$0x3F9E]  }
0x28: {  	s2 =	sld [smem:$0x3F9F]  }
0x29: {  	s4 =	sld [smem:$0x3FA1]  }
0x2a: {  	p0 =	seq.s32 s5, $0x0;
	s5 =	sld [smem:$0x3FA2]  }
0x2b: {  	s6 =	sld [smem:$0x3FA3]  }
0x2c: {  	s7 =	sld [smem:$0x3FA4]  }
0x2d: {  	s3 =	simm.s32 $0x108;
	s8 =	sld [smem:$0x3FA5]  }
0x2e: {  	s3 =	simm.s32 @!p0 $0x1082;
	s9 =	sld [smem:$0x3FA6]  }
0x2f: {  	lr =	sadd.s32 s0, s3;
	s0 =	sld [smem:$0x3F9D]  }
0x30: {  	s3 =	sld [smem:$0x3FA0]  }
0x31: {  	[smem:$0x3FA9] =	sst s10  }
0x32: {  	s10 =	sld [smem:$0x3FA7];
	_ =	sdelay $0x3  }
0x33: {  	p0 =	seq.s32 s10, $0x1;
	s10 =	sld [smem:$0x3FA9];
	_ =	sdelay $0x3  }
0x34: {  	[smem:$0x3FA9] =	sst s10  }
0x35: {  	s10 =	sld [smem:$0x3FA8];
	_ =	sdelay $0x3  }
0x36: {  	p1 =	seq.s32 s10, $0x1;
	s10 =	sld [smem:$0x3FA9];
	_ =	sdelay $0x3  }
0x37: {  	[smem:$0x3FA9] =	sst s10  }
0x38: {  	s10 =	sld [smem:$0x3FAA]  }
0x39: {  	_ = 	snop;
	(pc) =	sbr.ind lr, $3  }
0x3a: {  	_ = 	snop  }
0x3b: {  	_ = 	snop  }
0x3c: {  	p2 =	seq.s32 s10, $0x1;
	s10 =	sld [smem:$0x3FA9]  }
0x3d: {  	_ =	shalt  }
0x3e: {  	_ =	shalt  }
0x3f: {  	_ =	shalt  }
0x40: {  	_ =	shalt  }
0x41: {  	_ =	shalt  }
0x42: {  	_ =	shalt  }
0x43: {  	_ =	shalt  }
0x44: {  	_ =	shalt  }
0x45: {  	_ =	shalt  }
0x46: {  	_ =	shalt  }
0x47: {  	_ =	shalt  }
0x48: {  	_ =	shalt  }
0x49: {  	_ =	shalt  }
0x4a: {  	_ =	shalt  }
0x4b: {  	_ =	shalt  }
0x4c: {  	_ =	shalt  }
0x4d: {  	_ =	shalt  }
0x4e: {  	_ =	shalt  }
0x4f: {  	_ =	shalt  }
0x50: {  	_ =	shalt  }
0x51: {  	_ =	shalt  }
0x52: {  	_ =	shalt  }
0x53: {  	_ =	shalt  }
0x54: {  	_ =	shalt  }
0x55: {  	_ =	shalt  }
0x56: {  	_ =	shalt  }
0x57: {  	_ =	shalt  }
0x58: {  	_ =	shalt  }
0x59: {  	_ =	shalt  }
0x5a: {  	_ =	shalt  }
0x5b: {  	_ =	shalt  }
0x5c: {  	_ =	shalt  }
0x5d: {  	_ =	shalt  }
0x5e: {  	_ =	shalt  }
0x5f: {  	_ =	shalt  }
0x60: {  	_ =	shalt  }
0x61: {  	_ =	shalt  }
0x62: {  	_ =	shalt  }
0x63: {  	_ =	shalt  }
0x64: {  	_ =	shalt  }
0x65: {  	_ =	shalt  }
0x66: {  	_ =	shalt  }
0x67: {  	_ =	shalt  }
0x68: {  	_ =	shalt  }
0x69: {  	_ =	shalt  }
0x6a: {  	_ =	shalt  }
0x6b: {  	_ =	shalt  }
0x6c: {  	_ =	shalt  }
0x6d: {  	_ =	shalt  }
0x6e: {  	_ =	shalt  }
0x6f: {  	_ =	shalt  }
0x70: {  	_ =	shalt  }
0x71: {  	_ =	shalt  }
0x72: {  	_ =	shalt  }
0x73: {  	_ =	shalt  }
0x74: {  	_ =	shalt  }
0x75: {  	_ =	shalt  }
0x76: {  	_ =	shalt  }
0x77: {  	_ =	shalt  }
0x78: {  	_ =	shalt  }
0x79: {  	_ =	shalt  }
0x7a: {  	_ =	shalt  }
0x7b: {  	_ =	shalt  }
0x7c: {  	_ =	shalt  }
0x7d: {  	_ =	shalt  }
0x7e: {  	_ =	shalt  }
0x7f: {  	_ =	shalt  }
0x80: {  	_ =	shalt  }
0x81: {  	_ =	shalt  }
0x82: {  	_ =	shalt  }
0x83: {  	_ =	shalt  }
0x84: {  	_ =	shalt  }
0x85: {  	_ =	shalt  }
0x86: {  	_ =	shalt  }
0x87: {  	_ =	shalt  }
.Lfunc_end0:
.L_simem_size_0:
called_computation.4_lowered:
.L_overlay_start_0:
0x88: {  	s2 =	sld [smem:$0x3FD9]  }
0x89: {  	s3 =	sld [smem:$0x3FFE];
	_ =	sdelay $0x1  }
0x8a: {  	s1 =	srdreg.scid  }
0x8b: {  	s0 =	sand.u32 $0x1, s1  }
0x8c: {  	s16 =	sshll.u32 s0, $0xA;
	s2 =	sadd.s32 s3, s2  }
0x8d: {  	s2 =	sadd.s32 s2, s16  }
0x8e: {  	[smem:$0x3FB5] =	sst s2  }
0x8f: {  	_ = 	snop  }
0x90: {  	(tm) =	ssettm $0x1  }
0x91: {  	s17 =	sld [smem:$0x3FFB];
	_ =	sdelay $0x3  }
0x92: {  	_ =	strace s17  }
0x93: {  	s2 =	sld [smem:$0x3FFC];
	_ =	sdelay $0x3  }
0x94: {  	_ =	strace s2  }
0x95: {  	s2 =	sld [smem:$0x3FFD];
	_ =	sdelay $0x3  }
0x96: {  	_ =	strace s2  }
0x97: {  	_ =	strace $0x8FFFFFFF  }
0x98: {  	s18 =	sld [smem:$0x3FDB];
	_ =	sdelay $0x1  }
0x99: {  	s19 =	simm.s32 $_scs_section_size  }
0x9a: {  	s4 =	simm.s32 $_size__tile_overlayer_lowered;
	s5 =	simm.s32 $_tile_overlayer_lowered  }
0x9b: {  	s22 =	simm.s32 $0x1BFF;
	s21 =	sshll.u32 s5, $0x1;
	s2 =	sadd.s32 s19, s18  }
0x9c: {  	s6 =	simm.s32 $0x0;
	s20 =	sshll.u32 s4, $0x1;
	s4 =	sadd.s32 s21, s2  }
0x9d: {  	[timem:s6], [sflag:s22] =	dma.local [hbm:s4], s20  }
0x9e: {  	_ =	swait.ge [sflag:s22], s20  }
0x9f: {  	s3 =	ssub.s32 $0x0, s20;
	[sflag:s22] =	ssyncset.done $0x0  }
0xa0: {  	[sflag:s22] =	ssyncadd.s32 s3;
	_ =	sdelay $0x1  }
0xa1: {  	s23 =	simm.s32 $0x1B8B  }
0xa2: {  	_ =	swait.ge [sflag:s23], $0x1  }
0xa3: {  	[sflag:s23] =	ssyncset.done $0x0  }
0xa4: {  	s25 =	simm.s32 $0x1B8E;
	s24 =	sld [smem:$0x3FFE];
	[sflag:s23] =	ssyncadd.s32 $0xFFFFFFFF  }
0xa5: {  	s26 =	simm.s32 $execute0_lowered;
	[smem:$0x3FD2] =	sst s25  }
0xa6: {  	s4 =	sshll.u32 s26, $0x1;
	_ =	strace $0x80000052;
	[dreg:$0x1] =	wrdreg $0xFFFFFFFF  }
0xa7: {  	s28 =	simm.s32 $_size_execute0_lowered;
	s2 =	sadd.s32 s2, s4;
	[dreg:$0x0] =	wrdreg $0x0  }
0xa8: {  	s4 =	sshll.u32 s28, $0x1;
	[dreg:$0x2] =	wrdreg s2  }
0xa9: {  	[dreg:$0x3] =	wrdreg s4  }
0xaa: {  	[dreg:$0x4] =	wrdreg $0xC0  }
0xab: {  	_ =	task [dreg:s6], $0x5FFFF  }
0xac: {  	[dreg:$0x1] =	wrdreg $0xFFFFFFFF  }
0xad: {  	[dreg:$0x0] =	wrdreg $0x60  }
0xae: {  	[dreg:$0x2] =	wrdreg s24  }
0xaf: {  	[dreg:$0x3] =	wrdreg $0x68000  }
0xb0: {  	[dreg:$0x4] =	wrdreg $0x9  }
0xb1: {  	_ =	task.clear_ibuf [dreg:s6], $0x5FFFF;
	_ =	strace $0x90000052  }
0xb2: {  	s29 =	simm.s32 $0x9;
	_ =	strace $0x80000054  }
0xb3: {  	_ =	swait.ge [sflag:s29], $0x1  }
0xb4: {  	[sflag:s29] =	ssyncadd.s32 $0xFFFFFFFF  }
0xb5: {  	_ =	strace $0x90000054  }
0xb6: {  	_ =	sfence  }
0xb7: {  	s30 =	sld [smem:$0x0];
	_ =	sdelay $0x2  }
0xb8: {  	s31 =	sshll.u32 s1, $0xD;
	s1 =	sshrl.u32 s1, $0x2  }
0xb9: {  	s3 =	sand.u32 $0x4000, s31;
	s1 =	sadd.s32 s1, s30  }
0xba: {  	s0 =	sor.u32 s3, s0;
	s1 =	sshll.u32 s1, $0x11  }
0xbb: {  	s0 =	sor.u32 s1, s0  }
0xbc: {  	s0 =	sadd.s32 $0x8F2B, s0  }
0xbd: {  	[sflag:s0] =	ssyncadd.remote.s32 $0x1  }
0xbe: {  	_ =	sfence.sel $0xFFFF  }
0xbf: {  	[dreg:$0x0] =	wrdreg $0xFFFFFFFF;
	(pc) =	sbr.abs _section_cstart, $3  }
0xc0: {  	[dreg:$0x1] =	wrdreg $0xFFFFFFFF  }
0xc1: {  	_ =	task.clear_ibuf [dreg:s6], $0x2FFFF;
	_ =	strace $0x9FFFFFFF  }
0xc2: {  	(tm) =	ssettm $0x7FFFFFFF  }
0xc3: {  	_ =	shalt  }
tec
execute0_lowered:
.L_overlay_start_1:
0x0: {  	(tag) =	ssettag $0x1  }
0x1: {  	s24 =	rddreg [dreg:$0x0]  }
0x2: {  	s1 =	rddreg [dreg:$0x1]  }
0x3: {  	s0 =	rddreg [dreg:$0x2]  }
0x4: {  	s2 =	simm.s32 $0x0;
	s5 =	srdreg.scid;
	s26 =	stileid.u32  }
0x5: {  	[smem:$0x7FF] =	sst s2;
	s3 =	sadd.s32 $0xF200, s24;
	s4 =	sadd.s32 $0x10200, s24  }
0x6: {  	s25 =	sand.u32 $0x1, s5;
	s5 =	simm.s32 $0x1;
	_ =	strace $0x80000053  }
0x7: {  	[tilespmem:s2], [sflag:$0x1] =	stream.linear.gather [hbm4b:s3+s2], $0x3E80, $0x38;
	[tilespmem:$0x6C00] =	vst v63  }
0x8: {  	p0 =	sne.s32 s26, $0x0;
	s6 =	sshll.u32 s25, $0x4;
	_ =	swait.ge [sflag:s5], $0x3E80  }
0x9: {  	s7 =	simm.s32 @!p0 $0x1C01;
	s8 =	simm.s32 @!p0 $0x1;
	[sflag:s5] =	ssyncset.done $0x0  }
0xa: {  	s17 =	sor.u32 s26, s6;
	s6 =	sshrl.u32 @!p0 s1, $0x3;
	[sflag:s5] =	ssyncadd.s32 $0xFFFFC180  }
0xb: {  	[spmem:s6], [sflag:s7] =	dma.local @!p0 [hbm:s4], $0x800  }
0xc: {  	_ =	swait.ge @!p0 [sflag:s8], $0x800  }
0xd: {  	s9 =	smul.u32 $0x500, s17;
	[sflag:s8] =	ssyncset.done @!p0 $0x0  }
0xe: {  	s10 =	simm.s32 $0x4000;
	s18 =	sadd.s32 $0x12A00, s24;
	[sflag:s8] =	ssyncadd.s32 @!p0 $0xFFFFF800  }
0xf: {  	s11 =	simm.s32 $0x2;
	s9 =	sadd.s32 s18, s9;
	[bflag:$0x0] =	sbarrier.arrive $0xFFFF  }
0x10: {  	[tilespmem:s10], [sflag:$0x2] =	stream.linear.gather [hbm4b:s9+s2], $0x2800, $0x38;
	[tilespmem:$0x6C00] =	vst v63  }
0x11: {  	_ =	swait.ge [sflag:s11], $0x2800  }
0x12: {  	s13 =	simm.s32 $0x50;
	[sflag:s11] =	ssyncset.done $0x0  }
0x13: {  	s12 =	sshll.u32 s17, $0x7;
	s15 =	sor.u32 $0x20, s17;
	[sflag:s11] =	ssyncadd.s32 $0xFFFFD800  }
0x14: {  	[spmem:s1] =	stream.indirect.scatter.add.f32 [tilespmem:s10], [sflag:$0x1], $0x80, s12, s13, $0xb8;
	[tilespmem:$0x6C00] =	vst v63  }
0x15: {  	s14 =	smul.u32 $0x500, s15;
	_ =	swait.ge [sflag:s5], $0x2800  }
0x16: {  	[sflag:s5] =	ssyncset.done $0x0  }
0x17: {  	s14 =	sadd.s32 s18, s14;
	[sflag:s5] =	ssyncadd.s32 $0xFFFFD800  }
0x18: {  	[tilespmem:s10], [sflag:$0x2] =	stream.linear.gather [hbm4b:s14+s2], $0x2800, $0x38;
	[tilespmem:$0x6C00] =	vst v63  }
0x19: {  	_ =	swait.ge [sflag:s11], $0x2800  }
0x1a: {  	[sflag:s11] =	ssyncset.done $0x0  }
0x1b: {  	s19 =	sor.u32 $0x40, s17;
	s15 =	sshll.u32 s15, $0x7;
	[sflag:s11] =	ssyncadd.s32 $0xFFFFD800  }
0x1c: {  	[spmem:s1] =	stream.indirect.scatter.add.f32 [tilespmem:s10], [sflag:$0x1], $0x80, s15, s13, $0xb8;
	[tilespmem:$0x6C00] =	vst v63  }
0x1d: {  	s16 =	smul.u32 $0x500, s19;
	_ =	swait.ge [sflag:s5], $0x2800  }
0x1e: {  	s28 =	sshll.u32 s26, $0x7;
	s29 =	ssub.s32 $0x2, s25;
	[sflag:s5] =	ssyncset.done $0x0  }
0x1f: {  	s24 =	sadd.s32 s28, s24;
	s16 =	sadd.s32 s18, s16;
	[sflag:s5] =	ssyncadd.s32 $0xFFFFD800  }
0x20: {  	[tilespmem:s10], [sflag:$0x2] =	stream.linear.gather [hbm4b:s16+s2], $0x2800, $0x38;
	[tilespmem:$0x6C00] =	vst v63  }
0x21: {  	s25 =	sshll.u32 s25, $0xB;
	s28 =	sshrl.u32 s29, $0x1;
	_ =	swait.ge [sflag:s11], $0x2800  }
0x22: {  	s25 =	sadd.s32 s25, s24;
	s22 =	sor.u32 $0x60, s17;
	[sflag:s11] =	ssyncset.done $0x0  }
0x23: {  	s28 =	ssub.s32 s29, s28;
	s17 =	sshll.u32 s19, $0x7;
	[sflag:s11] =	ssyncadd.s32 $0xFFFFD800  }
0x24: {  	[spmem:s1] =	stream.indirect.scatter.add.f32 [tilespmem:s10], [sflag:$0x1], $0x80, s17, s13, $0xb8;
	[tilespmem:$0x6C00] =	vst v63  }
0x25: {  	s31 =	smul.u32 $0x500, s22;
	p1 =	sgt.u32 s22, $0x7C;
	_ =	swait.ge [sflag:s5], $0x2800  }
0x26: {  	s19 =	simm.s32 @!p1 $0x2;
	s20 =	simm.s32 @!p1 $0x0;
	[sflag:s5] =	ssyncset.done $0x0  }
0x27: {  	s21 =	simm.s32 @!p1 $0x4000;
	s18 =	sadd.s32 s18, s31;
	[sflag:s5] =	ssyncadd.s32 $0xFFFFD800  }
0x28: {  	[tilespmem:s21], [sflag:$0x2] =	stream.linear.gather @!p1 [hbm4b:s18+s20], $0x2800, $0x38;
	[tilespmem:$0x6C00] =	vst v63  }
0x29: {  	s29 =	sshll.u32 s26, $0xA;
	s22 =	sshll.u32 s22, $0x7;
	_ =	swait.ge @!p1 [sflag:s19], $0x2800  }
0x2a: {  	s29 =	sadd.s32 s29, s1;
	s30 =	smax.u32 s28, $0x1;
	[sflag:s19] =	ssyncset.done @!p1 $0x0  }
0x2b: {  	s23 =	simm.s32 @!p1 $0x50;
	s24 =	simm.s32 @!p1 $0x1;
	[sflag:s19] =	ssyncadd.s32 @!p1 $0xFFFFD800  }
0x2c: {  	[spmem:s1] =	stream.indirect.scatter.add.f32 @!p1 [tilespmem:s21], [sflag:$0x1], $0x80, s22, s23, $0xb8;
	[tilespmem:$0x6C00] =	vst v63  }
0x2d: {  	s28 =	sshrl.u32 s29, $0x3;
	s29 =	sadd.s32 $0xFFFFFFFF, s30;
	_ =	swait.ge @!p1 [sflag:s24], $0x2800  }
0x2e: {  	p2 =	sne.s32 s29, $0x0;
	[sflag:s24] =	ssyncset.done @!p1 $0x0  }
.Ltmp0:
0x2f: {  	s26 =	sshll.u32 s26, $0x6;
	[sflag:s24] =	ssyncadd.s32 @!p1 $0xFFFFD800;
	(pc) =	sbr.rel @!p2 .LBB2_2-.Ltmp0, $4  }
0x30: {  	s25 =	sadd.s32 $0x5200, s25;
	s26 =	sor.u32 $0x1C01, s26;
	[bflag:$0x0] =	sbarrier.arrive $0xFFFF  }
0x31: {  	[hbm:s25], [sflag:s26] =	dma.local [spmem:s28], $0x80  }
0x32: {  	_ =	swait.ge [sflag:s5], $0x80  }
0x33: {  	[sflag:s5] =	ssyncset.done $0x0  }
.LBB2_1:
0x34: {  	s29 =	sadd.s32 $0xFFFFFFFF, s29;
	[sflag:s5] =	ssyncadd.s32 $0xFFFFFF80  }
0x35: {  	[tilespmem:s2], [sflag:$0x1] =	stream.linear.gather [hbm4b:s3+s2], $0x3E80, $0x38;
	[tilespmem:$0x6C00] =	vst v63  }
0x36: {  	p2 =	sne.s32 s29, $0x0;
	_ =	swait.ge [sflag:s5], $0x3E80  }
0x37: {  	[sflag:s5] =	ssyncset.done $0x0  }
0x38: {  	[sflag:s5] =	ssyncadd.s32 $0xFFFFC180  }
0x39: {  	[spmem:s6], [sflag:s7] =	dma.local @!p0 [hbm:s4], $0x800  }
0x3a: {  	_ =	swait.ge @!p0 [sflag:s8], $0x800  }
0x3b: {  	[sflag:s8] =	ssyncset.done @!p0 $0x0  }
0x3c: {  	[sflag:s8] =	ssyncadd.s32 @!p0 $0xFFFFF800  }
0x3d: {  	[bflag:$0x0] =	sbarrier.arrive $0xFFFF  }
0x3e: {  	[tilespmem:s10], [sflag:$0x2] =	stream.linear.gather [hbm4b:s9+s2], $0x2800, $0x38;
	[tilespmem:$0x6C00] =	vst v63  }
0x3f: {  	_ =	swait.ge [sflag:s11], $0x2800  }
0x40: {  	[sflag:s11] =	ssyncset.done $0x0  }
0x41: {  	[sflag:s11] =	ssyncadd.s32 $0xFFFFD800  }
0x42: {  	[spmem:s1] =	stream.indirect.scatter.add.f32 [tilespmem:s10], [sflag:$0x1], $0x80, s12, s13, $0xb8;
	[tilespmem:$0x6C00] =	vst v63  }
0x43: {  	_ =	swait.ge [sflag:s5], $0x2800  }
0x44: {  	[sflag:s5] =	ssyncset.done $0x0  }
0x45: {  	[sflag:s5] =	ssyncadd.s32 $0xFFFFD800  }
0x46: {  	[tilespmem:s10], [sflag:$0x2] =	stream.linear.gather [hbm4b:s14+s2], $0x2800, $0x38;
	[tilespmem:$0x6C00] =	vst v63  }
0x47: {  	_ =	swait.ge [sflag:s11], $0x2800  }
0x48: {  	[sflag:s11] =	ssyncset.done $0x0  }
0x49: {  	[sflag:s11] =	ssyncadd.s32 $0xFFFFD800  }
0x4a: {  	[spmem:s1] =	stream.indirect.scatter.add.f32 [tilespmem:s10], [sflag:$0x1], $0x80, s15, s13, $0xb8;
	[tilespmem:$0x6C00] =	vst v63  }
0x4b: {  	_ =	swait.ge [sflag:s5], $0x2800  }
0x4c: {  	[sflag:s5] =	ssyncset.done $0x0  }
0x4d: {  	[sflag:s5] =	ssyncadd.s32 $0xFFFFD800  }
0x4e: {  	[tilespmem:s10], [sflag:$0x2] =	stream.linear.gather [hbm4b:s16+s2], $0x2800, $0x38;
	[tilespmem:$0x6C00] =	vst v63  }
0x4f: {  	_ =	swait.ge [sflag:s11], $0x2800  }
0x50: {  	[sflag:s11] =	ssyncset.done $0x0  }
0x51: {  	[sflag:s11] =	ssyncadd.s32 $0xFFFFD800  }
0x52: {  	[spmem:s1] =	stream.indirect.scatter.add.f32 [tilespmem:s10], [sflag:$0x1], $0x80, s17, s13, $0xb8;
	[tilespmem:$0x6C00] =	vst v63  }
0x53: {  	_ =	swait.ge [sflag:s5], $0x2800  }
0x54: {  	[sflag:s5] =	ssyncset.done $0x0  }
0x55: {  	[sflag:s5] =	ssyncadd.s32 $0xFFFFD800  }
0x56: {  	[tilespmem:s21], [sflag:$0x2] =	stream.linear.gather @!p1 [hbm4b:s18+s20], $0x2800, $0x38;
	[tilespmem:$0x6C00] =	vst v63  }
0x57: {  	_ =	swait.ge @!p1 [sflag:s19], $0x2800  }
0x58: {  	[sflag:s19] =	ssyncset.done @!p1 $0x0  }
0x59: {  	[sflag:s19] =	ssyncadd.s32 @!p1 $0xFFFFD800  }
0x5a: {  	[spmem:s1] =	stream.indirect.scatter.add.f32 @!p1 [tilespmem:s21], [sflag:$0x1], $0x80, s22, s23, $0xb8;
	[tilespmem:$0x6C00] =	vst v63  }
0x5b: {  	_ =	swait.ge @!p1 [sflag:s24], $0x2800  }
0x5c: {  	[sflag:s24] =	ssyncset.done @!p1 $0x0  }
.Ltmp1:
0x5d: {  	[sflag:s24] =	ssyncadd.s32 @!p1 $0xFFFFD800;
	(pc) =	sbr.rel @p2 .LBB2_1-.Ltmp1, $4  }
0x5e: {  	[bflag:$0x0] =	sbarrier.arrive $0xFFFF  }
0x5f: {  	[hbm:s25], [sflag:s26] =	dma.local [spmem:s28], $0x80  }
0x60: {  	_ =	swait.ge [sflag:s5], $0x80  }
0x61: {  	[sflag:s5] =	ssyncset.done $0x0  }
.LBB2_2:
0x62: {  	[sflag:s5] =	ssyncadd.s32 $0xFFFFFF80  }
0x63: {  	_ =	sfence.sel $0x180000  }
0x64: {  	[bflag:$0x0] =	sbarrier.arrive $0xFFFF  }
0x65: {  	_ =	strace $0x90000053  }
0x66: {  	s0 =	sadd.s32 @!p0 $0x100000, s0;
	[bflag:$0x2] =	sbarrier.arrive $0xFFFF  }
0x67: {  	[sflag:s0] =	ssyncadd.tile.s32 @!p0 $0x1;
	_ =	shalt  }
.Lfunc_end2:
_tile_overlayer_lowered:
.L_overlay_start_2:
0x68: {  	(tag) =	ssettag $0x2  }
0x69: {  	s0 =	rddreg [dreg:$0x0];
	s2 =	stileid.u32  }
0x6a: {  	s1 =	rddreg [dreg:$0x1];
	p0 =	sne.s32 s2, $0x0  }
0x6b: {  	s3 =	rddreg [dreg:$0x2];
	[bflag:$0x3] =	sbarrier.arrive $0xFFFF;
	s2 =	simm.s32 @!p0 $0x1C01  }
0x6c: {  	[timem:s3], [sflag:s2] =	dma.local @!p0 [hbm:s0], s1  }
0x6d: {  	s0 =	simm.s32 @!p0 $0x1  }
0x6e: {  	_ =	swait.ge @!p0 [sflag:s0], s1  }
0x6f: {  	s1 =	ssub.s32 @!p0 $0x0, s1;
	[sflag:s0] =	ssyncset.done @!p0 $0x0  }
0x70: {  	[sflag:s0] =	ssyncadd.s32 @!p0 s1  }
0x71: {  	[bflag:$0x3] =	sbarrier.arrive $0xFFFF  }
0x72: {  	_ =	shalt  }

</sc_bundles>
